<compile_context>
chip_gen: v7x
topology: tpu7x:2x2x1
jax: 0.10.2.dev20260603
libtpu: 0.0.44.dev20260713+nightly
codegen_flags: <defaults>
</compile_context>

<pallas_src>
import functools

import jax
import jax.numpy as jnp
from jax import lax
from jax.experimental import pallas as pl
from jax.experimental.pallas import tpu as pltpu
from jax.experimental.pallas import tpu_sc as plsc

N = 320000
C = 128
G = 10000
NC = 2
NS = 16
NW = NC * NS
RPW = N // NW
CH = 80
NCH = RPW // CH
NSEG_CH = G // CH
SEG_ROUNDS = -(-NSEG_CH // NS)
SEG_ROUNDS_W = -(-NSEG_CH // NW)
L = 16

_mesh = plsc.VectorSubcoreMesh(
    core_axis_name="c", subcore_axis_name="s", num_cores=NC, num_subcores=NS)


def _fill_const(buf, val):
    def _fill(i, _):
        for v in range(C // L):
            buf[i, pl.ds(v * L, L)] = jnp.full((L,), val, jnp.float32)
        return _
    lax.fori_loop(0, CH, _fill, None)


NB = 3
NBS = 3


def _make_scatter_kernel(ones_mode):

    scratch = [
        pltpu.VMEM_SHARED((G, C), jnp.float32),
        pltpu.VMEM((NCH, CH), jnp.int32),
        pltpu.VMEM((CH, C), jnp.float32),
    ]
    if ones_mode:
        scratch += [pltpu.SemaphoreType.DMA]
    else:
        scratch += [pltpu.VMEM((CH, C), jnp.float32)
                    for _ in range(NBS - 1)]
        scratch += [pltpu.SemaphoreType.DMA for _ in range(NBS)]

    @functools.partial(
        pl.kernel,
        out_type=jax.ShapeDtypeStruct((NC, G, C), jnp.float32),
        mesh=_mesh,
        scratch_types=scratch,
    )
    def _scatter_kernel(feat_hbm, ids_hbm, acc_hbm, acc_sh, ids_v, fb, *ring):
        c = lax.axis_index("c")
        s = lax.axis_index("s")
        w = s * NC + c

        _fill_const(fb, 0.0)

        def _zero(k, _):
            ci = s + k * NS

            @pl.when(ci < NSEG_CH)
            def _():
                pltpu.sync_copy(fb, acc_sh.at[pl.ds(ci * CH, CH)])
            return _
        lax.fori_loop(0, SEG_ROUNDS, _zero, None)
        plsc.subcore_barrier()

        pltpu.sync_copy(ids_hbm.at[w], ids_v)

        if ones_mode:
            _fill_const(fb, 1.0)
            sem = ring[0]

            def _issue(j, _):
                pltpu.async_copy(fb, acc_sh.at[ids_v.at[j]], sem, add=True)
                return _
            lax.fori_loop(0, NCH, _issue, None)

            def _drain(j, _):
                pltpu.make_async_copy(
                    feat_hbm.at[pl.ds(0, CH)], fb, sem).wait()
                return _
            lax.fori_loop(0, NCH, _drain, None)
        else:
            bufs = (fb,) + ring[:NBS - 1]
            sems = ring[NBS - 1:]
            base = w * RPW
            nfull = NCH // NBS
            ntail = NCH % NBS
            for b in range(NBS):
                pltpu.async_copy(
                    feat_hbm.at[pl.ds(base + b * CH, CH)], bufs[b], sems[b])

            def _accum(k, _):
                for b in range(NBS):
                    j = k * NBS + b
                    pltpu.make_async_copy(
                        feat_hbm.at[pl.ds(0, CH)], bufs[b], sems[b]).wait()
                    pltpu.sync_copy(bufs[b], acc_sh.at[ids_v.at[j]], add=True)

                    @pl.when(j + NBS < NCH)
                    def _():
                        pltpu.async_copy(
                            feat_hbm.at[pl.ds(base + (j + NBS) * CH, CH)],
                            bufs[b], sems[b])
                return _
            lax.fori_loop(0, nfull, _accum, None)

            for t in range(ntail):
                pltpu.make_async_copy(
                    feat_hbm.at[pl.ds(0, CH)], bufs[t], sems[t]).wait()
                pltpu.sync_copy(
                    bufs[t], acc_sh.at[ids_v.at[NCH - ntail + t]], add=True)
        plsc.subcore_barrier()

        def _dump(k, _):
            ci = s + k * NS

            @pl.when(ci < NSEG_CH)
            def _():
                pltpu.sync_copy(acc_sh.at[pl.ds(ci * CH, CH)],
                                acc_hbm.at[c, pl.ds(ci * CH, CH)])
            return _
        lax.fori_loop(0, SEG_ROUNDS, _dump, None)

    return _scatter_kernel


_sum_partials_kernel = _make_scatter_kernel(ones_mode=False)
_count_partials_kernel = _make_scatter_kernel(ones_mode=True)


@functools.partial(
    pl.kernel,
    out_type=jax.ShapeDtypeStruct((G, C), jnp.float32),
    mesh=_mesh,
    scratch_types=[
        pltpu.VMEM((CH, C), jnp.float32),
        pltpu.VMEM((CH, C), jnp.float32),
        pltpu.VMEM((CH, C), jnp.float32),
        pltpu.VMEM((CH, C), jnp.float32),
        pltpu.VMEM((CH, C), jnp.float32),
        pltpu.SemaphoreType.DMA,
    ],
)
def _means_kernel(ps_hbm, pc_hbm, mean_hbm, b0, b1, c0, c1, mb, sem):
    c = lax.axis_index("c")
    s = lax.axis_index("s")
    w = s * NC + c

    def _combine(k, _):
        ci = w + k * NW

        @pl.when(ci < NSEG_CH)
        def _():
            segbase = ci * CH
            pltpu.async_copy(ps_hbm.at[0, pl.ds(segbase, CH)], b0, sem)
            pltpu.async_copy(ps_hbm.at[1, pl.ds(segbase, CH)], b1, sem)
            pltpu.async_copy(pc_hbm.at[0, pl.ds(segbase, CH)], c0, sem)
            pltpu.async_copy(pc_hbm.at[1, pl.ds(segbase, CH)], c1, sem)
            for buf in (b0, b1, c0, c1):
                pltpu.make_async_copy(
                    ps_hbm.at[0, pl.ds(0, CH)], buf, sem).wait()

            def _row(r, _2):
                for v in range(C // L):
                    sl = pl.ds(v * L, L)
                    cnt = jnp.maximum(c0[r, sl] + c1[r, sl], 1.0)
                    mb[r, sl] = (b0[r, sl] + b1[r, sl]) / cnt
                return _2
            lax.fori_loop(0, CH, _row, None)
            pltpu.sync_copy(mb, mean_hbm.at[pl.ds(segbase, CH)])
        return _
    lax.fori_loop(0, SEG_ROUNDS_W, _combine, None)


@functools.partial(
    pl.kernel,
    out_type=jax.ShapeDtypeStruct((N, C), jnp.float32),
    mesh=_mesh,
    scratch_types=[
        pltpu.VMEM_SHARED((G, C), jnp.float32),
        pltpu.VMEM((NCH, CH), jnp.int32),
    ] + [pltpu.VMEM((CH, C), jnp.float32) for _ in range(NB)]
      + [pltpu.SemaphoreType.DMA for _ in range(NB)],
)
def _gather_kernel(mean_hbm, ids_hbm, out_hbm, means_sh, ids_v, *ring):
    c = lax.axis_index("c")
    s = lax.axis_index("s")
    w = s * NC + c

    def _stage(k, _):
        ci = s + k * NS

        @pl.when(ci < NSEG_CH)
        def _():
            pltpu.sync_copy(mean_hbm.at[pl.ds(ci * CH, CH)],
                            means_sh.at[pl.ds(ci * CH, CH)])
        return _
    lax.fori_loop(0, SEG_ROUNDS, _stage, None)
    plsc.subcore_barrier()

    pltpu.sync_copy(ids_hbm.at[w], ids_v)
    bufs, sems = ring[:NB], ring[NB:]
    base = w * RPW
    nfull = NCH // NB
    ntail = NCH % NB

    for b in range(NB):
        pltpu.sync_copy(means_sh.at[ids_v.at[b]], bufs[b])
        pltpu.async_copy(bufs[b], out_hbm.at[pl.ds(base + b * CH, CH)],
                         sems[b])

    def _gather(k, _):
        for b in range(NB):
            j = k * NB + b
            pltpu.make_async_copy(
                mean_hbm.at[pl.ds(0, CH)], bufs[b], sems[b]).wait()
            pltpu.sync_copy(means_sh.at[ids_v.at[j]], bufs[b])
            pltpu.async_copy(bufs[b], out_hbm.at[pl.ds(base + j * CH, CH)],
                             sems[b])
        return _
    lax.fori_loop(1, nfull, _gather, None)

    for t in range(ntail):
        j = nfull * NB + t
        pltpu.make_async_copy(
            mean_hbm.at[pl.ds(0, CH)], bufs[t], sems[t]).wait()
        pltpu.sync_copy(means_sh.at[ids_v.at[j]], bufs[t])
        pltpu.sync_copy(bufs[t], out_hbm.at[pl.ds(base + j * CH, CH)])
    for t in range(ntail, NB):
        pltpu.make_async_copy(
            mean_hbm.at[pl.ds(0, CH)], bufs[t], sems[t]).wait()


def kernel(ref_bxyz, ref_feat, group_ids):
    del ref_bxyz
    ids3 = group_ids.reshape(NW, NCH, CH)
    ps = _sum_partials_kernel(ref_feat, ids3)
    pc = _count_partials_kernel(ref_feat, ids3)
    means = _means_kernel(ps, pc)
    return _gather_kernel(means, ids3)

# --- scband reference (transcript-rebuilt; emitter-appended) ---
"""Pipeline reference for scband-mean-fusion-67997922230620 (READ-ONLY COPY).

The authoritative reference and input builder live on the scoring server;
editing this copy changes nothing except your own understanding.
"""

import jax, jax.numpy as jnp
import numpy as np

N = 320000
C = 128
NUM_NODES = 10000

def setup_inputs(seed: int = 0) -> dict:
    key = jax.random.key(seed)
    k1, k2, k3 = jax.random.split(key, 3)
    ref_bxyz = jax.random.normal(k1, (N, 4), dtype=jnp.float32)
    ref_feat = jax.random.normal(k2, (N, C), dtype=jnp.float32)
    group_ids = jnp.sort(jax.random.randint(k3, (N,), 0, NUM_NODES, dtype=jnp.int32))
    return {"ref_bxyz": ref_bxyz, "ref_feat": ref_feat, "group_ids": group_ids}

def reference(ref_bxyz, ref_feat, group_ids):
    # num_segments must be static under jit; group_ids is drawn in [0, NUM_NODES),
    # so NUM_NODES is a static upper bound. Unused trailing segments have zero
    # counts/sums and are never gathered by group_ids, leaving outputs identical.
    num_groups = NUM_NODES
    # scatter(..., reduce='mean') == segment_sum / segment_count
    sums = jax.ops.segment_sum(ref_feat, group_ids, num_segments=num_groups)
    counts = jax.ops.segment_sum(jnp.ones((ref_feat.shape[0],), dtype=ref_feat.dtype), group_ids, num_segments=num_groups)
    group_feat_mean = sums / jnp.clip(counts, 1.0, None)[:, None]
    # gather mean back to each point: group_feat_mean[group_ids]
    return jnp.take(group_feat_mean, group_ids, axis=0)

if __name__ == "__main__":
    import jax
    _d = setup_inputs()
    print(jax.jit(kernel)(*tuple(_d.values())))

</pallas_src>

<mosaic_0001>
#map = affine_map<(d0, d1) -> (0, 0)>
#map1 = affine_map<(d0, d1) -> (0, 0, 0)>
module attributes {stable_mosaic.version = 14 : i64} {
  func.func @_scatter_kernel(%arg0: i32, %arg1: i32, %arg2: memref<320000x128xf32, #tpu.memory_space<hbm>>, %arg3: memref<32x125x80xi32, #tpu.memory_space<hbm>>, %arg4: memref<2x10000x128xf32, #tpu.memory_space<hbm>>, %arg5: memref<10000x128xf32, #tpu.memory_space<vmem_shared>>, %arg6: memref<125x80xi32, #tpu.memory_space<vmem>>, %arg7: memref<80x128xf32, #tpu.memory_space<vmem>>, %arg8: memref<!tpu.dma_semaphore, #tpu.memory_space<semaphore_mem>>) attributes {dimension_semantics = [#tpu.dimension_semantics<core_parallel>, #tpu.dimension_semantics<subcore_parallel>], iteration_bounds = array<i64: 2, 16>, scalar_prefetch = 0 : i64, scratch_operands = 4 : i64, tpu.core_type = #tpu.core_type<sc_vector_subcore>, window_params = [{transform_indices = #map}, {transform_indices = #map1}, {transform_indices = #map1}]} {
    %mul3A = arith.constant 2 : i32
    %mul3A_0 = arith.muli %arg1, %mul3A : i32
    %add3A = arith.addi %mul3A_0, %arg0 : i32
    %scan3A = arith.constant 0 : i32
    %scan3A_1 = arith.constant 80 : i32
    %scan3A_2 = arith.addi %scan3A, %scan3A_1 : i32
    %scan3A_3 = arith.constant 1 : i32
    scf.for %scan3A_31 = %scan3A to %scan3A_2 step %scan3A_3  : i32 {
      %broadcast_in_dim3A = arith.constant 0.000000e+00 : f32
      %broadcast_in_dim3A_32 = vector.broadcast %broadcast_in_dim3A : f32 to vector<16xf32>
      %swap3A = arith.index_cast %scan3A_31 : i32 to index
      %swap3A_33 = arith.constant 0 : index
      %swap3A_34 = tpu.vector_load %arg7[%swap3A, %swap3A_33] {strides = array<i32>} : memref<80x128xf32, #tpu.memory_space<vmem>>, vector<1x16xf32>,
      %swap3A_35 = vector.shape_cast %swap3A_34 : vector<1x16xf32> to vector<16xf32>
      %swap3A_36 = vector.shape_cast %broadcast_in_dim3A_32 : vector<16xf32> to vector<1x16xf32>
      tpu.vector_store %arg7[%swap3A, %swap3A_33], %swap3A_36 {strides = array<i32>} : memref<80x128xf32, #tpu.memory_space<vmem>>, vector<1x16xf32>,
      %broadcast_in_dim3A_37 = arith.constant 0.000000e+00 : f32
      %broadcast_in_dim3A_38 = vector.broadcast %broadcast_in_dim3A_37 : f32 to vector<16xf32>
      %swap3A_39 = arith.index_cast %scan3A_31 : i32 to index
      %swap3A_40 = arith.constant 16 : index
      %swap3A_41 = tpu.vector_load %arg7[%swap3A_39, %swap3A_40] {strides = array<i32>} : memref<80x128xf32, #tpu.memory_space<vmem>>, vector<1x16xf32>,
      %swap3A_42 = vector.shape_cast %swap3A_41 : vector<1x16xf32> to vector<16xf32>
      %swap3A_43 = vector.shape_cast %broadcast_in_dim3A_38 : vector<16xf32> to vector<1x16xf32>
      tpu.vector_store %arg7[%swap3A_39, %swap3A_40], %swap3A_43 {strides = array<i32>} : memref<80x128xf32, #tpu.memory_space<vmem>>, vector<1x16xf32>,
      %broadcast_in_dim3A_44 = arith.constant 0.000000e+00 : f32
      %broadcast_in_dim3A_45 = vector.broadcast %broadcast_in_dim3A_44 : f32 to vector<16xf32>
      %swap3A_46 = arith.index_cast %scan3A_31 : i32 to index
      %swap3A_47 = arith.constant 32 : index
      %swap3A_48 = tpu.vector_load %arg7[%swap3A_46, %swap3A_47] {strides = array<i32>} : memref<80x128xf32, #tpu.memory_space<vmem>>, vector<1x16xf32>,
      %swap3A_49 = vector.shape_cast %swap3A_48 : vector<1x16xf32> to vector<16xf32>
      %swap3A_50 = vector.shape_cast %broadcast_in_dim3A_45 : vector<16xf32> to vector<1x16xf32>
      tpu.vector_store %arg7[%swap3A_46, %swap3A_47], %swap3A_50 {strides = array<i32>} : memref<80x128xf32, #tpu.memory_space<vmem>>, vector<1x16xf32>,
      %broadcast_in_dim3A_51 = arith.constant 0.000000e+00 : f32
      %broadcast_in_dim3A_52 = vector.broadcast %broadcast_in_dim3A_51 : f32 to vector<16xf32>
      %swap3A_53 = arith.index_cast %scan3A_31 : i32 to index
      %swap3A_54 = arith.constant 48 : index
      %swap3A_55 = tpu.vector_load %arg7[%swap3A_53, %swap3A_54] {strides = array<i32>} : memref<80x128xf32, #tpu.memory_space<vmem>>, vector<1x16xf32>,
      %swap3A_56 = vector.shape_cast %swap3A_55 : vector<1x16xf32> to vector<16xf32>
      %swap3A_57 = vector.shape_cast %broadcast_in_dim3A_52 : vector<16xf32> to vector<1x16xf32>
      tpu.vector_store %arg7[%swap3A_53, %swap3A_54], %swap3A_57 {strides = array<i32>} : memref<80x128xf32, #tpu.memory_space<vmem>>, vector<1x16xf32>,
      %broadcast_in_dim3A_58 = arith.constant 0.000000e+00 : f32
      %broadcast_in_dim3A_59 = vector.broadcast %broadcast_in_dim3A_58 : f32 to vector<16xf32>
      %swap3A_60 = arith.index_cast %scan3A_31 : i32 to index
      %swap3A_61 = arith.constant 64 : index
      %swap3A_62 = tpu.vector_load %arg7[%swap3A_60, %swap3A_61] {strides = array<i32>} : memref<80x128xf32, #tpu.memory_space<vmem>>, vector<1x16xf32>,
      %swap3A_63 = vector.shape_cast %swap3A_62 : vector<1x16xf32> to vector<16xf32>
      %swap3A_64 = vector.shape_cast %broadcast_in_dim3A_59 : vector<16xf32> to vector<1x16xf32>
      tpu.vector_store %arg7[%swap3A_60, %swap3A_61], %swap3A_64 {strides = array<i32>} : memref<80x128xf32, #tpu.memory_space<vmem>>, vector<1x16xf32>,
      %broadcast_in_dim3A_65 = arith.constant 0.000000e+00 : f32
      %broadcast_in_dim3A_66 = vector.broadcast %broadcast_in_dim3A_65 : f32 to vector<16xf32>
      %swap3A_67 = arith.index_cast %scan3A_31 : i32 to index
      %swap3A_68 = arith.constant 80 : index
      %swap3A_69 = tpu.vector_load %arg7[%swap3A_67, %swap3A_68] {strides = array<i32>} : memref<80x128xf32, #tpu.memory_space<vmem>>, vector<1x16xf32>,
      %swap3A_70 = vector.shape_cast %swap3A_69 : vector<1x16xf32> to vector<16xf32>
      %swap3A_71 = vector.shape_cast %broadcast_in_dim3A_66 : vector<16xf32> to vector<1x16xf32>
      tpu.vector_store %arg7[%swap3A_67, %swap3A_68], %swap3A_71 {strides = array<i32>} : memref<80x128xf32, #tpu.memory_space<vmem>>, vector<1x16xf32>,
      %broadcast_in_dim3A_72 = arith.constant 0.000000e+00 : f32
      %broadcast_in_dim3A_73 = vector.broadcast %broadcast_in_dim3A_72 : f32 to vector<16xf32>
      %swap3A_74 = arith.index_cast %scan3A_31 : i32 to index
      %swap3A_75 = arith.constant 96 : index
      %swap3A_76 = tpu.vector_load %arg7[%swap3A_74, %swap3A_75] {strides = array<i32>} : memref<80x128xf32, #tpu.memory_space<vmem>>, vector<1x16xf32>,
      %swap3A_77 = vector.shape_cast %swap3A_76 : vector<1x16xf32> to vector<16xf32>
      %swap3A_78 = vector.shape_cast %broadcast_in_dim3A_73 : vector<16xf32> to vector<1x16xf32>
      tpu.vector_store %arg7[%swap3A_74, %swap3A_75], %swap3A_78 {strides = array<i32>} : memref<80x128xf32, #tpu.memory_space<vmem>>, vector<1x16xf32>,
      %broadcast_in_dim3A_79 = arith.constant 0.000000e+00 : f32
      %broadcast_in_dim3A_80 = vector.broadcast %broadcast_in_dim3A_79 : f32 to vector<16xf32>
      %swap3A_81 = arith.index_cast %scan3A_31 : i32 to index
      %swap3A_82 = arith.constant 112 : index
      %swap3A_83 = tpu.vector_load %arg7[%swap3A_81, %swap3A_82] {strides = array<i32>} : memref<80x128xf32, #tpu.memory_space<vmem>>, vector<1x16xf32>,
      %swap3A_84 = vector.shape_cast %swap3A_83 : vector<1x16xf32> to vector<16xf32>
      %swap3A_85 = vector.shape_cast %broadcast_in_dim3A_80 : vector<16xf32> to vector<1x16xf32>
      tpu.vector_store %arg7[%swap3A_81, %swap3A_82], %swap3A_85 {strides = array<i32>} : memref<80x128xf32, #tpu.memory_space<vmem>>, vector<1x16xf32>,
    }
    %scan3A_4 = arith.constant 80 : i32
    %scan3A_5 = arith.constant 0 : i32
    %scan3A_6 = arith.constant 8 : i32
    %scan3A_7 = arith.addi %scan3A_5, %scan3A_6 : i32
    %scan3A_8 = arith.constant 1 : i32
    scf.for %scan3A_31 = %scan3A_5 to %scan3A_7 step %scan3A_8  : i32 {
      %mul3A_32 = arith.constant 16 : i32
      %mul3A_33 = arith.muli %scan3A_31, %mul3A_32 : i32
      %add3A_34 = arith.addi %arg1, %mul3A_33 : i32
      %lt3A = arith.constant 125 : i32
      %lt3A_35 = arith.cmpi slt, %add3A_34, %lt3A : i32
      %convert_element_type3A = arith.extui %lt3A_35 : i1 to i32
      %cond3A = arith.constant 0 : i32
      %cond3A_36 = arith.cmpi ne, %convert_element_type3A, %cond3A : i32
      scf.if %cond3A_36 {
        %mul3A_37 = arith.constant 80 : i32
        %mul3A_38 = arith.muli %add3A_34, %mul3A_37 : i32
        "tpu.region"() ({
          %run_scoped3A = tpu.sem_alloc : memref<!tpu.dma_semaphore, #tpu.memory_space<semaphore_mem>>
          %dma_start3A = arith.constant 0 : i32
          %dma_start3A_39 = tpu.memref_slice %arg5[%mul3A_38, %dma_start3A] : memref<10000x128xf32, #tpu.memory_space<vmem_shared>> -> memref<80x128xf32, #tpu.memory_space<vmem_shared>>
          %dma_start3A_40 = arith.constant 0 : i32
          %dma_start3A_41 = tpu.memref_slice %arg5[%mul3A_38, %dma_start3A_40] : memref<10000x128xf32, #tpu.memory_space<vmem_shared>> -> memref<80x128xf32, #tpu.memory_space<vmem_shared>>
          tpu.enqueue_dma source(%arg7 : memref<80x128xf32, #tpu.memory_space<vmem>>) target(%dma_start3A_41 : memref<80x128xf32, #tpu.memory_space<vmem_shared>>) target_semaphore(%run_scoped3A : memref<!tpu.dma_semaphore, #tpu.memory_space<semaphore_mem>>)
          %dma_wait3A = arith.constant 0 : i32
          %dma_wait3A_42 = tpu.memref_slice %arg5[%mul3A_38, %dma_wait3A] : memref<10000x128xf32, #tpu.memory_space<vmem_shared>> -> memref<80x128xf32, #tpu.memory_space<vmem_shared>>
          %dma_wait3A_43 = arith.constant 0 : i32
          %dma_wait3A_44 = tpu.memref_slice %arg5[%mul3A_38, %dma_wait3A_43] : memref<10000x128xf32, #tpu.memory_space<vmem_shared>> -> memref<80x128xf32, #tpu.memory_space<vmem_shared>>
          tpu.wait_dma2 semaphore(%run_scoped3A : memref<!tpu.dma_semaphore, #tpu.memory_space<semaphore_mem>>) src(%arg7 : memref<80x128xf32, #tpu.memory_space<vmem>>) dst(%dma_wait3A_44 : memref<80x128xf32, #tpu.memory_space<vmem_shared>>)
          tpu.yield
        }) : () -> ()
      } else {
      }
    }
    %scan3A_9 = arith.constant 8 : i32
    %barrier3A = arith.constant 0 : index
    tpu.barrier barrier_id(%barrier3A)
    "tpu.region"() ({
      %run_scoped3A = tpu.sem_alloc : memref<!tpu.dma_semaphore, #tpu.memory_space<semaphore_mem>>
      %dma_start3A = arith.constant 0 : i32
      %dma_start3A_31 = arith.constant 0 : i32
      %dma_start3A_32 = tpu.memref_slice %arg3[%add3A, %dma_start3A, %dma_start3A_31] : memref<32x125x80xi32, #tpu.memory_space<hbm>> -> memref<1x125x80xi32, #tpu.memory_space<hbm>>
      %dma_start3A_33 = tpu.memref_squeeze %dma_start3A_32 : memref<1x125x80xi32, #tpu.memory_space<hbm>> -> memref<125x80xi32, #tpu.memory_space<hbm>>
      %dma_start3A_34 = arith.constant 0 : i32
      %dma_start3A_35 = arith.constant 0 : i32
      %dma_start3A_36 = tpu.memref_slice %arg3[%add3A, %dma_start3A_34, %dma_start3A_35] : memref<32x125x80xi32, #tpu.memory_space<hbm>> -> memref<1x125x80xi32, #tpu.memory_space<hbm>>
      %dma_start3A_37 = tpu.memref_squeeze %dma_start3A_36 : memref<1x125x80xi32, #tpu.memory_space<hbm>> -> memref<125x80xi32, #tpu.memory_space<hbm>>
      tpu.enqueue_dma source(%dma_start3A_37 : memref<125x80xi32, #tpu.memory_space<hbm>>) target(%arg6 : memref<125x80xi32, #tpu.memory_space<vmem>>) target_semaphore(%run_scoped3A : memref<!tpu.dma_semaphore, #tpu.memory_space<semaphore_mem>>)
      %dma_wait3A = arith.constant 0 : i32
      %dma_wait3A_38 = arith.constant 0 : i32
      %dma_wait3A_39 = tpu.memref_slice %arg3[%add3A, %dma_wait3A, %dma_wait3A_38] : memref<32x125x80xi32, #tpu.memory_space<hbm>> -> memref<1x125x80xi32, #tpu.memory_space<hbm>>
      %dma_wait3A_40 = tpu.memref_squeeze %dma_wait3A_39 : memref<1x125x80xi32, #tpu.memory_space<hbm>> -> memref<125x80xi32, #tpu.memory_space<hbm>>
      %dma_wait3A_41 = arith.constant 0 : i32
      %dma_wait3A_42 = arith.constant 0 : i32
      %dma_wait3A_43 = tpu.memref_slice %arg3[%add3A, %dma_wait3A_41, %dma_wait3A_42] : memref<32x125x80xi32, #tpu.memory_space<hbm>> -> memref<1x125x80xi32, #tpu.memory_space<hbm>>
      %dma_wait3A_44 = tpu.memref_squeeze %dma_wait3A_43 : memref<1x125x80xi32, #tpu.memory_space<hbm>> -> memref<125x80xi32, #tpu.memory_space<hbm>>
      tpu.wait_dma2 semaphore(%run_scoped3A : memref<!tpu.dma_semaphore, #tpu.memory_space<semaphore_mem>>) src(%dma_wait3A_44 : memref<125x80xi32, #tpu.memory_space<hbm>>) dst(%arg6 : memref<125x80xi32, #tpu.memory_space<vmem>>)
      tpu.yield
    }) : () -> ()
    %scan3A_10 = arith.constant 0 : i32
    %scan3A_11 = arith.constant 80 : i32
    %scan3A_12 = arith.addi %scan3A_10, %scan3A_11 : i32
    %scan3A_13 = arith.constant 1 : i32
    scf.for %scan3A_31 = %scan3A_10 to %scan3A_12 step %scan3A_13  : i32 {
      %broadcast_in_dim3A = arith.constant 1.000000e+00 : f32
      %broadcast_in_dim3A_32 = vector.broadcast %broadcast_in_dim3A : f32 to vector<16xf32>
      %swap3A = arith.index_cast %scan3A_31 : i32 to index
      %swap3A_33 = arith.constant 0 : index
      %swap3A_34 = tpu.vector_load %arg7[%swap3A, %swap3A_33] {strides = array<i32>} : memref<80x128xf32, #tpu.memory_space<vmem>>, vector<1x16xf32>,
      %swap3A_35 = vector.shape_cast %swap3A_34 : vector<1x16xf32> to vector<16xf32>
      %swap3A_36 = vector.shape_cast %broadcast_in_dim3A_32 : vector<16xf32> to vector<1x16xf32>
      tpu.vector_store %arg7[%swap3A, %swap3A_33], %swap3A_36 {strides = array<i32>} : memref<80x128xf32, #tpu.memory_space<vmem>>, vector<1x16xf32>,
      %broadcast_in_dim3A_37 = arith.constant 1.000000e+00 : f32
      %broadcast_in_dim3A_38 = vector.broadcast %broadcast_in_dim3A_37 : f32 to vector<16xf32>
      %swap3A_39 = arith.index_cast %scan3A_31 : i32 to index
      %swap3A_40 = arith.constant 16 : index
      %swap3A_41 = tpu.vector_load %arg7[%swap3A_39, %swap3A_40] {strides = array<i32>} : memref<80x128xf32, #tpu.memory_space<vmem>>, vector<1x16xf32>,
      %swap3A_42 = vector.shape_cast %swap3A_41 : vector<1x16xf32> to vector<16xf32>
      %swap3A_43 = vector.shape_cast %broadcast_in_dim3A_38 : vector<16xf32> to vector<1x16xf32>
      tpu.vector_store %arg7[%swap3A_39, %swap3A_40], %swap3A_43 {strides = array<i32>} : memref<80x128xf32, #tpu.memory_space<vmem>>, vector<1x16xf32>,
      %broadcast_in_dim3A_44 = arith.constant 1.000000e+00 : f32
      %broadcast_in_dim3A_45 = vector.broadcast %broadcast_in_dim3A_44 : f32 to vector<16xf32>
      %swap3A_46 = arith.index_cast %scan3A_31 : i32 to index
      %swap3A_47 = arith.constant 32 : index
      %swap3A_48 = tpu.vector_load %arg7[%swap3A_46, %swap3A_47] {strides = array<i32>} : memref<80x128xf32, #tpu.memory_space<vmem>>, vector<1x16xf32>,
      %swap3A_49 = vector.shape_cast %swap3A_48 : vector<1x16xf32> to vector<16xf32>
      %swap3A_50 = vector.shape_cast %broadcast_in_dim3A_45 : vector<16xf32> to vector<1x16xf32>
      tpu.vector_store %arg7[%swap3A_46, %swap3A_47], %swap3A_50 {strides = array<i32>} : memref<80x128xf32, #tpu.memory_space<vmem>>, vector<1x16xf32>,
      %broadcast_in_dim3A_51 = arith.constant 1.000000e+00 : f32
      %broadcast_in_dim3A_52 = vector.broadcast %broadcast_in_dim3A_51 : f32 to vector<16xf32>
      %swap3A_53 = arith.index_cast %scan3A_31 : i32 to index
      %swap3A_54 = arith.constant 48 : index
      %swap3A_55 = tpu.vector_load %arg7[%swap3A_53, %swap3A_54] {strides = array<i32>} : memref<80x128xf32, #tpu.memory_space<vmem>>, vector<1x16xf32>,
      %swap3A_56 = vector.shape_cast %swap3A_55 : vector<1x16xf32> to vector<16xf32>
      %swap3A_57 = vector.shape_cast %broadcast_in_dim3A_52 : vector<16xf32> to vector<1x16xf32>
      tpu.vector_store %arg7[%swap3A_53, %swap3A_54], %swap3A_57 {strides = array<i32>} : memref<80x128xf32, #tpu.memory_space<vmem>>, vector<1x16xf32>,
      %broadcast_in_dim3A_58 = arith.constant 1.000000e+00 : f32
      %broadcast_in_dim3A_59 = vector.broadcast %broadcast_in_dim3A_58 : f32 to vector<16xf32>
      %swap3A_60 = arith.index_cast %scan3A_31 : i32 to index
      %swap3A_61 = arith.constant 64 : index
      %swap3A_62 = tpu.vector_load %arg7[%swap3A_60, %swap3A_61] {strides = array<i32>} : memref<80x128xf32, #tpu.memory_space<vmem>>, vector<1x16xf32>,
      %swap3A_63 = vector.shape_cast %swap3A_62 : vector<1x16xf32> to vector<16xf32>
      %swap3A_64 = vector.shape_cast %broadcast_in_dim3A_59 : vector<16xf32> to vector<1x16xf32>
      tpu.vector_store %arg7[%swap3A_60, %swap3A_61], %swap3A_64 {strides = array<i32>} : memref<80x128xf32, #tpu.memory_space<vmem>>, vector<1x16xf32>,
      %broadcast_in_dim3A_65 = arith.constant 1.000000e+00 : f32
      %broadcast_in_dim3A_66 = vector.broadcast %broadcast_in_dim3A_65 : f32 to vector<16xf32>
      %swap3A_67 = arith.index_cast %scan3A_31 : i32 to index
      %swap3A_68 = arith.constant 80 : index
      %swap3A_69 = tpu.vector_load %arg7[%swap3A_67, %swap3A_68] {strides = array<i32>} : memref<80x128xf32, #tpu.memory_space<vmem>>, vector<1x16xf32>,
      %swap3A_70 = vector.shape_cast %swap3A_69 : vector<1x16xf32> to vector<16xf32>
      %swap3A_71 = vector.shape_cast %broadcast_in_dim3A_66 : vector<16xf32> to vector<1x16xf32>
      tpu.vector_store %arg7[%swap3A_67, %swap3A_68], %swap3A_71 {strides = array<i32>} : memref<80x128xf32, #tpu.memory_space<vmem>>, vector<1x16xf32>,
      %broadcast_in_dim3A_72 = arith.constant 1.000000e+00 : f32
      %broadcast_in_dim3A_73 = vector.broadcast %broadcast_in_dim3A_72 : f32 to vector<16xf32>
      %swap3A_74 = arith.index_cast %scan3A_31 : i32 to index
      %swap3A_75 = arith.constant 96 : index
      %swap3A_76 = tpu.vector_load %arg7[%swap3A_74, %swap3A_75] {strides = array<i32>} : memref<80x128xf32, #tpu.memory_space<vmem>>, vector<1x16xf32>,
      %swap3A_77 = vector.shape_cast %swap3A_76 : vector<1x16xf32> to vector<16xf32>
      %swap3A_78 = vector.shape_cast %broadcast_in_dim3A_73 : vector<16xf32> to vector<1x16xf32>
      tpu.vector_store %arg7[%swap3A_74, %swap3A_75], %swap3A_78 {strides = array<i32>} : memref<80x128xf32, #tpu.memory_space<vmem>>, vector<1x16xf32>,
      %broadcast_in_dim3A_79 = arith.constant 1.000000e+00 : f32
      %broadcast_in_dim3A_80 = vector.broadcast %broadcast_in_dim3A_79 : f32 to vector<16xf32>
      %swap3A_81 = arith.index_cast %scan3A_31 : i32 to index
      %swap3A_82 = arith.constant 112 : index
      %swap3A_83 = tpu.vector_load %arg7[%swap3A_81, %swap3A_82] {strides = array<i32>} : memref<80x128xf32, #tpu.memory_space<vmem>>, vector<1x16xf32>,
      %swap3A_84 = vector.shape_cast %swap3A_83 : vector<1x16xf32> to vector<16xf32>
      %swap3A_85 = vector.shape_cast %broadcast_in_dim3A_80 : vector<16xf32> to vector<1x16xf32>
      tpu.vector_store %arg7[%swap3A_81, %swap3A_82], %swap3A_85 {strides = array<i32>} : memref<80x128xf32, #tpu.memory_space<vmem>>, vector<1x16xf32>,
    }
    %scan3A_14 = arith.constant 80 : i32
    %scan3A_15 = arith.constant 0 : i32
    %scan3A_16 = arith.constant 125 : i32
    %scan3A_17 = arith.addi %scan3A_15, %scan3A_16 : i32
    %scan3A_18 = arith.constant 1 : i32
    scf.for %scan3A_31 = %scan3A_15 to %scan3A_17 step %scan3A_18  : i32 {
      %dma_start3A = arith.constant 0 : i32
      %dma_start3A_32 = tpu.memref_slice %arg6[%scan3A_31, %dma_start3A] : memref<125x80xi32, #tpu.memory_space<vmem>> -> memref<1x80xi32, #tpu.memory_space<vmem>>
      %dma_start3A_33 = tpu.memref_squeeze %dma_start3A_32 : memref<1x80xi32, #tpu.memory_space<vmem>> -> memref<80xi32, #tpu.memory_space<vmem>>
      %dma_start3A_34 = arith.constant 0 : i32
      %dma_start3A_35 = arith.constant 0 : i32
      %dma_start3A_36 = tpu.memref_slice %arg5[%dma_start3A_34, %dma_start3A_35] : memref<10000x128xf32, #tpu.memory_space<vmem_shared>> -> memref<10000x128xf32, #tpu.memory_space<vmem_shared>>
      tpu.enqueue_indirect_dma source(%arg7 : memref<80x128xf32, #tpu.memory_space<vmem>>) target(%dma_start3A_36 : memref<10000x128xf32, #tpu.memory_space<vmem_shared>>) offsets(%dma_start3A_33 : memref<80xi32, #tpu.memory_space<vmem>>) semaphore(%arg8 : memref<!tpu.dma_semaphore, #tpu.memory_space<semaphore_mem>>) {add = true}
    }
    %scan3A_19 = arith.constant 125 : i32
    %scan3A_20 = arith.constant 0 : i32
    %scan3A_21 = arith.constant 125 : i32
    %scan3A_22 = arith.addi %scan3A_20, %scan3A_21 : i32
    %scan3A_23 = arith.constant 1 : i32
    scf.for %scan3A_31 = %scan3A_20 to %scan3A_22 step %scan3A_23  : i32 {
      %dma_wait3A = arith.constant 0 : i32
      %dma_wait3A_32 = arith.constant 0 : i32
      %dma_wait3A_33 = tpu.memref_slice %arg2[%dma_wait3A, %dma_wait3A_32] : memref<320000x128xf32, #tpu.memory_space<hbm>> -> memref<80x128xf32, #tpu.memory_space<hbm>>
      %dma_wait3A_34 = arith.constant 0 : i32
      %dma_wait3A_35 = arith.constant 0 : i32
      %dma_wait3A_36 = tpu.memref_slice %arg2[%dma_wait3A_34, %dma_wait3A_35] : memref<320000x128xf32, #tpu.memory_space<hbm>> -> memref<80x128xf32, #tpu.memory_space<hbm>>
      tpu.wait_dma2 semaphore(%arg8 : memref<!tpu.dma_semaphore, #tpu.memory_space<semaphore_mem>>) src(%dma_wait3A_36 : memref<80x128xf32, #tpu.memory_space<hbm>>) dst(%arg7 : memref<80x128xf32, #tpu.memory_space<vmem>>)
    }
    %scan3A_24 = arith.constant 125 : i32
    %barrier3A_25 = arith.constant 0 : index
    tpu.barrier barrier_id(%barrier3A_25)
    %scan3A_26 = arith.constant 0 : i32
    %scan3A_27 = arith.constant 8 : i32
    %scan3A_28 = arith.addi %scan3A_26, %scan3A_27 : i32
    %scan3A_29 = arith.constant 1 : i32
    scf.for %scan3A_31 = %scan3A_26 to %scan3A_28 step %scan3A_29  : i32 {
      %mul3A_32 = arith.constant 16 : i32
      %mul3A_33 = arith.muli %scan3A_31, %mul3A_32 : i32
      %add3A_34 = arith.addi %arg1, %mul3A_33 : i32
      %lt3A = arith.constant 125 : i32
      %lt3A_35 = arith.cmpi slt, %add3A_34, %lt3A : i32
      %convert_element_type3A = arith.extui %lt3A_35 : i1 to i32
      %cond3A = arith.constant 0 : i32
      %cond3A_36 = arith.cmpi ne, %convert_element_type3A, %cond3A : i32
      scf.if %cond3A_36 {
        %mul3A_37 = arith.constant 80 : i32
        %mul3A_38 = arith.muli %add3A_34, %mul3A_37 : i32
        %mul3A_39 = arith.constant 80 : i32
        %mul3A_40 = arith.muli %add3A_34, %mul3A_39 : i32
        "tpu.region"() ({
          %run_scoped3A = tpu.sem_alloc : memref<!tpu.dma_semaphore, #tpu.memory_space<semaphore_mem>>
          %dma_start3A = arith.constant 0 : i32
          %dma_start3A_41 = tpu.memref_slice %arg4[%arg0, %mul3A_40, %dma_start3A] : memref<2x10000x128xf32, #tpu.memory_space<hbm>> -> memref<1x80x128xf32, #tpu.memory_space<hbm>>
          %dma_start3A_42 = tpu.memref_squeeze %dma_start3A_41 : memref<1x80x128xf32, #tpu.memory_space<hbm>> -> memref<80x128xf32, #tpu.memory_space<hbm>>
          %dma_start3A_43 = arith.constant 0 : i32
          %dma_start3A_44 = tpu.memref_slice %arg5[%mul3A_38, %dma_start3A_43] : memref<10000x128xf32, #tpu.memory_space<vmem_shared>> -> memref<80x128xf32, #tpu.memory_space<vmem_shared>>
          tpu.enqueue_dma source(%dma_start3A_44 : memref<80x128xf32, #tpu.memory_space<vmem_shared>>) target(%dma_start3A_42 : memref<80x128xf32, #tpu.memory_space<hbm>>) target_semaphore(%run_scoped3A : memref<!tpu.dma_semaphore, #tpu.memory_space<semaphore_mem>>)
          %dma_wait3A = arith.constant 0 : i32
          %dma_wait3A_45 = tpu.memref_slice %arg4[%arg0, %mul3A_40, %dma_wait3A] : memref<2x10000x128xf32, #tpu.memory_space<hbm>> -> memref<1x80x128xf32, #tpu.memory_space<hbm>>
          %dma_wait3A_46 = tpu.memref_squeeze %dma_wait3A_45 : memref<1x80x128xf32, #tpu.memory_space<hbm>> -> memref<80x128xf32, #tpu.memory_space<hbm>>
          %dma_wait3A_47 = arith.constant 0 : i32
          %dma_wait3A_48 = tpu.memref_slice %arg5[%mul3A_38, %dma_wait3A_47] : memref<10000x128xf32, #tpu.memory_space<vmem_shared>> -> memref<80x128xf32, #tpu.memory_space<vmem_shared>>
          tpu.wait_dma2 semaphore(%run_scoped3A : memref<!tpu.dma_semaphore, #tpu.memory_space<semaphore_mem>>) src(%dma_wait3A_48 : memref<80x128xf32, #tpu.memory_space<vmem_shared>>) dst(%dma_wait3A_46 : memref<80x128xf32, #tpu.memory_space<hbm>>)
          tpu.yield
        }) : () -> ()
      } else {
      }
    }
    %scan3A_30 = arith.constant 8 : i32
    return
  }
}

#map = affine_map<(d0, d1) -> (0, 0)>
#map1 = affine_map<(d0, d1) -> (0, 0, 0)>
module attributes {stable_mosaic.version = 14 : i64} {
  func.func @_gather_kernel(%arg0: i32, %arg1: i32, %arg2: memref<10000x128xf32, #tpu.memory_space<hbm>>, %arg3: memref<32x125x80xi32, #tpu.memory_space<hbm>>, %arg4: memref<320000x128xf32, #tpu.memory_space<hbm>>, %arg5: memref<10000x128xf32, #tpu.memory_space<vmem_shared>>, %arg6: memref<125x80xi32, #tpu.memory_space<vmem>>, %arg7: memref<80x128xf32, #tpu.memory_space<vmem>>, %arg8: memref<80x128xf32, #tpu.memory_space<vmem>>, %arg9: memref<80x128xf32, #tpu.memory_space<vmem>>, %arg10: memref<!tpu.dma_semaphore, #tpu.memory_space<semaphore_mem>>, %arg11: memref<!tpu.dma_semaphore, #tpu.memory_space<semaphore_mem>>, %arg12: memref<!tpu.dma_semaphore, #tpu.memory_space<semaphore_mem>>) attributes {dimension_semantics = [#tpu.dimension_semantics<core_parallel>, #tpu.dimension_semantics<subcore_parallel>], iteration_bounds = array<i64: 2, 16>, scalar_prefetch = 0 : i64, scratch_operands = 8 : i64, tpu.core_type = #tpu.core_type<sc_vector_subcore>, window_params = [{transform_indices = #map}, {transform_indices = #map1}, {transform_indices = #map}]} {
    %mul3A = arith.constant 2 : i32
    %mul3A_0 = arith.muli %arg1, %mul3A : i32
    %add3A = arith.addi %mul3A_0, %arg0 : i32
    %scan3A = arith.constant 0 : i32
    %scan3A_1 = arith.constant 8 : i32
    %scan3A_2 = arith.addi %scan3A, %scan3A_1 : i32
    %scan3A_3 = arith.constant 1 : i32
    scf.for %scan3A_54 = %scan3A to %scan3A_2 step %scan3A_3  : i32 {
      %mul3A_55 = arith.constant 16 : i32
      %mul3A_56 = arith.muli %scan3A_54, %mul3A_55 : i32
      %add3A_57 = arith.addi %arg1, %mul3A_56 : i32
      %lt3A = arith.constant 125 : i32
      %lt3A_58 = arith.cmpi slt, %add3A_57, %lt3A : i32
      %convert_element_type3A = arith.extui %lt3A_58 : i1 to i32
      %cond3A = arith.constant 0 : i32
      %cond3A_59 = arith.cmpi ne, %convert_element_type3A, %cond3A : i32
      scf.if %cond3A_59 {
        %mul3A_60 = arith.constant 80 : i32
        %mul3A_61 = arith.muli %add3A_57, %mul3A_60 : i32
        %mul3A_62 = arith.constant 80 : i32
        %mul3A_63 = arith.muli %add3A_57, %mul3A_62 : i32
        "tpu.region"() ({
          %run_scoped3A_64 = tpu.sem_alloc : memref<!tpu.dma_semaphore, #tpu.memory_space<semaphore_mem>>
          %dma_start3A_65 = arith.constant 0 : i32
          %dma_start3A_66 = tpu.memref_slice %arg5[%mul3A_63, %dma_start3A_65] : memref<10000x128xf32, #tpu.memory_space<vmem_shared>> -> memref<80x128xf32, #tpu.memory_space<vmem_shared>>
          %dma_start3A_67 = arith.constant 0 : i32
          %dma_start3A_68 = tpu.memref_slice %arg2[%mul3A_61, %dma_start3A_67] : memref<10000x128xf32, #tpu.memory_space<hbm>> -> memref<80x128xf32, #tpu.memory_space<hbm>>
          tpu.enqueue_dma source(%dma_start3A_68 : memref<80x128xf32, #tpu.memory_space<hbm>>) target(%dma_start3A_66 : memref<80x128xf32, #tpu.memory_space<vmem_shared>>) target_semaphore(%run_scoped3A_64 : memref<!tpu.dma_semaphore, #tpu.memory_space<semaphore_mem>>)
          %dma_wait3A_69 = arith.constant 0 : i32
          %dma_wait3A_70 = tpu.memref_slice %arg5[%mul3A_63, %dma_wait3A_69] : memref<10000x128xf32, #tpu.memory_space<vmem_shared>> -> memref<80x128xf32, #tpu.memory_space<vmem_shared>>
          %dma_wait3A_71 = arith.constant 0 : i32
          %dma_wait3A_72 = tpu.memref_slice %arg2[%mul3A_61, %dma_wait3A_71] : memref<10000x128xf32, #tpu.memory_space<hbm>> -> memref<80x128xf32, #tpu.memory_space<hbm>>
          tpu.wait_dma2 semaphore(%run_scoped3A_64 : memref<!tpu.dma_semaphore, #tpu.memory_space<semaphore_mem>>) src(%dma_wait3A_72 : memref<80x128xf32, #tpu.memory_space<hbm>>) dst(%dma_wait3A_70 : memref<80x128xf32, #tpu.memory_space<vmem_shared>>)
          tpu.yield
        }) : () -> ()
      } else {
      }
    }
    %scan3A_4 = arith.constant 8 : i32
    %barrier3A = arith.constant 0 : index
    tpu.barrier barrier_id(%barrier3A)
    "tpu.region"() ({
      %run_scoped3A_54 = tpu.sem_alloc : memref<!tpu.dma_semaphore, #tpu.memory_space<semaphore_mem>>
      %dma_start3A_55 = arith.constant 0 : i32
      %dma_start3A_56 = arith.constant 0 : i32
      %dma_start3A_57 = tpu.memref_slice %arg3[%add3A, %dma_start3A_55, %dma_start3A_56] : memref<32x125x80xi32, #tpu.memory_space<hbm>> -> memref<1x125x80xi32, #tpu.memory_space<hbm>>
      %dma_start3A_58 = tpu.memref_squeeze %dma_start3A_57 : memref<1x125x80xi32, #tpu.memory_space<hbm>> -> memref<125x80xi32, #tpu.memory_space<hbm>>
      %dma_start3A_59 = arith.constant 0 : i32
      %dma_start3A_60 = arith.constant 0 : i32
      %dma_start3A_61 = tpu.memref_slice %arg3[%add3A, %dma_start3A_59, %dma_start3A_60] : memref<32x125x80xi32, #tpu.memory_space<hbm>> -> memref<1x125x80xi32, #tpu.memory_space<hbm>>
      %dma_start3A_62 = tpu.memref_squeeze %dma_start3A_61 : memref<1x125x80xi32, #tpu.memory_space<hbm>> -> memref<125x80xi32, #tpu.memory_space<hbm>>
      tpu.enqueue_dma source(%dma_start3A_62 : memref<125x80xi32, #tpu.memory_space<hbm>>) target(%arg6 : memref<125x80xi32, #tpu.memory_space<vmem>>) target_semaphore(%run_scoped3A_54 : memref<!tpu.dma_semaphore, #tpu.memory_space<semaphore_mem>>)
      %dma_wait3A_63 = arith.constant 0 : i32
      %dma_wait3A_64 = arith.constant 0 : i32
      %dma_wait3A_65 = tpu.memref_slice %arg3[%add3A, %dma_wait3A_63, %dma_wait3A_64] : memref<32x125x80xi32, #tpu.memory_space<hbm>> -> memref<1x125x80xi32, #tpu.memory_space<hbm>>
      %dma_wait3A_66 = tpu.memref_squeeze %dma_wait3A_65 : memref<1x125x80xi32, #tpu.memory_space<hbm>> -> memref<125x80xi32, #tpu.memory_space<hbm>>
      %dma_wait3A_67 = arith.constant 0 : i32
      %dma_wait3A_68 = arith.constant 0 : i32
      %dma_wait3A_69 = tpu.memref_slice %arg3[%add3A, %dma_wait3A_67, %dma_wait3A_68] : memref<32x125x80xi32, #tpu.memory_space<hbm>> -> memref<1x125x80xi32, #tpu.memory_space<hbm>>
      %dma_wait3A_70 = tpu.memref_squeeze %dma_wait3A_69 : memref<1x125x80xi32, #tpu.memory_space<hbm>> -> memref<125x80xi32, #tpu.memory_space<hbm>>
      tpu.wait_dma2 semaphore(%run_scoped3A_54 : memref<!tpu.dma_semaphore, #tpu.memory_space<semaphore_mem>>) src(%dma_wait3A_70 : memref<125x80xi32, #tpu.memory_space<hbm>>) dst(%arg6 : memref<125x80xi32, #tpu.memory_space<vmem>>)
      tpu.yield
    }) : () -> ()
    %mul3A_5 = arith.constant 10000 : i32
    %mul3A_6 = arith.muli %add3A, %mul3A_5 : i32
    %run_scoped3A = arith.constant 0 : i32
    "tpu.region"() ({
      %run_scoped3A_54 = tpu.sem_alloc : memref<!tpu.dma_semaphore, #tpu.memory_space<semaphore_mem>>
      %dma_start3A_55 = arith.constant 0 : i32
      %dma_start3A_56 = tpu.memref_slice %arg6[%run_scoped3A, %dma_start3A_55] : memref<125x80xi32, #tpu.memory_space<vmem>> -> memref<1x80xi32, #tpu.memory_space<vmem>>
      %dma_start3A_57 = tpu.memref_squeeze %dma_start3A_56 : memref<1x80xi32, #tpu.memory_space<vmem>> -> memref<80xi32, #tpu.memory_space<vmem>>
      %dma_start3A_58 = arith.constant 0 : i32
      %dma_start3A_59 = arith.constant 0 : i32
      %dma_start3A_60 = tpu.memref_slice %arg5[%dma_start3A_58, %dma_start3A_59] : memref<10000x128xf32, #tpu.memory_space<vmem_shared>> -> memref<10000x128xf32, #tpu.memory_space<vmem_shared>>
      tpu.enqueue_indirect_dma source(%dma_start3A_60 : memref<10000x128xf32, #tpu.memory_space<vmem_shared>>) target(%arg7 : memref<80x128xf32, #tpu.memory_space<vmem>>) offsets(%dma_start3A_57 : memref<80xi32, #tpu.memory_space<vmem>>) semaphore(%run_scoped3A_54 : memref<!tpu.dma_semaphore, #tpu.memory_space<semaphore_mem>>)
      %dma_wait3A_61 = arith.constant 0 : i32
      %dma_wait3A_62 = tpu.memref_slice %arg6[%run_scoped3A, %dma_wait3A_61] : memref<125x80xi32, #tpu.memory_space<vmem>> -> memref<1x80xi32, #tpu.memory_space<vmem>>
      %dma_wait3A_63 = tpu.memref_squeeze %dma_wait3A_62 : memref<1x80xi32, #tpu.memory_space<vmem>> -> memref<80xi32, #tpu.memory_space<vmem>>
      %dma_wait3A_64 = arith.constant 0 : i32
      %dma_wait3A_65 = arith.constant 0 : i32
      %dma_wait3A_66 = tpu.memref_slice %arg5[%dma_wait3A_64, %dma_wait3A_65] : memref<10000x128xf32, #tpu.memory_space<vmem_shared>> -> memref<10000x128xf32, #tpu.memory_space<vmem_shared>>
      tpu.wait_indirect_dma semaphore(%run_scoped3A_54 : memref<!tpu.dma_semaphore, #tpu.memory_space<semaphore_mem>>) src(%dma_wait3A_66 : memref<10000x128xf32, #tpu.memory_space<vmem_shared>>) dst(%arg7 : memref<80x128xf32, #tpu.memory_space<vmem>>)
      tpu.yield
    }) : () -> ()
    %add3A_7 = arith.constant 0 : i32
    %add3A_8 = arith.addi %mul3A_6, %add3A_7 : i32
    %dma_start3A = arith.constant 0 : i32
    %dma_start3A_9 = tpu.memref_slice %arg4[%add3A_8, %dma_start3A] : memref<320000x128xf32, #tpu.memory_space<hbm>> -> memref<80x128xf32, #tpu.memory_space<hbm>>
    %dma_start3A_10 = arith.constant 0 : i32
    %dma_start3A_11 = tpu.memref_slice %arg4[%add3A_8, %dma_start3A_10] : memref<320000x128xf32, #tpu.memory_space<hbm>> -> memref<80x128xf32, #tpu.memory_space<hbm>>
    tpu.enqueue_dma source(%arg7 : memref<80x128xf32, #tpu.memory_space<vmem>>) target(%dma_start3A_11 : memref<80x128xf32, #tpu.memory_space<hbm>>) target_semaphore(%arg10 : memref<!tpu.dma_semaphore, #tpu.memory_space<semaphore_mem>>)
    %run_scoped3A_12 = arith.constant 1 : i32
    "tpu.region"() ({
      %run_scoped3A_54 = tpu.sem_alloc : memref<!tpu.dma_semaphore, #tpu.memory_space<semaphore_mem>>
      %dma_start3A_55 = arith.constant 0 : i32
      %dma_start3A_56 = tpu.memref_slice %arg6[%run_scoped3A_12, %dma_start3A_55] : memref<125x80xi32, #tpu.memory_space<vmem>> -> memref<1x80xi32, #tpu.memory_space<vmem>>
      %dma_start3A_57 = tpu.memref_squeeze %dma_start3A_56 : memref<1x80xi32, #tpu.memory_space<vmem>> -> memref<80xi32, #tpu.memory_space<vmem>>
      %dma_start3A_58 = arith.constant 0 : i32
      %dma_start3A_59 = arith.constant 0 : i32
      %dma_start3A_60 = tpu.memref_slice %arg5[%dma_start3A_58, %dma_start3A_59] : memref<10000x128xf32, #tpu.memory_space<vmem_shared>> -> memref<10000x128xf32, #tpu.memory_space<vmem_shared>>
      tpu.enqueue_indirect_dma source(%dma_start3A_60 : memref<10000x128xf32, #tpu.memory_space<vmem_shared>>) target(%arg8 : memref<80x128xf32, #tpu.memory_space<vmem>>) offsets(%dma_start3A_57 : memref<80xi32, #tpu.memory_space<vmem>>) semaphore(%run_scoped3A_54 : memref<!tpu.dma_semaphore, #tpu.memory_space<semaphore_mem>>)
      %dma_wait3A_61 = arith.constant 0 : i32
      %dma_wait3A_62 = tpu.memref_slice %arg6[%run_scoped3A_12, %dma_wait3A_61] : memref<125x80xi32, #tpu.memory_space<vmem>> -> memref<1x80xi32, #tpu.memory_space<vmem>>
      %dma_wait3A_63 = tpu.memref_squeeze %dma_wait3A_62 : memref<1x80xi32, #tpu.memory_space<vmem>> -> memref<80xi32, #tpu.memory_space<vmem>>
      %dma_wait3A_64 = arith.constant 0 : i32
      %dma_wait3A_65 = arith.constant 0 : i32
      %dma_wait3A_66 = tpu.memref_slice %arg5[%dma_wait3A_64, %dma_wait3A_65] : memref<10000x128xf32, #tpu.memory_space<vmem_shared>> -> memref<10000x128xf32, #tpu.memory_space<vmem_shared>>
      tpu.wait_indirect_dma semaphore(%run_scoped3A_54 : memref<!tpu.dma_semaphore, #tpu.memory_space<semaphore_mem>>) src(%dma_wait3A_66 : memref<10000x128xf32, #tpu.memory_space<vmem_shared>>) dst(%arg8 : memref<80x128xf32, #tpu.memory_space<vmem>>)
      tpu.yield
    }) : () -> ()
    %add3A_13 = arith.constant 80 : i32
    %add3A_14 = arith.addi %mul3A_6, %add3A_13 : i32
    %dma_start3A_15 = arith.constant 0 : i32
    %dma_start3A_16 = tpu.memref_slice %arg4[%add3A_14, %dma_start3A_15] : memref<320000x128xf32, #tpu.memory_space<hbm>> -> memref<80x128xf32, #tpu.memory_space<hbm>>
    %dma_start3A_17 = arith.constant 0 : i32
    %dma_start3A_18 = tpu.memref_slice %arg4[%add3A_14, %dma_start3A_17] : memref<320000x128xf32, #tpu.memory_space<hbm>> -> memref<80x128xf32, #tpu.memory_space<hbm>>
    tpu.enqueue_dma source(%arg8 : memref<80x128xf32, #tpu.memory_space<vmem>>) target(%dma_start3A_18 : memref<80x128xf32, #tpu.memory_space<hbm>>) target_semaphore(%arg11 : memref<!tpu.dma_semaphore, #tpu.memory_space<semaphore_mem>>)
    %run_scoped3A_19 = arith.constant 2 : i32
    "tpu.region"() ({
      %run_scoped3A_54 = tpu.sem_alloc : memref<!tpu.dma_semaphore, #tpu.memory_space<semaphore_mem>>
      %dma_start3A_55 = arith.constant 0 : i32
      %dma_start3A_56 = tpu.memref_slice %arg6[%run_scoped3A_19, %dma_start3A_55] : memref<125x80xi32, #tpu.memory_space<vmem>> -> memref<1x80xi32, #tpu.memory_space<vmem>>
      %dma_start3A_57 = tpu.memref_squeeze %dma_start3A_56 : memref<1x80xi32, #tpu.memory_space<vmem>> -> memref<80xi32, #tpu.memory_space<vmem>>
      %dma_start3A_58 = arith.constant 0 : i32
      %dma_start3A_59 = arith.constant 0 : i32
      %dma_start3A_60 = tpu.memref_slice %arg5[%dma_start3A_58, %dma_start3A_59] : memref<10000x128xf32, #tpu.memory_space<vmem_shared>> -> memref<10000x128xf32, #tpu.memory_space<vmem_shared>>
      tpu.enqueue_indirect_dma source(%dma_start3A_60 : memref<10000x128xf32, #tpu.memory_space<vmem_shared>>) target(%arg9 : memref<80x128xf32, #tpu.memory_space<vmem>>) offsets(%dma_start3A_57 : memref<80xi32, #tpu.memory_space<vmem>>) semaphore(%run_scoped3A_54 : memref<!tpu.dma_semaphore, #tpu.memory_space<semaphore_mem>>)
      %dma_wait3A_61 = arith.constant 0 : i32
      %dma_wait3A_62 = tpu.memref_slice %arg6[%run_scoped3A_19, %dma_wait3A_61] : memref<125x80xi32, #tpu.memory_space<vmem>> -> memref<1x80xi32, #tpu.memory_space<vmem>>
      %dma_wait3A_63 = tpu.memref_squeeze %dma_wait3A_62 : memref<1x80xi32, #tpu.memory_space<vmem>> -> memref<80xi32, #tpu.memory_space<vmem>>
      %dma_wait3A_64 = arith.constant 0 : i32
      %dma_wait3A_65 = arith.constant 0 : i32
      %dma_wait3A_66 = tpu.memref_slice %arg5[%dma_wait3A_64, %dma_wait3A_65] : memref<10000x128xf32, #tpu.memory_space<vmem_shared>> -> memref<10000x128xf32, #tpu.memory_space<vmem_shared>>
      tpu.wait_indirect_dma semaphore(%run_scoped3A_54 : memref<!tpu.dma_semaphore, #tpu.memory_space<semaphore_mem>>) src(%dma_wait3A_66 : memref<10000x128xf32, #tpu.memory_space<vmem_shared>>) dst(%arg9 : memref<80x128xf32, #tpu.memory_space<vmem>>)
      tpu.yield
    }) : () -> ()
    %add3A_20 = arith.constant 160 : i32
    %add3A_21 = arith.addi %mul3A_6, %add3A_20 : i32
    %dma_start3A_22 = arith.constant 0 : i32
    %dma_start3A_23 = tpu.memref_slice %arg4[%add3A_21, %dma_start3A_22] : memref<320000x128xf32, #tpu.memory_space<hbm>> -> memref<80x128xf32, #tpu.memory_space<hbm>>
    %dma_start3A_24 = arith.constant 0 : i32
    %dma_start3A_25 = tpu.memref_slice %arg4[%add3A_21, %dma_start3A_24] : memref<320000x128xf32, #tpu.memory_space<hbm>> -> memref<80x128xf32, #tpu.memory_space<hbm>>
    tpu.enqueue_dma source(%arg9 : memref<80x128xf32, #tpu.memory_space<vmem>>) target(%dma_start3A_25 : memref<80x128xf32, #tpu.memory_space<hbm>>) target_semaphore(%arg12 : memref<!tpu.dma_semaphore, #tpu.memory_space<semaphore_mem>>)
    %scan3A_26 = arith.constant 1 : i32
    %scan3A_27 = arith.constant 40 : i32
    %scan3A_28 = arith.addi %scan3A_26, %scan3A_27 : i32
    %scan3A_29 = arith.constant 1 : i32
    scf.for %scan3A_54 = %scan3A_26 to %scan3A_28 step %scan3A_29  : i32 {
      %mul3A_55 = arith.constant 3 : i32
      %mul3A_56 = arith.muli %scan3A_54, %mul3A_55 : i32
      %add3A_57 = arith.constant 0 : i32
      %add3A_58 = arith.addi %mul3A_56, %add3A_57 : i32
      %dma_wait3A_59 = arith.constant 0 : i32
      %dma_wait3A_60 = arith.constant 0 : i32
      %dma_wait3A_61 = tpu.memref_slice %arg2[%dma_wait3A_59, %dma_wait3A_60] : memref<10000x128xf32, #tpu.memory_space<hbm>> -> memref<80x128xf32, #tpu.memory_space<hbm>>
      %dma_wait3A_62 = arith.constant 0 : i32
      %dma_wait3A_63 = arith.constant 0 : i32
      %dma_wait3A_64 = tpu.memref_slice %arg2[%dma_wait3A_62, %dma_wait3A_63] : memref<10000x128xf32, #tpu.memory_space<hbm>> -> memref<80x128xf32, #tpu.memory_space<hbm>>
      tpu.wait_dma2 semaphore(%arg10 : memref<!tpu.dma_semaphore, #tpu.memory_space<semaphore_mem>>) src(%dma_wait3A_64 : memref<80x128xf32, #tpu.memory_space<hbm>>) dst(%arg7 : memref<80x128xf32, #tpu.memory_space<vmem>>)
      "tpu.region"() ({
        %run_scoped3A_106 = tpu.sem_alloc : memref<!tpu.dma_semaphore, #tpu.memory_space<semaphore_mem>>
        %dma_start3A_107 = arith.constant 0 : i32
        %dma_start3A_108 = tpu.memref_slice %arg6[%add3A_58, %dma_start3A_107] : memref<125x80xi32, #tpu.memory_space<vmem>> -> memref<1x80xi32, #tpu.memory_space<vmem>>
        %dma_start3A_109 = tpu.memref_squeeze %dma_start3A_108 : memref<1x80xi32, #tpu.memory_space<vmem>> -> memref<80xi32, #tpu.memory_space<vmem>>
        %dma_start3A_110 = arith.constant 0 : i32
        %dma_start3A_111 = arith.constant 0 : i32
        %dma_start3A_112 = tpu.memref_slice %arg5[%dma_start3A_110, %dma_start3A_111] : memref<10000x128xf32, #tpu.memory_space<vmem_shared>> -> memref<10000x128xf32, #tpu.memory_space<vmem_shared>>
        tpu.enqueue_indirect_dma source(%dma_start3A_112 : memref<10000x128xf32, #tpu.memory_space<vmem_shared>>) target(%arg7 : memref<80x128xf32, #tpu.memory_space<vmem>>) offsets(%dma_start3A_109 : memref<80xi32, #tpu.memory_space<vmem>>) semaphore(%run_scoped3A_106 : memref<!tpu.dma_semaphore, #tpu.memory_space<semaphore_mem>>)
        %dma_wait3A_113 = arith.constant 0 : i32
        %dma_wait3A_114 = tpu.memref_slice %arg6[%add3A_58, %dma_wait3A_113] : memref<125x80xi32, #tpu.memory_space<vmem>> -> memref<1x80xi32, #tpu.memory_space<vmem>>
        %dma_wait3A_115 = tpu.memref_squeeze %dma_wait3A_114 : memref<1x80xi32, #tpu.memory_space<vmem>> -> memref<80xi32, #tpu.memory_space<vmem>>
        %dma_wait3A_116 = arith.constant 0 : i32
        %dma_wait3A_117 = arith.constant 0 : i32
        %dma_wait3A_118 = tpu.memref_slice %arg5[%dma_wait3A_116, %dma_wait3A_117] : memref<10000x128xf32, #tpu.memory_space<vmem_shared>> -> memref<10000x128xf32, #tpu.memory_space<vmem_shared>>
        tpu.wait_indirect_dma semaphore(%run_scoped3A_106 : memref<!tpu.dma_semaphore, #tpu.memory_space<semaphore_mem>>) src(%dma_wait3A_118 : memref<10000x128xf32, #tpu.memory_space<vmem_shared>>) dst(%arg7 : memref<80x128xf32, #tpu.memory_space<vmem>>)
        tpu.yield
      }) : () -> ()
      %mul3A_65 = arith.constant 80 : i32
      %mul3A_66 = arith.muli %add3A_58, %mul3A_65 : i32
      %add3A_67 = arith.addi %mul3A_6, %mul3A_66 : i32
      %dma_start3A_68 = arith.constant 0 : i32
      %dma_start3A_69 = tpu.memref_slice %arg4[%add3A_67, %dma_start3A_68] : memref<320000x128xf32, #tpu.memory_space<hbm>> -> memref<80x128xf32, #tpu.memory_space<hbm>>
      %dma_start3A_70 = arith.constant 0 : i32
      %dma_start3A_71 = tpu.memref_slice %arg4[%add3A_67, %dma_start3A_70] : memref<320000x128xf32, #tpu.memory_space<hbm>> -> memref<80x128xf32, #tpu.memory_space<hbm>>
      tpu.enqueue_dma source(%arg7 : memref<80x128xf32, #tpu.memory_space<vmem>>) target(%dma_start3A_71 : memref<80x128xf32, #tpu.memory_space<hbm>>) target_semaphore(%arg10 : memref<!tpu.dma_semaphore, #tpu.memory_space<semaphore_mem>>)
      %mul3A_72 = arith.constant 3 : i32
      %mul3A_73 = arith.muli %scan3A_54, %mul3A_72 : i32
      %add3A_74 = arith.constant 1 : i32
      %add3A_75 = arith.addi %mul3A_73, %add3A_74 : i32
      %dma_wait3A_76 = arith.constant 0 : i32
      %dma_wait3A_77 = arith.constant 0 : i32
      %dma_wait3A_78 = tpu.memref_slice %arg2[%dma_wait3A_76, %dma_wait3A_77] : memref<10000x128xf32, #tpu.memory_space<hbm>> -> memref<80x128xf32, #tpu.memory_space<hbm>>
      %dma_wait3A_79 = arith.constant 0 : i32
      %dma_wait3A_80 = arith.constant 0 : i32
      %dma_wait3A_81 = tpu.memref_slice %arg2[%dma_wait3A_79, %dma_wait3A_80] : memref<10000x128xf32, #tpu.memory_space<hbm>> -> memref<80x128xf32, #tpu.memory_space<hbm>>
      tpu.wait_dma2 semaphore(%arg11 : memref<!tpu.dma_semaphore, #tpu.memory_space<semaphore_mem>>) src(%dma_wait3A_81 : memref<80x128xf32, #tpu.memory_space<hbm>>) dst(%arg8 : memref<80x128xf32, #tpu.memory_space<vmem>>)
      "tpu.region"() ({
        %run_scoped3A_106 = tpu.sem_alloc : memref<!tpu.dma_semaphore, #tpu.memory_space<semaphore_mem>>
        %dma_start3A_107 = arith.constant 0 : i32
        %dma_start3A_108 = tpu.memref_slice %arg6[%add3A_75, %dma_start3A_107] : memref<125x80xi32, #tpu.memory_space<vmem>> -> memref<1x80xi32, #tpu.memory_space<vmem>>
        %dma_start3A_109 = tpu.memref_squeeze %dma_start3A_108 : memref<1x80xi32, #tpu.memory_space<vmem>> -> memref<80xi32, #tpu.memory_space<vmem>>
        %dma_start3A_110 = arith.constant 0 : i32
        %dma_start3A_111 = arith.constant 0 : i32
        %dma_start3A_112 = tpu.memref_slice %arg5[%dma_start3A_110, %dma_start3A_111] : memref<10000x128xf32, #tpu.memory_space<vmem_shared>> -> memref<10000x128xf32, #tpu.memory_space<vmem_shared>>
        tpu.enqueue_indirect_dma source(%dma_start3A_112 : memref<10000x128xf32, #tpu.memory_space<vmem_shared>>) target(%arg8 : memref<80x128xf32, #tpu.memory_space<vmem>>) offsets(%dma_start3A_109 : memref<80xi32, #tpu.memory_space<vmem>>) semaphore(%run_scoped3A_106 : memref<!tpu.dma_semaphore, #tpu.memory_space<semaphore_mem>>)
        %dma_wait3A_113 = arith.constant 0 : i32
        %dma_wait3A_114 = tpu.memref_slice %arg6[%add3A_75, %dma_wait3A_113] : memref<125x80xi32, #tpu.memory_space<vmem>> -> memref<1x80xi32, #tpu.memory_space<vmem>>
        %dma_wait3A_115 = tpu.memref_squeeze %dma_wait3A_114 : memref<1x80xi32, #tpu.memory_space<vmem>> -> memref<80xi32, #tpu.memory_space<vmem>>
        %dma_wait3A_116 = arith.constant 0 : i32
        %dma_wait3A_117 = arith.constant 0 : i32
        %dma_wait3A_118 = tpu.memref_slice %arg5[%dma_wait3A_116, %dma_wait3A_117] : memref<10000x128xf32, #tpu.memory_space<vmem_shared>> -> memref<10000x128xf32, #tpu.memory_space<vmem_shared>>
        tpu.wait_indirect_dma semaphore(%run_scoped3A_106 : memref<!tpu.dma_semaphore, #tpu.memory_space<semaphore_mem>>) src(%dma_wait3A_118 : memref<10000x128xf32, #tpu.memory_space<vmem_shared>>) dst(%arg8 : memref<80x128xf32, #tpu.memory_space<vmem>>)
        tpu.yield
      }) : () -> ()
      %mul3A_82 = arith.constant 80 : i32
      %mul3A_83 = arith.muli %add3A_75, %mul3A_82 : i32
      %add3A_84 = arith.addi %mul3A_6, %mul3A_83 : i32
      %dma_start3A_85 = arith.constant 0 : i32
      %dma_start3A_86 = tpu.memref_slice %arg4[%add3A_84, %dma_start3A_85] : memref<320000x128xf32, #tpu.memory_space<hbm>> -> memref<80x128xf32, #tpu.memory_space<hbm>>
      %dma_start3A_87 = arith.constant 0 : i32
      %dma_start3A_88 = tpu.memref_slice %arg4[%add3A_84, %dma_start3A_87] : memref<320000x128xf32, #tpu.memory_space<hbm>> -> memref<80x128xf32, #tpu.memory_space<hbm>>
      tpu.enqueue_dma source(%arg8 : memref<80x128xf32, #tpu.memory_space<vmem>>) target(%dma_start3A_88 : memref<80x128xf32, #tpu.memory_space<hbm>>) target_semaphore(%arg11 : memref<!tpu.dma_semaphore, #tpu.memory_space<semaphore_mem>>)
      %mul3A_89 = arith.constant 3 : i32
      %mul3A_90 = arith.muli %scan3A_54, %mul3A_89 : i32
      %add3A_91 = arith.constant 2 : i32
      %add3A_92 = arith.addi %mul3A_90, %add3A_91 : i32
      %dma_wait3A_93 = arith.constant 0 : i32
      %dma_wait3A_94 = arith.constant 0 : i32
      %dma_wait3A_95 = tpu.memref_slice %arg2[%dma_wait3A_93, %dma_wait3A_94] : memref<10000x128xf32, #tpu.memory_space<hbm>> -> memref<80x128xf32, #tpu.memory_space<hbm>>
      %dma_wait3A_96 = arith.constant 0 : i32
      %dma_wait3A_97 = arith.constant 0 : i32
      %dma_wait3A_98 = tpu.memref_slice %arg2[%dma_wait3A_96, %dma_wait3A_97] : memref<10000x128xf32, #tpu.memory_space<hbm>> -> memref<80x128xf32, #tpu.memory_space<hbm>>
      tpu.wait_dma2 semaphore(%arg12 : memref<!tpu.dma_semaphore, #tpu.memory_space<semaphore_mem>>) src(%dma_wait3A_98 : memref<80x128xf32, #tpu.memory_space<hbm>>) dst(%arg9 : memref<80x128xf32, #tpu.memory_space<vmem>>)
      "tpu.region"() ({
        %run_scoped3A_106 = tpu.sem_alloc : memref<!tpu.dma_semaphore, #tpu.memory_space<semaphore_mem>>
        %dma_start3A_107 = arith.constant 0 : i32
        %dma_start3A_108 = tpu.memref_slice %arg6[%add3A_92, %dma_start3A_107] : memref<125x80xi32, #tpu.memory_space<vmem>> -> memref<1x80xi32, #tpu.memory_space<vmem>>
        %dma_start3A_109 = tpu.memref_squeeze %dma_start3A_108 : memref<1x80xi32, #tpu.memory_space<vmem>> -> memref<80xi32, #tpu.memory_space<vmem>>
        %dma_start3A_110 = arith.constant 0 : i32
        %dma_start3A_111 = arith.constant 0 : i32
        %dma_start3A_112 = tpu.memref_slice %arg5[%dma_start3A_110, %dma_start3A_111] : memref<10000x128xf32, #tpu.memory_space<vmem_shared>> -> memref<10000x128xf32, #tpu.memory_space<vmem_shared>>
        tpu.enqueue_indirect_dma source(%dma_start3A_112 : memref<10000x128xf32, #tpu.memory_space<vmem_shared>>) target(%arg9 : memref<80x128xf32, #tpu.memory_space<vmem>>) offsets(%dma_start3A_109 : memref<80xi32, #tpu.memory_space<vmem>>) semaphore(%run_scoped3A_106 : memref<!tpu.dma_semaphore, #tpu.memory_space<semaphore_mem>>)
        %dma_wait3A_113 = arith.constant 0 : i32
        %dma_wait3A_114 = tpu.memref_slice %arg6[%add3A_92, %dma_wait3A_113] : memref<125x80xi32, #tpu.memory_space<vmem>> -> memref<1x80xi32, #tpu.memory_space<vmem>>
        %dma_wait3A_115 = tpu.memref_squeeze %dma_wait3A_114 : memref<1x80xi32, #tpu.memory_space<vmem>> -> memref<80xi32, #tpu.memory_space<vmem>>
        %dma_wait3A_116 = arith.constant 0 : i32
        %dma_wait3A_117 = arith.constant 0 : i32
        %dma_wait3A_118 = tpu.memref_slice %arg5[%dma_wait3A_116, %dma_wait3A_117] : memref<10000x128xf32, #tpu.memory_space<vmem_shared>> -> memref<10000x128xf32, #tpu.memory_space<vmem_shared>>
        tpu.wait_indirect_dma semaphore(%run_scoped3A_106 : memref<!tpu.dma_semaphore, #tpu.memory_space<semaphore_mem>>) src(%dma_wait3A_118 : memref<10000x128xf32, #tpu.memory_space<vmem_shared>>) dst(%arg9 : memref<80x128xf32, #tpu.memory_space<vmem>>)
        tpu.yield
      }) : () -> ()
      %mul3A_99 = arith.constant 80 : i32
      %mul3A_100 = arith.muli %add3A_92, %mul3A_99 : i32
      %add3A_101 = arith.addi %mul3A_6, %mul3A_100 : i32
      %dma_start3A_102 = arith.constant 0 : i32
      %dma_start3A_103 = tpu.memref_slice %arg4[%add3A_101, %dma_start3A_102] : memref<320000x128xf32, #tpu.memory_space<hbm>> -> memref<80x128xf32, #tpu.memory_space<hbm>>
      %dma_start3A_104 = arith.constant 0 : i32
      %dma_start3A_105 = tpu.memref_slice %arg4[%add3A_101, %dma_start3A_104] : memref<320000x128xf32, #tpu.memory_space<hbm>> -> memref<80x128xf32, #tpu.memory_space<hbm>>
      tpu.enqueue_dma source(%arg9 : memref<80x128xf32, #tpu.memory_space<vmem>>) target(%dma_start3A_105 : memref<80x128xf32, #tpu.memory_space<hbm>>) target_semaphore(%arg12 : memref<!tpu.dma_semaphore, #tpu.memory_space<semaphore_mem>>)
    }
    %scan3A_30 = arith.constant 40 : i32
    %dma_wait3A = arith.constant 0 : i32
    %dma_wait3A_31 = arith.constant 0 : i32
    %dma_wait3A_32 = tpu.memref_slice %arg2[%dma_wait3A, %dma_wait3A_31] : memref<10000x128xf32, #tpu.memory_space<hbm>> -> memref<80x128xf32, #tpu.memory_space<hbm>>
    %dma_wait3A_33 = arith.constant 0 : i32
    %dma_wait3A_34 = arith.constant 0 : i32
    %dma_wait3A_35 = tpu.memref_slice %arg2[%dma_wait3A_33, %dma_wait3A_34] : memref<10000x128xf32, #tpu.memory_space<hbm>> -> memref<80x128xf32, #tpu.memory_space<hbm>>
    tpu.wait_dma2 semaphore(%arg10 : memref<!tpu.dma_semaphore, #tpu.memory_space<semaphore_mem>>) src(%dma_wait3A_35 : memref<80x128xf32, #tpu.memory_space<hbm>>) dst(%arg7 : memref<80x128xf32, #tpu.memory_space<vmem>>)
    %run_scoped3A_36 = arith.constant 123 : i32
    "tpu.region"() ({
      %run_scoped3A_54 = tpu.sem_alloc : memref<!tpu.dma_semaphore, #tpu.memory_space<semaphore_mem>>
      %dma_start3A_55 = arith.constant 0 : i32
      %dma_start3A_56 = tpu.memref_slice %arg6[%run_scoped3A_36, %dma_start3A_55] : memref<125x80xi32, #tpu.memory_space<vmem>> -> memref<1x80xi32, #tpu.memory_space<vmem>>
      %dma_start3A_57 = tpu.memref_squeeze %dma_start3A_56 : memref<1x80xi32, #tpu.memory_space<vmem>> -> memref<80xi32, #tpu.memory_space<vmem>>
      %dma_start3A_58 = arith.constant 0 : i32
      %dma_start3A_59 = arith.constant 0 : i32
      %dma_start3A_60 = tpu.memref_slice %arg5[%dma_start3A_58, %dma_start3A_59] : memref<10000x128xf32, #tpu.memory_space<vmem_shared>> -> memref<10000x128xf32, #tpu.memory_space<vmem_shared>>
      tpu.enqueue_indirect_dma source(%dma_start3A_60 : memref<10000x128xf32, #tpu.memory_space<vmem_shared>>) target(%arg7 : memref<80x128xf32, #tpu.memory_space<vmem>>) offsets(%dma_start3A_57 : memref<80xi32, #tpu.memory_space<vmem>>) semaphore(%run_scoped3A_54 : memref<!tpu.dma_semaphore, #tpu.memory_space<semaphore_mem>>)
      %dma_wait3A_61 = arith.constant 0 : i32
      %dma_wait3A_62 = tpu.memref_slice %arg6[%run_scoped3A_36, %dma_wait3A_61] : memref<125x80xi32, #tpu.memory_space<vmem>> -> memref<1x80xi32, #tpu.memory_space<vmem>>
      %dma_wait3A_63 = tpu.memref_squeeze %dma_wait3A_62 : memref<1x80xi32, #tpu.memory_space<vmem>> -> memref<80xi32, #tpu.memory_space<vmem>>
      %dma_wait3A_64 = arith.constant 0 : i32
      %dma_wait3A_65 = arith.constant 0 : i32
      %dma_wait3A_66 = tpu.memref_slice %arg5[%dma_wait3A_64, %dma_wait3A_65] : memref<10000x128xf32, #tpu.memory_space<vmem_shared>> -> memref<10000x128xf32, #tpu.memory_space<vmem_shared>>
      tpu.wait_indirect_dma semaphore(%run_scoped3A_54 : memref<!tpu.dma_semaphore, #tpu.memory_space<semaphore_mem>>) src(%dma_wait3A_66 : memref<10000x128xf32, #tpu.memory_space<vmem_shared>>) dst(%arg7 : memref<80x128xf32, #tpu.memory_space<vmem>>)
      tpu.yield
    }) : () -> ()
    %add3A_37 = arith.constant 9840 : i32
    %add3A_38 = arith.addi %mul3A_6, %add3A_37 : i32
    "tpu.region"() ({
      %run_scoped3A_54 = tpu.sem_alloc : memref<!tpu.dma_semaphore, #tpu.memory_space<semaphore_mem>>
      %dma_start3A_55 = arith.constant 0 : i32
      %dma_start3A_56 = tpu.memref_slice %arg4[%add3A_38, %dma_start3A_55] : memref<320000x128xf32, #tpu.memory_space<hbm>> -> memref<80x128xf32, #tpu.memory_space<hbm>>
      %dma_start3A_57 = arith.constant 0 : i32
      %dma_start3A_58 = tpu.memref_slice %arg4[%add3A_38, %dma_start3A_57] : memref<320000x128xf32, #tpu.memory_space<hbm>> -> memref<80x128xf32, #tpu.memory_space<hbm>>
      tpu.enqueue_dma source(%arg7 : memref<80x128xf32, #tpu.memory_space<vmem>>) target(%dma_start3A_58 : memref<80x128xf32, #tpu.memory_space<hbm>>) target_semaphore(%run_scoped3A_54 : memref<!tpu.dma_semaphore, #tpu.memory_space<semaphore_mem>>)
      %dma_wait3A_59 = arith.constant 0 : i32
      %dma_wait3A_60 = tpu.memref_slice %arg4[%add3A_38, %dma_wait3A_59] : memref<320000x128xf32, #tpu.memory_space<hbm>> -> memref<80x128xf32, #tpu.memory_space<hbm>>
      %dma_wait3A_61 = arith.constant 0 : i32
      %dma_wait3A_62 = tpu.memref_slice %arg4[%add3A_38, %dma_wait3A_61] : memref<320000x128xf32, #tpu.memory_space<hbm>> -> memref<80x128xf32, #tpu.memory_space<hbm>>
      tpu.wait_dma2 semaphore(%run_scoped3A_54 : memref<!tpu.dma_semaphore, #tpu.memory_space<semaphore_mem>>) src(%arg7 : memref<80x128xf32, #tpu.memory_space<vmem>>) dst(%dma_wait3A_62 : memref<80x128xf32, #tpu.memory_space<hbm>>)
      tpu.yield
    }) : () -> ()
    %dma_wait3A_39 = arith.constant 0 : i32
    %dma_wait3A_40 = arith.constant 0 : i32
    %dma_wait3A_41 = tpu.memref_slice %arg2[%dma_wait3A_39, %dma_wait3A_40] : memref<10000x128xf32, #tpu.memory_space<hbm>> -> memref<80x128xf32, #tpu.memory_space<hbm>>
    %dma_wait3A_42 = arith.constant 0 : i32
    %dma_wait3A_43 = arith.constant 0 : i32
    %dma_wait3A_44 = tpu.memref_slice %arg2[%dma_wait3A_42, %dma_wait3A_43] : memref<10000x128xf32, #tpu.memory_space<hbm>> -> memref<80x128xf32, #tpu.memory_space<hbm>>
    tpu.wait_dma2 semaphore(%arg11 : memref<!tpu.dma_semaphore, #tpu.memory_space<semaphore_mem>>) src(%dma_wait3A_44 : memref<80x128xf32, #tpu.memory_space<hbm>>) dst(%arg8 : memref<80x128xf32, #tpu.memory_space<vmem>>)
    %run_scoped3A_45 = arith.constant 124 : i32
    "tpu.region"() ({
      %run_scoped3A_54 = tpu.sem_alloc : memref<!tpu.dma_semaphore, #tpu.memory_space<semaphore_mem>>
      %dma_start3A_55 = arith.constant 0 : i32
      %dma_start3A_56 = tpu.memref_slice %arg6[%run_scoped3A_45, %dma_start3A_55] : memref<125x80xi32, #tpu.memory_space<vmem>> -> memref<1x80xi32, #tpu.memory_space<vmem>>
      %dma_start3A_57 = tpu.memref_squeeze %dma_start3A_56 : memref<1x80xi32, #tpu.memory_space<vmem>> -> memref<80xi32, #tpu.memory_space<vmem>>
      %dma_start3A_58 = arith.constant 0 : i32
      %dma_start3A_59 = arith.constant 0 : i32
      %dma_start3A_60 = tpu.memref_slice %arg5[%dma_start3A_58, %dma_start3A_59] : memref<10000x128xf32, #tpu.memory_space<vmem_shared>> -> memref<10000x128xf32, #tpu.memory_space<vmem_shared>>
      tpu.enqueue_indirect_dma source(%dma_start3A_60 : memref<10000x128xf32, #tpu.memory_space<vmem_shared>>) target(%arg8 : memref<80x128xf32, #tpu.memory_space<vmem>>) offsets(%dma_start3A_57 : memref<80xi32, #tpu.memory_space<vmem>>) semaphore(%run_scoped3A_54 : memref<!tpu.dma_semaphore, #tpu.memory_space<semaphore_mem>>)
      %dma_wait3A_61 = arith.constant 0 : i32
      %dma_wait3A_62 = tpu.memref_slice %arg6[%run_scoped3A_45, %dma_wait3A_61] : memref<125x80xi32, #tpu.memory_space<vmem>> -> memref<1x80xi32, #tpu.memory_space<vmem>>
      %dma_wait3A_63 = tpu.memref_squeeze %dma_wait3A_62 : memref<1x80xi32, #tpu.memory_space<vmem>> -> memref<80xi32, #tpu.memory_space<vmem>>
      %dma_wait3A_64 = arith.constant 0 : i32
      %dma_wait3A_65 = arith.constant 0 : i32
      %dma_wait3A_66 = tpu.memref_slice %arg5[%dma_wait3A_64, %dma_wait3A_65] : memref<10000x128xf32, #tpu.memory_space<vmem_shared>> -> memref<10000x128xf32, #tpu.memory_space<vmem_shared>>
      tpu.wait_indirect_dma semaphore(%run_scoped3A_54 : memref<!tpu.dma_semaphore, #tpu.memory_space<semaphore_mem>>) src(%dma_wait3A_66 : memref<10000x128xf32, #tpu.memory_space<vmem_shared>>) dst(%arg8 : memref<80x128xf32, #tpu.memory_space<vmem>>)
      tpu.yield
    }) : () -> ()
    %add3A_46 = arith.constant 9920 : i32
    %add3A_47 = arith.addi %mul3A_6, %add3A_46 : i32
    "tpu.region"() ({
      %run_scoped3A_54 = tpu.sem_alloc : memref<!tpu.dma_semaphore, #tpu.memory_space<semaphore_mem>>
      %dma_start3A_55 = arith.constant 0 : i32
      %dma_start3A_56 = tpu.memref_slice %arg4[%add3A_47, %dma_start3A_55] : memref<320000x128xf32, #tpu.memory_space<hbm>> -> memref<80x128xf32, #tpu.memory_space<hbm>>
      %dma_start3A_57 = arith.constant 0 : i32
      %dma_start3A_58 = tpu.memref_slice %arg4[%add3A_47, %dma_start3A_57] : memref<320000x128xf32, #tpu.memory_space<hbm>> -> memref<80x128xf32, #tpu.memory_space<hbm>>
      tpu.enqueue_dma source(%arg8 : memref<80x128xf32, #tpu.memory_space<vmem>>) target(%dma_start3A_58 : memref<80x128xf32, #tpu.memory_space<hbm>>) target_semaphore(%run_scoped3A_54 : memref<!tpu.dma_semaphore, #tpu.memory_space<semaphore_mem>>)
      %dma_wait3A_59 = arith.constant 0 : i32
      %dma_wait3A_60 = tpu.memref_slice %arg4[%add3A_47, %dma_wait3A_59] : memref<320000x128xf32, #tpu.memory_space<hbm>> -> memref<80x128xf32, #tpu.memory_space<hbm>>
      %dma_wait3A_61 = arith.constant 0 : i32
      %dma_wait3A_62 = tpu.memref_slice %arg4[%add3A_47, %dma_wait3A_61] : memref<320000x128xf32, #tpu.memory_space<hbm>> -> memref<80x128xf32, #tpu.memory_space<hbm>>
      tpu.wait_dma2 semaphore(%run_scoped3A_54 : memref<!tpu.dma_semaphore, #tpu.memory_space<semaphore_mem>>) src(%arg8 : memref<80x128xf32, #tpu.memory_space<vmem>>) dst(%dma_wait3A_62 : memref<80x128xf32, #tpu.memory_space<hbm>>)
      tpu.yield
    }) : () -> ()
    %dma_wait3A_48 = arith.constant 0 : i32
    %dma_wait3A_49 = arith.constant 0 : i32
    %dma_wait3A_50 = tpu.memref_slice %arg2[%dma_wait3A_48, %dma_wait3A_49] : memref<10000x128xf32, #tpu.memory_space<hbm>> -> memref<80x128xf32, #tpu.memory_space<hbm>>
    %dma_wait3A_51 = arith.constant 0 : i32
    %dma_wait3A_52 = arith.constant 0 : i32
    %dma_wait3A_53 = tpu.memref_slice %arg2[%dma_wait3A_51, %dma_wait3A_52] : memref<10000x128xf32, #tpu.memory_space<hbm>> -> memref<80x128xf32, #tpu.memory_space<hbm>>
    tpu.wait_dma2 semaphore(%arg12 : memref<!tpu.dma_semaphore, #tpu.memory_space<semaphore_mem>>) src(%dma_wait3A_53 : memref<80x128xf32, #tpu.memory_space<hbm>>) dst(%arg9 : memref<80x128xf32, #tpu.memory_space<vmem>>)
    return
  }
}

#map = affine_map<(d0, d1) -> (0, 0)>
#map1 = affine_map<(d0, d1) -> (0, 0, 0)>
module attributes {stable_mosaic.version = 14 : i64} {
  func.func @_scatter_kernel(%arg0: i32, %arg1: i32, %arg2: memref<320000x128xf32, #tpu.memory_space<hbm>>, %arg3: memref<32x125x80xi32, #tpu.memory_space<hbm>>, %arg4: memref<2x10000x128xf32, #tpu.memory_space<hbm>>, %arg5: memref<10000x128xf32, #tpu.memory_space<vmem_shared>>, %arg6: memref<125x80xi32, #tpu.memory_space<vmem>>, %arg7: memref<80x128xf32, #tpu.memory_space<vmem>>, %arg8: memref<80x128xf32, #tpu.memory_space<vmem>>, %arg9: memref<80x128xf32, #tpu.memory_space<vmem>>, %arg10: memref<!tpu.dma_semaphore, #tpu.memory_space<semaphore_mem>>, %arg11: memref<!tpu.dma_semaphore, #tpu.memory_space<semaphore_mem>>, %arg12: memref<!tpu.dma_semaphore, #tpu.memory_space<semaphore_mem>>) attributes {dimension_semantics = [#tpu.dimension_semantics<core_parallel>, #tpu.dimension_semantics<subcore_parallel>], iteration_bounds = array<i64: 2, 16>, scalar_prefetch = 0 : i64, scratch_operands = 8 : i64, tpu.core_type = #tpu.core_type<sc_vector_subcore>, window_params = [{transform_indices = #map}, {transform_indices = #map1}, {transform_indices = #map1}]} {
    %mul3A = arith.constant 2 : i32
    %mul3A_0 = arith.muli %arg1, %mul3A : i32
    %add3A = arith.addi %mul3A_0, %arg0 : i32
    %scan3A = arith.constant 0 : i32
    %scan3A_1 = arith.constant 80 : i32
    %scan3A_2 = arith.addi %scan3A, %scan3A_1 : i32
    %scan3A_3 = arith.constant 1 : i32
    scf.for %scan3A_52 = %scan3A to %scan3A_2 step %scan3A_3  : i32 {
      %broadcast_in_dim3A = arith.constant 0.000000e+00 : f32
      %broadcast_in_dim3A_53 = vector.broadcast %broadcast_in_dim3A : f32 to vector<16xf32>
      %swap3A = arith.index_cast %scan3A_52 : i32 to index
      %swap3A_54 = arith.constant 0 : index
      %swap3A_55 = tpu.vector_load %arg7[%swap3A, %swap3A_54] {strides = array<i32>} : memref<80x128xf32, #tpu.memory_space<vmem>>, vector<1x16xf32>,
      %swap3A_56 = vector.shape_cast %swap3A_55 : vector<1x16xf32> to vector<16xf32>
      %swap3A_57 = vector.shape_cast %broadcast_in_dim3A_53 : vector<16xf32> to vector<1x16xf32>
      tpu.vector_store %arg7[%swap3A, %swap3A_54], %swap3A_57 {strides = array<i32>} : memref<80x128xf32, #tpu.memory_space<vmem>>, vector<1x16xf32>,
      %broadcast_in_dim3A_58 = arith.constant 0.000000e+00 : f32
      %broadcast_in_dim3A_59 = vector.broadcast %broadcast_in_dim3A_58 : f32 to vector<16xf32>
      %swap3A_60 = arith.index_cast %scan3A_52 : i32 to index
      %swap3A_61 = arith.constant 16 : index
      %swap3A_62 = tpu.vector_load %arg7[%swap3A_60, %swap3A_61] {strides = array<i32>} : memref<80x128xf32, #tpu.memory_space<vmem>>, vector<1x16xf32>,
      %swap3A_63 = vector.shape_cast %swap3A_62 : vector<1x16xf32> to vector<16xf32>
      %swap3A_64 = vector.shape_cast %broadcast_in_dim3A_59 : vector<16xf32> to vector<1x16xf32>
      tpu.vector_store %arg7[%swap3A_60, %swap3A_61], %swap3A_64 {strides = array<i32>} : memref<80x128xf32, #tpu.memory_space<vmem>>, vector<1x16xf32>,
      %broadcast_in_dim3A_65 = arith.constant 0.000000e+00 : f32
      %broadcast_in_dim3A_66 = vector.broadcast %broadcast_in_dim3A_65 : f32 to vector<16xf32>
      %swap3A_67 = arith.index_cast %scan3A_52 : i32 to index
      %swap3A_68 = arith.constant 32 : index
      %swap3A_69 = tpu.vector_load %arg7[%swap3A_67, %swap3A_68] {strides = array<i32>} : memref<80x128xf32, #tpu.memory_space<vmem>>, vector<1x16xf32>,
      %swap3A_70 = vector.shape_cast %swap3A_69 : vector<1x16xf32> to vector<16xf32>
      %swap3A_71 = vector.shape_cast %broadcast_in_dim3A_66 : vector<16xf32> to vector<1x16xf32>
      tpu.vector_store %arg7[%swap3A_67, %swap3A_68], %swap3A_71 {strides = array<i32>} : memref<80x128xf32, #tpu.memory_space<vmem>>, vector<1x16xf32>,
      %broadcast_in_dim3A_72 = arith.constant 0.000000e+00 : f32
      %broadcast_in_dim3A_73 = vector.broadcast %broadcast_in_dim3A_72 : f32 to vector<16xf32>
      %swap3A_74 = arith.index_cast %scan3A_52 : i32 to index
      %swap3A_75 = arith.constant 48 : index
      %swap3A_76 = tpu.vector_load %arg7[%swap3A_74, %swap3A_75] {strides = array<i32>} : memref<80x128xf32, #tpu.memory_space<vmem>>, vector<1x16xf32>,
      %swap3A_77 = vector.shape_cast %swap3A_76 : vector<1x16xf32> to vector<16xf32>
      %swap3A_78 = vector.shape_cast %broadcast_in_dim3A_73 : vector<16xf32> to vector<1x16xf32>
      tpu.vector_store %arg7[%swap3A_74, %swap3A_75], %swap3A_78 {strides = array<i32>} : memref<80x128xf32, #tpu.memory_space<vmem>>, vector<1x16xf32>,
      %broadcast_in_dim3A_79 = arith.constant 0.000000e+00 : f32
      %broadcast_in_dim3A_80 = vector.broadcast %broadcast_in_dim3A_79 : f32 to vector<16xf32>
      %swap3A_81 = arith.index_cast %scan3A_52 : i32 to index
      %swap3A_82 = arith.constant 64 : index
      %swap3A_83 = tpu.vector_load %arg7[%swap3A_81, %swap3A_82] {strides = array<i32>} : memref<80x128xf32, #tpu.memory_space<vmem>>, vector<1x16xf32>,
      %swap3A_84 = vector.shape_cast %swap3A_83 : vector<1x16xf32> to vector<16xf32>
      %swap3A_85 = vector.shape_cast %broadcast_in_dim3A_80 : vector<16xf32> to vector<1x16xf32>
      tpu.vector_store %arg7[%swap3A_81, %swap3A_82], %swap3A_85 {strides = array<i32>} : memref<80x128xf32, #tpu.memory_space<vmem>>, vector<1x16xf32>,
      %broadcast_in_dim3A_86 = arith.constant 0.000000e+00 : f32
      %broadcast_in_dim3A_87 = vector.broadcast %broadcast_in_dim3A_86 : f32 to vector<16xf32>
      %swap3A_88 = arith.index_cast %scan3A_52 : i32 to index
      %swap3A_89 = arith.constant 80 : index
      %swap3A_90 = tpu.vector_load %arg7[%swap3A_88, %swap3A_89] {strides = array<i32>} : memref<80x128xf32, #tpu.memory_space<vmem>>, vector<1x16xf32>,
      %swap3A_91 = vector.shape_cast %swap3A_90 : vector<1x16xf32> to vector<16xf32>
      %swap3A_92 = vector.shape_cast %broadcast_in_dim3A_87 : vector<16xf32> to vector<1x16xf32>
      tpu.vector_store %arg7[%swap3A_88, %swap3A_89], %swap3A_92 {strides = array<i32>} : memref<80x128xf32, #tpu.memory_space<vmem>>, vector<1x16xf32>,
      %broadcast_in_dim3A_93 = arith.constant 0.000000e+00 : f32
      %broadcast_in_dim3A_94 = vector.broadcast %broadcast_in_dim3A_93 : f32 to vector<16xf32>
      %swap3A_95 = arith.index_cast %scan3A_52 : i32 to index
      %swap3A_96 = arith.constant 96 : index
      %swap3A_97 = tpu.vector_load %arg7[%swap3A_95, %swap3A_96] {strides = array<i32>} : memref<80x128xf32, #tpu.memory_space<vmem>>, vector<1x16xf32>,
      %swap3A_98 = vector.shape_cast %swap3A_97 : vector<1x16xf32> to vector<16xf32>
      %swap3A_99 = vector.shape_cast %broadcast_in_dim3A_94 : vector<16xf32> to vector<1x16xf32>
      tpu.vector_store %arg7[%swap3A_95, %swap3A_96], %swap3A_99 {strides = array<i32>} : memref<80x128xf32, #tpu.memory_space<vmem>>, vector<1x16xf32>,
      %broadcast_in_dim3A_100 = arith.constant 0.000000e+00 : f32
      %broadcast_in_dim3A_101 = vector.broadcast %broadcast_in_dim3A_100 : f32 to vector<16xf32>
      %swap3A_102 = arith.index_cast %scan3A_52 : i32 to index
      %swap3A_103 = arith.constant 112 : index
      %swap3A_104 = tpu.vector_load %arg7[%swap3A_102, %swap3A_103] {strides = array<i32>} : memref<80x128xf32, #tpu.memory_space<vmem>>, vector<1x16xf32>,
      %swap3A_105 = vector.shape_cast %swap3A_104 : vector<1x16xf32> to vector<16xf32>
      %swap3A_106 = vector.shape_cast %broadcast_in_dim3A_101 : vector<16xf32> to vector<1x16xf32>
      tpu.vector_store %arg7[%swap3A_102, %swap3A_103], %swap3A_106 {strides = array<i32>} : memref<80x128xf32, #tpu.memory_space<vmem>>, vector<1x16xf32>,
    }
    %scan3A_4 = arith.constant 80 : i32
    %scan3A_5 = arith.constant 0 : i32
    %scan3A_6 = arith.constant 8 : i32
    %scan3A_7 = arith.addi %scan3A_5, %scan3A_6 : i32
    %scan3A_8 = arith.constant 1 : i32
    scf.for %scan3A_52 = %scan3A_5 to %scan3A_7 step %scan3A_8  : i32 {
      %mul3A_53 = arith.constant 16 : i32
      %mul3A_54 = arith.muli %scan3A_52, %mul3A_53 : i32
      %add3A_55 = arith.addi %arg1, %mul3A_54 : i32
      %lt3A = arith.constant 125 : i32
      %lt3A_56 = arith.cmpi slt, %add3A_55, %lt3A : i32
      %convert_element_type3A = arith.extui %lt3A_56 : i1 to i32
      %cond3A = arith.constant 0 : i32
      %cond3A_57 = arith.cmpi ne, %convert_element_type3A, %cond3A : i32
      scf.if %cond3A_57 {
        %mul3A_58 = arith.constant 80 : i32
        %mul3A_59 = arith.muli %add3A_55, %mul3A_58 : i32
        "tpu.region"() ({
          %run_scoped3A_60 = tpu.sem_alloc : memref<!tpu.dma_semaphore, #tpu.memory_space<semaphore_mem>>
          %dma_start3A_61 = arith.constant 0 : i32
          %dma_start3A_62 = tpu.memref_slice %arg5[%mul3A_59, %dma_start3A_61] : memref<10000x128xf32, #tpu.memory_space<vmem_shared>> -> memref<80x128xf32, #tpu.memory_space<vmem_shared>>
          %dma_start3A_63 = arith.constant 0 : i32
          %dma_start3A_64 = tpu.memref_slice %arg5[%mul3A_59, %dma_start3A_63] : memref<10000x128xf32, #tpu.memory_space<vmem_shared>> -> memref<80x128xf32, #tpu.memory_space<vmem_shared>>
          tpu.enqueue_dma source(%arg7 : memref<80x128xf32, #tpu.memory_space<vmem>>) target(%dma_start3A_64 : memref<80x128xf32, #tpu.memory_space<vmem_shared>>) target_semaphore(%run_scoped3A_60 : memref<!tpu.dma_semaphore, #tpu.memory_space<semaphore_mem>>)
          %dma_wait3A_65 = arith.constant 0 : i32
          %dma_wait3A_66 = tpu.memref_slice %arg5[%mul3A_59, %dma_wait3A_65] : memref<10000x128xf32, #tpu.memory_space<vmem_shared>> -> memref<80x128xf32, #tpu.memory_space<vmem_shared>>
          %dma_wait3A_67 = arith.constant 0 : i32
          %dma_wait3A_68 = tpu.memref_slice %arg5[%mul3A_59, %dma_wait3A_67] : memref<10000x128xf32, #tpu.memory_space<vmem_shared>> -> memref<80x128xf32, #tpu.memory_space<vmem_shared>>
          tpu.wait_dma2 semaphore(%run_scoped3A_60 : memref<!tpu.dma_semaphore, #tpu.memory_space<semaphore_mem>>) src(%arg7 : memref<80x128xf32, #tpu.memory_space<vmem>>) dst(%dma_wait3A_68 : memref<80x128xf32, #tpu.memory_space<vmem_shared>>)
          tpu.yield
        }) : () -> ()
      } else {
      }
    }
    %scan3A_9 = arith.constant 8 : i32
    %barrier3A = arith.constant 0 : index
    tpu.barrier barrier_id(%barrier3A)
    "tpu.region"() ({
      %run_scoped3A_52 = tpu.sem_alloc : memref<!tpu.dma_semaphore, #tpu.memory_space<semaphore_mem>>
      %dma_start3A_53 = arith.constant 0 : i32
      %dma_start3A_54 = arith.constant 0 : i32
      %dma_start3A_55 = tpu.memref_slice %arg3[%add3A, %dma_start3A_53, %dma_start3A_54] : memref<32x125x80xi32, #tpu.memory_space<hbm>> -> memref<1x125x80xi32, #tpu.memory_space<hbm>>
      %dma_start3A_56 = tpu.memref_squeeze %dma_start3A_55 : memref<1x125x80xi32, #tpu.memory_space<hbm>> -> memref<125x80xi32, #tpu.memory_space<hbm>>
      %dma_start3A_57 = arith.constant 0 : i32
      %dma_start3A_58 = arith.constant 0 : i32
      %dma_start3A_59 = tpu.memref_slice %arg3[%add3A, %dma_start3A_57, %dma_start3A_58] : memref<32x125x80xi32, #tpu.memory_space<hbm>> -> memref<1x125x80xi32, #tpu.memory_space<hbm>>
      %dma_start3A_60 = tpu.memref_squeeze %dma_start3A_59 : memref<1x125x80xi32, #tpu.memory_space<hbm>> -> memref<125x80xi32, #tpu.memory_space<hbm>>
      tpu.enqueue_dma source(%dma_start3A_60 : memref<125x80xi32, #tpu.memory_space<hbm>>) target(%arg6 : memref<125x80xi32, #tpu.memory_space<vmem>>) target_semaphore(%run_scoped3A_52 : memref<!tpu.dma_semaphore, #tpu.memory_space<semaphore_mem>>)
      %dma_wait3A_61 = arith.constant 0 : i32
      %dma_wait3A_62 = arith.constant 0 : i32
      %dma_wait3A_63 = tpu.memref_slice %arg3[%add3A, %dma_wait3A_61, %dma_wait3A_62] : memref<32x125x80xi32, #tpu.memory_space<hbm>> -> memref<1x125x80xi32, #tpu.memory_space<hbm>>
      %dma_wait3A_64 = tpu.memref_squeeze %dma_wait3A_63 : memref<1x125x80xi32, #tpu.memory_space<hbm>> -> memref<125x80xi32, #tpu.memory_space<hbm>>
      %dma_wait3A_65 = arith.constant 0 : i32
      %dma_wait3A_66 = arith.constant 0 : i32
      %dma_wait3A_67 = tpu.memref_slice %arg3[%add3A, %dma_wait3A_65, %dma_wait3A_66] : memref<32x125x80xi32, #tpu.memory_space<hbm>> -> memref<1x125x80xi32, #tpu.memory_space<hbm>>
      %dma_wait3A_68 = tpu.memref_squeeze %dma_wait3A_67 : memref<1x125x80xi32, #tpu.memory_space<hbm>> -> memref<125x80xi32, #tpu.memory_space<hbm>>
      tpu.wait_dma2 semaphore(%run_scoped3A_52 : memref<!tpu.dma_semaphore, #tpu.memory_space<semaphore_mem>>) src(%dma_wait3A_68 : memref<125x80xi32, #tpu.memory_space<hbm>>) dst(%arg6 : memref<125x80xi32, #tpu.memory_space<vmem>>)
      tpu.yield
    }) : () -> ()
    %mul3A_10 = arith.constant 10000 : i32
    %mul3A_11 = arith.muli %add3A, %mul3A_10 : i32
    %add3A_12 = arith.constant 0 : i32
    %add3A_13 = arith.addi %mul3A_11, %add3A_12 : i32
    %dma_start3A = arith.constant 0 : i32
    %dma_start3A_14 = tpu.memref_slice %arg2[%add3A_13, %dma_start3A] : memref<320000x128xf32, #tpu.memory_space<hbm>> -> memref<80x128xf32, #tpu.memory_space<hbm>>
    %dma_start3A_15 = arith.constant 0 : i32
    %dma_start3A_16 = tpu.memref_slice %arg2[%add3A_13, %dma_start3A_15] : memref<320000x128xf32, #tpu.memory_space<hbm>> -> memref<80x128xf32, #tpu.memory_space<hbm>>
    tpu.enqueue_dma source(%dma_start3A_16 : memref<80x128xf32, #tpu.memory_space<hbm>>) target(%arg7 : memref<80x128xf32, #tpu.memory_space<vmem>>) target_semaphore(%arg10 : memref<!tpu.dma_semaphore, #tpu.memory_space<semaphore_mem>>)
    %add3A_17 = arith.constant 80 : i32
    %add3A_18 = arith.addi %mul3A_11, %add3A_17 : i32
    %dma_start3A_19 = arith.constant 0 : i32
    %dma_start3A_20 = tpu.memref_slice %arg2[%add3A_18, %dma_start3A_19] : memref<320000x128xf32, #tpu.memory_space<hbm>> -> memref<80x128xf32, #tpu.memory_space<hbm>>
    %dma_start3A_21 = arith.constant 0 : i32
    %dma_start3A_22 = tpu.memref_slice %arg2[%add3A_18, %dma_start3A_21] : memref<320000x128xf32, #tpu.memory_space<hbm>> -> memref<80x128xf32, #tpu.memory_space<hbm>>
    tpu.enqueue_dma source(%dma_start3A_22 : memref<80x128xf32, #tpu.memory_space<hbm>>) target(%arg8 : memref<80x128xf32, #tpu.memory_space<vmem>>) target_semaphore(%arg11 : memref<!tpu.dma_semaphore, #tpu.memory_space<semaphore_mem>>)
    %add3A_23 = arith.constant 160 : i32
    %add3A_24 = arith.addi %mul3A_11, %add3A_23 : i32
    %dma_start3A_25 = arith.constant 0 : i32
    %dma_start3A_26 = tpu.memref_slice %arg2[%add3A_24, %dma_start3A_25] : memref<320000x128xf32, #tpu.memory_space<hbm>> -> memref<80x128xf32, #tpu.memory_space<hbm>>
    %dma_start3A_27 = arith.constant 0 : i32
    %dma_start3A_28 = tpu.memref_slice %arg2[%add3A_24, %dma_start3A_27] : memref<320000x128xf32, #tpu.memory_space<hbm>> -> memref<80x128xf32, #tpu.memory_space<hbm>>
    tpu.enqueue_dma source(%dma_start3A_28 : memref<80x128xf32, #tpu.memory_space<hbm>>) target(%arg9 : memref<80x128xf32, #tpu.memory_space<vmem>>) target_semaphore(%arg12 : memref<!tpu.dma_semaphore, #tpu.memory_space<semaphore_mem>>)
    %scan3A_29 = arith.constant 0 : i32
    %scan3A_30 = arith.constant 41 : i32
    %scan3A_31 = arith.addi %scan3A_29, %scan3A_30 : i32
    %scan3A_32 = arith.constant 1 : i32
    scf.for %scan3A_52 = %scan3A_29 to %scan3A_31 step %scan3A_32  : i32 {
      %mul3A_53 = arith.constant 3 : i32
      %mul3A_54 = arith.muli %scan3A_52, %mul3A_53 : i32
      %add3A_55 = arith.constant 0 : i32
      %add3A_56 = arith.addi %mul3A_54, %add3A_55 : i32
      %dma_wait3A_57 = arith.constant 0 : i32
      %dma_wait3A_58 = arith.constant 0 : i32
      %dma_wait3A_59 = tpu.memref_slice %arg2[%dma_wait3A_57, %dma_wait3A_58] : memref<320000x128xf32, #tpu.memory_space<hbm>> -> memref<80x128xf32, #tpu.memory_space<hbm>>
      %dma_wait3A_60 = arith.constant 0 : i32
      %dma_wait3A_61 = arith.constant 0 : i32
      %dma_wait3A_62 = tpu.memref_slice %arg2[%dma_wait3A_60, %dma_wait3A_61] : memref<320000x128xf32, #tpu.memory_space<hbm>> -> memref<80x128xf32, #tpu.memory_space<hbm>>
      tpu.wait_dma2 semaphore(%arg10 : memref<!tpu.dma_semaphore, #tpu.memory_space<semaphore_mem>>) src(%dma_wait3A_62 : memref<80x128xf32, #tpu.memory_space<hbm>>) dst(%arg7 : memref<80x128xf32, #tpu.memory_space<vmem>>)
      "tpu.region"() ({
        %run_scoped3A_101 = tpu.sem_alloc : memref<!tpu.dma_semaphore, #tpu.memory_space<semaphore_mem>>
        %dma_start3A_102 = arith.constant 0 : i32
        %dma_start3A_103 = tpu.memref_slice %arg6[%add3A_56, %dma_start3A_102] : memref<125x80xi32, #tpu.memory_space<vmem>> -> memref<1x80xi32, #tpu.memory_space<vmem>>
        %dma_start3A_104 = tpu.memref_squeeze %dma_start3A_103 : memref<1x80xi32, #tpu.memory_space<vmem>> -> memref<80xi32, #tpu.memory_space<vmem>>
        %dma_start3A_105 = arith.constant 0 : i32
        %dma_start3A_106 = arith.constant 0 : i32
        %dma_start3A_107 = tpu.memref_slice %arg5[%dma_start3A_105, %dma_start3A_106] : memref<10000x128xf32, #tpu.memory_space<vmem_shared>> -> memref<10000x128xf32, #tpu.memory_space<vmem_shared>>
        tpu.enqueue_indirect_dma source(%arg7 : memref<80x128xf32, #tpu.memory_space<vmem>>) target(%dma_start3A_107 : memref<10000x128xf32, #tpu.memory_space<vmem_shared>>) offsets(%dma_start3A_104 : memref<80xi32, #tpu.memory_space<vmem>>) semaphore(%run_scoped3A_101 : memref<!tpu.dma_semaphore, #tpu.memory_space<semaphore_mem>>) {add = true}
        %dma_wait3A_108 = arith.constant 0 : i32
        %dma_wait3A_109 = tpu.memref_slice %arg6[%add3A_56, %dma_wait3A_108] : memref<125x80xi32, #tpu.memory_space<vmem>> -> memref<1x80xi32, #tpu.memory_space<vmem>>
        %dma_wait3A_110 = tpu.memref_squeeze %dma_wait3A_109 : memref<1x80xi32, #tpu.memory_space<vmem>> -> memref<80xi32, #tpu.memory_space<vmem>>
        %dma_wait3A_111 = arith.constant 0 : i32
        %dma_wait3A_112 = arith.constant 0 : i32
        %dma_wait3A_113 = tpu.memref_slice %arg5[%dma_wait3A_111, %dma_wait3A_112] : memref<10000x128xf32, #tpu.memory_space<vmem_shared>> -> memref<10000x128xf32, #tpu.memory_space<vmem_shared>>
        tpu.wait_indirect_dma semaphore(%run_scoped3A_101 : memref<!tpu.dma_semaphore, #tpu.memory_space<semaphore_mem>>) src(%arg7 : memref<80x128xf32, #tpu.memory_space<vmem>>) dst(%dma_wait3A_113 : memref<10000x128xf32, #tpu.memory_space<vmem_shared>>)
        tpu.yield
      }) : () -> ()
      %add3A_63 = arith.constant 3 : i32
      %add3A_64 = arith.addi %add3A_56, %add3A_63 : i32
      %lt3A = arith.constant 125 : i32
      %lt3A_65 = arith.cmpi slt, %add3A_64, %lt3A : i32
      %convert_element_type3A = arith.extui %lt3A_65 : i1 to i32
      %cond3A = arith.constant 0 : i32
      %cond3A_66 = arith.cmpi ne, %convert_element_type3A, %cond3A : i32
      scf.if %cond3A_66 {
        %add3A_101 = arith.constant 3 : i32
        %add3A_102 = arith.addi %add3A_56, %add3A_101 : i32
        %mul3A_103 = arith.constant 80 : i32
        %mul3A_104 = arith.muli %add3A_102, %mul3A_103 : i32
        %add3A_105 = arith.addi %mul3A_11, %mul3A_104 : i32
        %dma_start3A_106 = arith.constant 0 : i32
        %dma_start3A_107 = tpu.memref_slice %arg2[%add3A_105, %dma_start3A_106] : memref<320000x128xf32, #tpu.memory_space<hbm>> -> memref<80x128xf32, #tpu.memory_space<hbm>>
        %dma_start3A_108 = arith.constant 0 : i32
        %dma_start3A_109 = tpu.memref_slice %arg2[%add3A_105, %dma_start3A_108] : memref<320000x128xf32, #tpu.memory_space<hbm>> -> memref<80x128xf32, #tpu.memory_space<hbm>>
        tpu.enqueue_dma source(%dma_start3A_109 : memref<80x128xf32, #tpu.memory_space<hbm>>) target(%arg7 : memref<80x128xf32, #tpu.memory_space<vmem>>) target_semaphore(%arg10 : memref<!tpu.dma_semaphore, #tpu.memory_space<semaphore_mem>>)
      } else {
      }
      %mul3A_67 = arith.constant 3 : i32
      %mul3A_68 = arith.muli %scan3A_52, %mul3A_67 : i32
      %add3A_69 = arith.constant 1 : i32
      %add3A_70 = arith.addi %mul3A_68, %add3A_69 : i32
      %dma_wait3A_71 = arith.constant 0 : i32
      %dma_wait3A_72 = arith.constant 0 : i32
      %dma_wait3A_73 = tpu.memref_slice %arg2[%dma_wait3A_71, %dma_wait3A_72] : memref<320000x128xf32, #tpu.memory_space<hbm>> -> memref<80x128xf32, #tpu.memory_space<hbm>>
      %dma_wait3A_74 = arith.constant 0 : i32
      %dma_wait3A_75 = arith.constant 0 : i32
      %dma_wait3A_76 = tpu.memref_slice %arg2[%dma_wait3A_74, %dma_wait3A_75] : memref<320000x128xf32, #tpu.memory_space<hbm>> -> memref<80x128xf32, #tpu.memory_space<hbm>>
      tpu.wait_dma2 semaphore(%arg11 : memref<!tpu.dma_semaphore, #tpu.memory_space<semaphore_mem>>) src(%dma_wait3A_76 : memref<80x128xf32, #tpu.memory_space<hbm>>) dst(%arg8 : memref<80x128xf32, #tpu.memory_space<vmem>>)
      "tpu.region"() ({
        %run_scoped3A_101 = tpu.sem_alloc : memref<!tpu.dma_semaphore, #tpu.memory_space<semaphore_mem>>
        %dma_start3A_102 = arith.constant 0 : i32
        %dma_start3A_103 = tpu.memref_slice %arg6[%add3A_70, %dma_start3A_102] : memref<125x80xi32, #tpu.memory_space<vmem>> -> memref<1x80xi32, #tpu.memory_space<vmem>>
        %dma_start3A_104 = tpu.memref_squeeze %dma_start3A_103 : memref<1x80xi32, #tpu.memory_space<vmem>> -> memref<80xi32, #tpu.memory_space<vmem>>
        %dma_start3A_105 = arith.constant 0 : i32
        %dma_start3A_106 = arith.constant 0 : i32
        %dma_start3A_107 = tpu.memref_slice %arg5[%dma_start3A_105, %dma_start3A_106] : memref<10000x128xf32, #tpu.memory_space<vmem_shared>> -> memref<10000x128xf32, #tpu.memory_space<vmem_shared>>
        tpu.enqueue_indirect_dma source(%arg8 : memref<80x128xf32, #tpu.memory_space<vmem>>) target(%dma_start3A_107 : memref<10000x128xf32, #tpu.memory_space<vmem_shared>>) offsets(%dma_start3A_104 : memref<80xi32, #tpu.memory_space<vmem>>) semaphore(%run_scoped3A_101 : memref<!tpu.dma_semaphore, #tpu.memory_space<semaphore_mem>>) {add = true}
        %dma_wait3A_108 = arith.constant 0 : i32
        %dma_wait3A_109 = tpu.memref_slice %arg6[%add3A_70, %dma_wait3A_108] : memref<125x80xi32, #tpu.memory_space<vmem>> -> memref<1x80xi32, #tpu.memory_space<vmem>>
        %dma_wait3A_110 = tpu.memref_squeeze %dma_wait3A_109 : memref<1x80xi32, #tpu.memory_space<vmem>> -> memref<80xi32, #tpu.memory_space<vmem>>
        %dma_wait3A_111 = arith.constant 0 : i32
        %dma_wait3A_112 = arith.constant 0 : i32
        %dma_wait3A_113 = tpu.memref_slice %arg5[%dma_wait3A_111, %dma_wait3A_112] : memref<10000x128xf32, #tpu.memory_space<vmem_shared>> -> memref<10000x128xf32, #tpu.memory_space<vmem_shared>>
        tpu.wait_indirect_dma semaphore(%run_scoped3A_101 : memref<!tpu.dma_semaphore, #tpu.memory_space<semaphore_mem>>) src(%arg8 : memref<80x128xf32, #tpu.memory_space<vmem>>) dst(%dma_wait3A_113 : memref<10000x128xf32, #tpu.memory_space<vmem_shared>>)
        tpu.yield
      }) : () -> ()
      %add3A_77 = arith.constant 3 : i32
      %add3A_78 = arith.addi %add3A_70, %add3A_77 : i32
      %lt3A_79 = arith.constant 125 : i32
      %lt3A_80 = arith.cmpi slt, %add3A_78, %lt3A_79 : i32
      %convert_element_type3A_81 = arith.extui %lt3A_80 : i1 to i32
      %cond3A_82 = arith.constant 0 : i32
      %cond3A_83 = arith.cmpi ne, %convert_element_type3A_81, %cond3A_82 : i32
      scf.if %cond3A_83 {
        %add3A_101 = arith.constant 3 : i32
        %add3A_102 = arith.addi %add3A_70, %add3A_101 : i32
        %mul3A_103 = arith.constant 80 : i32
        %mul3A_104 = arith.muli %add3A_102, %mul3A_103 : i32
        %add3A_105 = arith.addi %mul3A_11, %mul3A_104 : i32
        %dma_start3A_106 = arith.constant 0 : i32
        %dma_start3A_107 = tpu.memref_slice %arg2[%add3A_105, %dma_start3A_106] : memref<320000x128xf32, #tpu.memory_space<hbm>> -> memref<80x128xf32, #tpu.memory_space<hbm>>
        %dma_start3A_108 = arith.constant 0 : i32
        %dma_start3A_109 = tpu.memref_slice %arg2[%add3A_105, %dma_start3A_108] : memref<320000x128xf32, #tpu.memory_space<hbm>> -> memref<80x128xf32, #tpu.memory_space<hbm>>
        tpu.enqueue_dma source(%dma_start3A_109 : memref<80x128xf32, #tpu.memory_space<hbm>>) target(%arg8 : memref<80x128xf32, #tpu.memory_space<vmem>>) target_semaphore(%arg11 : memref<!tpu.dma_semaphore, #tpu.memory_space<semaphore_mem>>)
      } else {
      }
      %mul3A_84 = arith.constant 3 : i32
      %mul3A_85 = arith.muli %scan3A_52, %mul3A_84 : i32
      %add3A_86 = arith.constant 2 : i32
      %add3A_87 = arith.addi %mul3A_85, %add3A_86 : i32
      %dma_wait3A_88 = arith.constant 0 : i32
      %dma_wait3A_89 = arith.constant 0 : i32
      %dma_wait3A_90 = tpu.memref_slice %arg2[%dma_wait3A_88, %dma_wait3A_89] : memref<320000x128xf32, #tpu.memory_space<hbm>> -> memref<80x128xf32, #tpu.memory_space<hbm>>
      %dma_wait3A_91 = arith.constant 0 : i32
      %dma_wait3A_92 = arith.constant 0 : i32
      %dma_wait3A_93 = tpu.memref_slice %arg2[%dma_wait3A_91, %dma_wait3A_92] : memref<320000x128xf32, #tpu.memory_space<hbm>> -> memref<80x128xf32, #tpu.memory_space<hbm>>
      tpu.wait_dma2 semaphore(%arg12 : memref<!tpu.dma_semaphore, #tpu.memory_space<semaphore_mem>>) src(%dma_wait3A_93 : memref<80x128xf32, #tpu.memory_space<hbm>>) dst(%arg9 : memref<80x128xf32, #tpu.memory_space<vmem>>)
      "tpu.region"() ({
        %run_scoped3A_101 = tpu.sem_alloc : memref<!tpu.dma_semaphore, #tpu.memory_space<semaphore_mem>>
        %dma_start3A_102 = arith.constant 0 : i32
        %dma_start3A_103 = tpu.memref_slice %arg6[%add3A_87, %dma_start3A_102] : memref<125x80xi32, #tpu.memory_space<vmem>> -> memref<1x80xi32, #tpu.memory_space<vmem>>
        %dma_start3A_104 = tpu.memref_squeeze %dma_start3A_103 : memref<1x80xi32, #tpu.memory_space<vmem>> -> memref<80xi32, #tpu.memory_space<vmem>>
        %dma_start3A_105 = arith.constant 0 : i32
        %dma_start3A_106 = arith.constant 0 : i32
        %dma_start3A_107 = tpu.memref_slice %arg5[%dma_start3A_105, %dma_start3A_106] : memref<10000x128xf32, #tpu.memory_space<vmem_shared>> -> memref<10000x128xf32, #tpu.memory_space<vmem_shared>>
        tpu.enqueue_indirect_dma source(%arg9 : memref<80x128xf32, #tpu.memory_space<vmem>>) target(%dma_start3A_107 : memref<10000x128xf32, #tpu.memory_space<vmem_shared>>) offsets(%dma_start3A_104 : memref<80xi32, #tpu.memory_space<vmem>>) semaphore(%run_scoped3A_101 : memref<!tpu.dma_semaphore, #tpu.memory_space<semaphore_mem>>) {add = true}
        %dma_wait3A_108 = arith.constant 0 : i32
        %dma_wait3A_109 = tpu.memref_slice %arg6[%add3A_87, %dma_wait3A_108] : memref<125x80xi32, #tpu.memory_space<vmem>> -> memref<1x80xi32, #tpu.memory_space<vmem>>
        %dma_wait3A_110 = tpu.memref_squeeze %dma_wait3A_109 : memref<1x80xi32, #tpu.memory_space<vmem>> -> memref<80xi32, #tpu.memory_space<vmem>>
        %dma_wait3A_111 = arith.constant 0 : i32
        %dma_wait3A_112 = arith.constant 0 : i32
        %dma_wait3A_113 = tpu.memref_slice %arg5[%dma_wait3A_111, %dma_wait3A_112] : memref<10000x128xf32, #tpu.memory_space<vmem_shared>> -> memref<10000x128xf32, #tpu.memory_space<vmem_shared>>
        tpu.wait_indirect_dma semaphore(%run_scoped3A_101 : memref<!tpu.dma_semaphore, #tpu.memory_space<semaphore_mem>>) src(%arg9 : memref<80x128xf32, #tpu.memory_space<vmem>>) dst(%dma_wait3A_113 : memref<10000x128xf32, #tpu.memory_space<vmem_shared>>)
        tpu.yield
      }) : () -> ()
      %add3A_94 = arith.constant 3 : i32
      %add3A_95 = arith.addi %add3A_87, %add3A_94 : i32
      %lt3A_96 = arith.constant 125 : i32
      %lt3A_97 = arith.cmpi slt, %add3A_95, %lt3A_96 : i32
      %convert_element_type3A_98 = arith.extui %lt3A_97 : i1 to i32
      %cond3A_99 = arith.constant 0 : i32
      %cond3A_100 = arith.cmpi ne, %convert_element_type3A_98, %cond3A_99 : i32
      scf.if %cond3A_100 {
        %add3A_101 = arith.constant 3 : i32
        %add3A_102 = arith.addi %add3A_87, %add3A_101 : i32
        %mul3A_103 = arith.constant 80 : i32
        %mul3A_104 = arith.muli %add3A_102, %mul3A_103 : i32
        %add3A_105 = arith.addi %mul3A_11, %mul3A_104 : i32
        %dma_start3A_106 = arith.constant 0 : i32
        %dma_start3A_107 = tpu.memref_slice %arg2[%add3A_105, %dma_start3A_106] : memref<320000x128xf32, #tpu.memory_space<hbm>> -> memref<80x128xf32, #tpu.memory_space<hbm>>
        %dma_start3A_108 = arith.constant 0 : i32
        %dma_start3A_109 = tpu.memref_slice %arg2[%add3A_105, %dma_start3A_108] : memref<320000x128xf32, #tpu.memory_space<hbm>> -> memref<80x128xf32, #tpu.memory_space<hbm>>
        tpu.enqueue_dma source(%dma_start3A_109 : memref<80x128xf32, #tpu.memory_space<hbm>>) target(%arg9 : memref<80x128xf32, #tpu.memory_space<vmem>>) target_semaphore(%arg12 : memref<!tpu.dma_semaphore, #tpu.memory_space<semaphore_mem>>)
      } else {
      }
    }
    %scan3A_33 = arith.constant 41 : i32
    %dma_wait3A = arith.constant 0 : i32
    %dma_wait3A_34 = arith.constant 0 : i32
    %dma_wait3A_35 = tpu.memref_slice %arg2[%dma_wait3A, %dma_wait3A_34] : memref<320000x128xf32, #tpu.memory_space<hbm>> -> memref<80x128xf32, #tpu.memory_space<hbm>>
    %dma_wait3A_36 = arith.constant 0 : i32
    %dma_wait3A_37 = arith.constant 0 : i32
    %dma_wait3A_38 = tpu.memref_slice %arg2[%dma_wait3A_36, %dma_wait3A_37] : memref<320000x128xf32, #tpu.memory_space<hbm>> -> memref<80x128xf32, #tpu.memory_space<hbm>>
    tpu.wait_dma2 semaphore(%arg10 : memref<!tpu.dma_semaphore, #tpu.memory_space<semaphore_mem>>) src(%dma_wait3A_38 : memref<80x128xf32, #tpu.memory_space<hbm>>) dst(%arg7 : memref<80x128xf32, #tpu.memory_space<vmem>>)
    %run_scoped3A = arith.constant 123 : i32
    "tpu.region"() ({
      %run_scoped3A_52 = tpu.sem_alloc : memref<!tpu.dma_semaphore, #tpu.memory_space<semaphore_mem>>
      %dma_start3A_53 = arith.constant 0 : i32
      %dma_start3A_54 = tpu.memref_slice %arg6[%run_scoped3A, %dma_start3A_53] : memref<125x80xi32, #tpu.memory_space<vmem>> -> memref<1x80xi32, #tpu.memory_space<vmem>>
      %dma_start3A_55 = tpu.memref_squeeze %dma_start3A_54 : memref<1x80xi32, #tpu.memory_space<vmem>> -> memref<80xi32, #tpu.memory_space<vmem>>
      %dma_start3A_56 = arith.constant 0 : i32
      %dma_start3A_57 = arith.constant 0 : i32
      %dma_start3A_58 = tpu.memref_slice %arg5[%dma_start3A_56, %dma_start3A_57] : memref<10000x128xf32, #tpu.memory_space<vmem_shared>> -> memref<10000x128xf32, #tpu.memory_space<vmem_shared>>
      tpu.enqueue_indirect_dma source(%arg7 : memref<80x128xf32, #tpu.memory_space<vmem>>) target(%dma_start3A_58 : memref<10000x128xf32, #tpu.memory_space<vmem_shared>>) offsets(%dma_start3A_55 : memref<80xi32, #tpu.memory_space<vmem>>) semaphore(%run_scoped3A_52 : memref<!tpu.dma_semaphore, #tpu.memory_space<semaphore_mem>>) {add = true}
      %dma_wait3A_59 = arith.constant 0 : i32
      %dma_wait3A_60 = tpu.memref_slice %arg6[%run_scoped3A, %dma_wait3A_59] : memref<125x80xi32, #tpu.memory_space<vmem>> -> memref<1x80xi32, #tpu.memory_space<vmem>>
      %dma_wait3A_61 = tpu.memref_squeeze %dma_wait3A_60 : memref<1x80xi32, #tpu.memory_space<vmem>> -> memref<80xi32, #tpu.memory_space<vmem>>
      %dma_wait3A_62 = arith.constant 0 : i32
      %dma_wait3A_63 = arith.constant 0 : i32
      %dma_wait3A_64 = tpu.memref_slice %arg5[%dma_wait3A_62, %dma_wait3A_63] : memref<10000x128xf32, #tpu.memory_space<vmem_shared>> -> memref<10000x128xf32, #tpu.memory_space<vmem_shared>>
      tpu.wait_indirect_dma semaphore(%run_scoped3A_52 : memref<!tpu.dma_semaphore, #tpu.memory_space<semaphore_mem>>) src(%arg7 : memref<80x128xf32, #tpu.memory_space<vmem>>) dst(%dma_wait3A_64 : memref<10000x128xf32, #tpu.memory_space<vmem_shared>>)
      tpu.yield
    }) : () -> ()
    %dma_wait3A_39 = arith.constant 0 : i32
    %dma_wait3A_40 = arith.constant 0 : i32
    %dma_wait3A_41 = tpu.memref_slice %arg2[%dma_wait3A_39, %dma_wait3A_40] : memref<320000x128xf32, #tpu.memory_space<hbm>> -> memref<80x128xf32, #tpu.memory_space<hbm>>
    %dma_wait3A_42 = arith.constant 0 : i32
    %dma_wait3A_43 = arith.constant 0 : i32
    %dma_wait3A_44 = tpu.memref_slice %arg2[%dma_wait3A_42, %dma_wait3A_43] : memref<320000x128xf32, #tpu.memory_space<hbm>> -> memref<80x128xf32, #tpu.memory_space<hbm>>
    tpu.wait_dma2 semaphore(%arg11 : memref<!tpu.dma_semaphore, #tpu.memory_space<semaphore_mem>>) src(%dma_wait3A_44 : memref<80x128xf32, #tpu.memory_space<hbm>>) dst(%arg8 : memref<80x128xf32, #tpu.memory_space<vmem>>)
    %run_scoped3A_45 = arith.constant 124 : i32
    "tpu.region"() ({
      %run_scoped3A_52 = tpu.sem_alloc : memref<!tpu.dma_semaphore, #tpu.memory_space<semaphore_mem>>
      %dma_start3A_53 = arith.constant 0 : i32
      %dma_start3A_54 = tpu.memref_slice %arg6[%run_scoped3A_45, %dma_start3A_53] : memref<125x80xi32, #tpu.memory_space<vmem>> -> memref<1x80xi32, #tpu.memory_space<vmem>>
      %dma_start3A_55 = tpu.memref_squeeze %dma_start3A_54 : memref<1x80xi32, #tpu.memory_space<vmem>> -> memref<80xi32, #tpu.memory_space<vmem>>
      %dma_start3A_56 = arith.constant 0 : i32
      %dma_start3A_57 = arith.constant 0 : i32
      %dma_start3A_58 = tpu.memref_slice %arg5[%dma_start3A_56, %dma_start3A_57] : memref<10000x128xf32, #tpu.memory_space<vmem_shared>> -> memref<10000x128xf32, #tpu.memory_space<vmem_shared>>
      tpu.enqueue_indirect_dma source(%arg8 : memref<80x128xf32, #tpu.memory_space<vmem>>) target(%dma_start3A_58 : memref<10000x128xf32, #tpu.memory_space<vmem_shared>>) offsets(%dma_start3A_55 : memref<80xi32, #tpu.memory_space<vmem>>) semaphore(%run_scoped3A_52 : memref<!tpu.dma_semaphore, #tpu.memory_space<semaphore_mem>>) {add = true}
      %dma_wait3A_59 = arith.constant 0 : i32
      %dma_wait3A_60 = tpu.memref_slice %arg6[%run_scoped3A_45, %dma_wait3A_59] : memref<125x80xi32, #tpu.memory_space<vmem>> -> memref<1x80xi32, #tpu.memory_space<vmem>>
      %dma_wait3A_61 = tpu.memref_squeeze %dma_wait3A_60 : memref<1x80xi32, #tpu.memory_space<vmem>> -> memref<80xi32, #tpu.memory_space<vmem>>
      %dma_wait3A_62 = arith.constant 0 : i32
      %dma_wait3A_63 = arith.constant 0 : i32
      %dma_wait3A_64 = tpu.memref_slice %arg5[%dma_wait3A_62, %dma_wait3A_63] : memref<10000x128xf32, #tpu.memory_space<vmem_shared>> -> memref<10000x128xf32, #tpu.memory_space<vmem_shared>>
      tpu.wait_indirect_dma semaphore(%run_scoped3A_52 : memref<!tpu.dma_semaphore, #tpu.memory_space<semaphore_mem>>) src(%arg8 : memref<80x128xf32, #tpu.memory_space<vmem>>) dst(%dma_wait3A_64 : memref<10000x128xf32, #tpu.memory_space<vmem_shared>>)
      tpu.yield
    }) : () -> ()
    %barrier3A_46 = arith.constant 0 : index
    tpu.barrier barrier_id(%barrier3A_46)
    %scan3A_47 = arith.constant 0 : i32
    %scan3A_48 = arith.constant 8 : i32
    %scan3A_49 = arith.addi %scan3A_47, %scan3A_48 : i32
    %scan3A_50 = arith.constant 1 : i32
    scf.for %scan3A_52 = %scan3A_47 to %scan3A_49 step %scan3A_50  : i32 {
      %mul3A_53 = arith.constant 16 : i32
      %mul3A_54 = arith.muli %scan3A_52, %mul3A_53 : i32
      %add3A_55 = arith.addi %arg1, %mul3A_54 : i32
      %lt3A = arith.constant 125 : i32
      %lt3A_56 = arith.cmpi slt, %add3A_55, %lt3A : i32
      %convert_element_type3A = arith.extui %lt3A_56 : i1 to i32
      %cond3A = arith.constant 0 : i32
      %cond3A_57 = arith.cmpi ne, %convert_element_type3A, %cond3A : i32
      scf.if %cond3A_57 {
        %mul3A_58 = arith.constant 80 : i32
        %mul3A_59 = arith.muli %add3A_55, %mul3A_58 : i32
        %mul3A_60 = arith.constant 80 : i32
        %mul3A_61 = arith.muli %add3A_55, %mul3A_60 : i32
        "tpu.region"() ({
          %run_scoped3A_62 = tpu.sem_alloc : memref<!tpu.dma_semaphore, #tpu.memory_space<semaphore_mem>>
          %dma_start3A_63 = arith.constant 0 : i32
          %dma_start3A_64 = tpu.memref_slice %arg4[%arg0, %mul3A_61, %dma_start3A_63] : memref<2x10000x128xf32, #tpu.memory_space<hbm>> -> memref<1x80x128xf32, #tpu.memory_space<hbm>>
          %dma_start3A_65 = tpu.memref_squeeze %dma_start3A_64 : memref<1x80x128xf32, #tpu.memory_space<hbm>> -> memref<80x128xf32, #tpu.memory_space<hbm>>
          %dma_start3A_66 = arith.constant 0 : i32
          %dma_start3A_67 = tpu.memref_slice %arg5[%mul3A_59, %dma_start3A_66] : memref<10000x128xf32, #tpu.memory_space<vmem_shared>> -> memref<80x128xf32, #tpu.memory_space<vmem_shared>>
          tpu.enqueue_dma source(%dma_start3A_67 : memref<80x128xf32, #tpu.memory_space<vmem_shared>>) target(%dma_start3A_65 : memref<80x128xf32, #tpu.memory_space<hbm>>) target_semaphore(%run_scoped3A_62 : memref<!tpu.dma_semaphore, #tpu.memory_space<semaphore_mem>>)
          %dma_wait3A_68 = arith.constant 0 : i32
          %dma_wait3A_69 = tpu.memref_slice %arg4[%arg0, %mul3A_61, %dma_wait3A_68] : memref<2x10000x128xf32, #tpu.memory_space<hbm>> -> memref<1x80x128xf32, #tpu.memory_space<hbm>>
          %dma_wait3A_70 = tpu.memref_squeeze %dma_wait3A_69 : memref<1x80x128xf32, #tpu.memory_space<hbm>> -> memref<80x128xf32, #tpu.memory_space<hbm>>
          %dma_wait3A_71 = arith.constant 0 : i32
          %dma_wait3A_72 = tpu.memref_slice %arg5[%mul3A_59, %dma_wait3A_71] : memref<10000x128xf32, #tpu.memory_space<vmem_shared>> -> memref<80x128xf32, #tpu.memory_space<vmem_shared>>
          tpu.wait_dma2 semaphore(%run_scoped3A_62 : memref<!tpu.dma_semaphore, #tpu.memory_space<semaphore_mem>>) src(%dma_wait3A_72 : memref<80x128xf32, #tpu.memory_space<vmem_shared>>) dst(%dma_wait3A_70 : memref<80x128xf32, #tpu.memory_space<hbm>>)
          tpu.yield
        }) : () -> ()
      } else {
      }
    }
    %scan3A_51 = arith.constant 8 : i32
    return
  }
}

#map = affine_map<(d0, d1) -> (0, 0, 0)>
#map1 = affine_map<(d0, d1) -> (0, 0)>
module attributes {stable_mosaic.version = 14 : i64} {
  func.func @_means_kernel(%arg0: i32, %arg1: i32, %arg2: memref<2x10000x128xf32, #tpu.memory_space<hbm>>, %arg3: memref<2x10000x128xf32, #tpu.memory_space<hbm>>, %arg4: memref<10000x128xf32, #tpu.memory_space<hbm>>, %arg5: memref<80x128xf32, #tpu.memory_space<vmem>>, %arg6: memref<80x128xf32, #tpu.memory_space<vmem>>, %arg7: memref<80x128xf32, #tpu.memory_space<vmem>>, %arg8: memref<80x128xf32, #tpu.memory_space<vmem>>, %arg9: memref<80x128xf32, #tpu.memory_space<vmem>>, %arg10: memref<!tpu.dma_semaphore, #tpu.memory_space<semaphore_mem>>) attributes {dimension_semantics = [#tpu.dimension_semantics<core_parallel>, #tpu.dimension_semantics<subcore_parallel>], iteration_bounds = array<i64: 2, 16>, scalar_prefetch = 0 : i64, scratch_operands = 6 : i64, tpu.core_type = #tpu.core_type<sc_vector_subcore>, window_params = [{transform_indices = #map}, {transform_indices = #map}, {transform_indices = #map1}]} {
    %mul3A = arith.constant 2 : i32
    %mul3A_0 = arith.muli %arg1, %mul3A : i32
    %add3A = arith.addi %mul3A_0, %arg0 : i32
    %scan3A = arith.constant 0 : i32
    %scan3A_1 = arith.constant 4 : i32
    %scan3A_2 = arith.addi %scan3A, %scan3A_1 : i32
    %scan3A_3 = arith.constant 1 : i32
    scf.for %scan3A_5 = %scan3A to %scan3A_2 step %scan3A_3  : i32 {
      %mul3A_6 = arith.constant 32 : i32
      %mul3A_7 = arith.muli %scan3A_5, %mul3A_6 : i32
      %add3A_8 = arith.addi %add3A, %mul3A_7 : i32
      %lt3A = arith.constant 125 : i32
      %lt3A_9 = arith.cmpi slt, %add3A_8, %lt3A : i32
      %convert_element_type3A = arith.extui %lt3A_9 : i1 to i32
      %cond3A = arith.constant 0 : i32
      %cond3A_10 = arith.cmpi ne, %convert_element_type3A, %cond3A : i32
      scf.if %cond3A_10 {
        %mul3A_11 = arith.constant 80 : i32
        %mul3A_12 = arith.muli %add3A_8, %mul3A_11 : i32
        %dma_start3A = arith.constant 0 : i32
        %dma_start3A_13 = arith.constant 0 : i32
        %dma_start3A_14 = tpu.memref_slice %arg2[%dma_start3A, %mul3A_12, %dma_start3A_13] : memref<2x10000x128xf32, #tpu.memory_space<hbm>> -> memref<1x80x128xf32, #tpu.memory_space<hbm>>
        %dma_start3A_15 = tpu.memref_squeeze %dma_start3A_14 : memref<1x80x128xf32, #tpu.memory_space<hbm>> -> memref<80x128xf32, #tpu.memory_space<hbm>>
        %dma_start3A_16 = arith.constant 0 : i32
        %dma_start3A_17 = tpu.memref_slice %arg2[%dma_start3A, %mul3A_12, %dma_start3A_16] : memref<2x10000x128xf32, #tpu.memory_space<hbm>> -> memref<1x80x128xf32, #tpu.memory_space<hbm>>
        %dma_start3A_18 = tpu.memref_squeeze %dma_start3A_17 : memref<1x80x128xf32, #tpu.memory_space<hbm>> -> memref<80x128xf32, #tpu.memory_space<hbm>>
        tpu.enqueue_dma source(%dma_start3A_18 : memref<80x128xf32, #tpu.memory_space<hbm>>) target(%arg5 : memref<80x128xf32, #tpu.memory_space<vmem>>) target_semaphore(%arg10 : memref<!tpu.dma_semaphore, #tpu.memory_space<semaphore_mem>>)
        %dma_start3A_19 = arith.constant 1 : i32
        %dma_start3A_20 = arith.constant 0 : i32
        %dma_start3A_21 = tpu.memref_slice %arg2[%dma_start3A_19, %mul3A_12, %dma_start3A_20] : memref<2x10000x128xf32, #tpu.memory_space<hbm>> -> memref<1x80x128xf32, #tpu.memory_space<hbm>>
        %dma_start3A_22 = tpu.memref_squeeze %dma_start3A_21 : memref<1x80x128xf32, #tpu.memory_space<hbm>> -> memref<80x128xf32, #tpu.memory_space<hbm>>
        %dma_start3A_23 = arith.constant 0 : i32
        %dma_start3A_24 = tpu.memref_slice %arg2[%dma_start3A_19, %mul3A_12, %dma_start3A_23] : memref<2x10000x128xf32, #tpu.memory_space<hbm>> -> memref<1x80x128xf32, #tpu.memory_space<hbm>>
        %dma_start3A_25 = tpu.memref_squeeze %dma_start3A_24 : memref<1x80x128xf32, #tpu.memory_space<hbm>> -> memref<80x128xf32, #tpu.memory_space<hbm>>
        tpu.enqueue_dma source(%dma_start3A_25 : memref<80x128xf32, #tpu.memory_space<hbm>>) target(%arg6 : memref<80x128xf32, #tpu.memory_space<vmem>>) target_semaphore(%arg10 : memref<!tpu.dma_semaphore, #tpu.memory_space<semaphore_mem>>)
        %dma_start3A_26 = arith.constant 0 : i32
        %dma_start3A_27 = arith.constant 0 : i32
        %dma_start3A_28 = tpu.memref_slice %arg3[%dma_start3A_26, %mul3A_12, %dma_start3A_27] : memref<2x10000x128xf32, #tpu.memory_space<hbm>> -> memref<1x80x128xf32, #tpu.memory_space<hbm>>
        %dma_start3A_29 = tpu.memref_squeeze %dma_start3A_28 : memref<1x80x128xf32, #tpu.memory_space<hbm>> -> memref<80x128xf32, #tpu.memory_space<hbm>>
        %dma_start3A_30 = arith.constant 0 : i32
        %dma_start3A_31 = tpu.memref_slice %arg3[%dma_start3A_26, %mul3A_12, %dma_start3A_30] : memref<2x10000x128xf32, #tpu.memory_space<hbm>> -> memref<1x80x128xf32, #tpu.memory_space<hbm>>
        %dma_start3A_32 = tpu.memref_squeeze %dma_start3A_31 : memref<1x80x128xf32, #tpu.memory_space<hbm>> -> memref<80x128xf32, #tpu.memory_space<hbm>>
        tpu.enqueue_dma source(%dma_start3A_32 : memref<80x128xf32, #tpu.memory_space<hbm>>) target(%arg7 : memref<80x128xf32, #tpu.memory_space<vmem>>) target_semaphore(%arg10 : memref<!tpu.dma_semaphore, #tpu.memory_space<semaphore_mem>>)
        %dma_start3A_33 = arith.constant 1 : i32
        %dma_start3A_34 = arith.constant 0 : i32
        %dma_start3A_35 = tpu.memref_slice %arg3[%dma_start3A_33, %mul3A_12, %dma_start3A_34] : memref<2x10000x128xf32, #tpu.memory_space<hbm>> -> memref<1x80x128xf32, #tpu.memory_space<hbm>>
        %dma_start3A_36 = tpu.memref_squeeze %dma_start3A_35 : memref<1x80x128xf32, #tpu.memory_space<hbm>> -> memref<80x128xf32, #tpu.memory_space<hbm>>
        %dma_start3A_37 = arith.constant 0 : i32
        %dma_start3A_38 = tpu.memref_slice %arg3[%dma_start3A_33, %mul3A_12, %dma_start3A_37] : memref<2x10000x128xf32, #tpu.memory_space<hbm>> -> memref<1x80x128xf32, #tpu.memory_space<hbm>>
        %dma_start3A_39 = tpu.memref_squeeze %dma_start3A_38 : memref<1x80x128xf32, #tpu.memory_space<hbm>> -> memref<80x128xf32, #tpu.memory_space<hbm>>
        tpu.enqueue_dma source(%dma_start3A_39 : memref<80x128xf32, #tpu.memory_space<hbm>>) target(%arg8 : memref<80x128xf32, #tpu.memory_space<vmem>>) target_semaphore(%arg10 : memref<!tpu.dma_semaphore, #tpu.memory_space<semaphore_mem>>)
        %dma_wait3A = arith.constant 0 : i32
        %dma_wait3A_40 = arith.constant 0 : i32
        %dma_wait3A_41 = arith.constant 0 : i32
        %dma_wait3A_42 = tpu.memref_slice %arg2[%dma_wait3A, %dma_wait3A_40, %dma_wait3A_41] : memref<2x10000x128xf32, #tpu.memory_space<hbm>> -> memref<1x80x128xf32, #tpu.memory_space<hbm>>
        %dma_wait3A_43 = tpu.memref_squeeze %dma_wait3A_42 : memref<1x80x128xf32, #tpu.memory_space<hbm>> -> memref<80x128xf32, #tpu.memory_space<hbm>>
        %dma_wait3A_44 = arith.constant 0 : i32
        %dma_wait3A_45 = arith.constant 0 : i32
        %dma_wait3A_46 = tpu.memref_slice %arg2[%dma_wait3A, %dma_wait3A_44, %dma_wait3A_45] : memref<2x10000x128xf32, #tpu.memory_space<hbm>> -> memref<1x80x128xf32, #tpu.memory_space<hbm>>
        %dma_wait3A_47 = tpu.memref_squeeze %dma_wait3A_46 : memref<1x80x128xf32, #tpu.memory_space<hbm>> -> memref<80x128xf32, #tpu.memory_space<hbm>>
        tpu.wait_dma2 semaphore(%arg10 : memref<!tpu.dma_semaphore, #tpu.memory_space<semaphore_mem>>) src(%dma_wait3A_47 : memref<80x128xf32, #tpu.memory_space<hbm>>) dst(%arg5 : memref<80x128xf32, #tpu.memory_space<vmem>>)
        %dma_wait3A_48 = arith.constant 0 : i32
        %dma_wait3A_49 = arith.constant 0 : i32
        %dma_wait3A_50 = arith.constant 0 : i32
        %dma_wait3A_51 = tpu.memref_slice %arg2[%dma_wait3A_48, %dma_wait3A_49, %dma_wait3A_50] : memref<2x10000x128xf32, #tpu.memory_space<hbm>> -> memref<1x80x128xf32, #tpu.memory_space<hbm>>
        %dma_wait3A_52 = tpu.memref_squeeze %dma_wait3A_51 : memref<1x80x128xf32, #tpu.memory_space<hbm>> -> memref<80x128xf32, #tpu.memory_space<hbm>>
        %dma_wait3A_53 = arith.constant 0 : i32
        %dma_wait3A_54 = arith.constant 0 : i32
        %dma_wait3A_55 = tpu.memref_slice %arg2[%dma_wait3A_48, %dma_wait3A_53, %dma_wait3A_54] : memref<2x10000x128xf32, #tpu.memory_space<hbm>> -> memref<1x80x128xf32, #tpu.memory_space<hbm>>
        %dma_wait3A_56 = tpu.memref_squeeze %dma_wait3A_55 : memref<1x80x128xf32, #tpu.memory_space<hbm>> -> memref<80x128xf32, #tpu.memory_space<hbm>>
        tpu.wait_dma2 semaphore(%arg10 : memref<!tpu.dma_semaphore, #tpu.memory_space<semaphore_mem>>) src(%dma_wait3A_56 : memref<80x128xf32, #tpu.memory_space<hbm>>) dst(%arg6 : memref<80x128xf32, #tpu.memory_space<vmem>>)
        %dma_wait3A_57 = arith.constant 0 : i32
        %dma_wait3A_58 = arith.constant 0 : i32
        %dma_wait3A_59 = arith.constant 0 : i32
        %dma_wait3A_60 = tpu.memref_slice %arg2[%dma_wait3A_57, %dma_wait3A_58, %dma_wait3A_59] : memref<2x10000x128xf32, #tpu.memory_space<hbm>> -> memref<1x80x128xf32, #tpu.memory_space<hbm>>
        %dma_wait3A_61 = tpu.memref_squeeze %dma_wait3A_60 : memref<1x80x128xf32, #tpu.memory_space<hbm>> -> memref<80x128xf32, #tpu.memory_space<hbm>>
        %dma_wait3A_62 = arith.constant 0 : i32
        %dma_wait3A_63 = arith.constant 0 : i32
        %dma_wait3A_64 = tpu.memref_slice %arg2[%dma_wait3A_57, %dma_wait3A_62, %dma_wait3A_63] : memref<2x10000x128xf32, #tpu.memory_space<hbm>> -> memref<1x80x128xf32, #tpu.memory_space<hbm>>
        %dma_wait3A_65 = tpu.memref_squeeze %dma_wait3A_64 : memref<1x80x128xf32, #tpu.memory_space<hbm>> -> memref<80x128xf32, #tpu.memory_space<hbm>>
        tpu.wait_dma2 semaphore(%arg10 : memref<!tpu.dma_semaphore, #tpu.memory_space<semaphore_mem>>) src(%dma_wait3A_65 : memref<80x128xf32, #tpu.memory_space<hbm>>) dst(%arg7 : memref<80x128xf32, #tpu.memory_space<vmem>>)
        %dma_wait3A_66 = arith.constant 0 : i32
        %dma_wait3A_67 = arith.constant 0 : i32
        %dma_wait3A_68 = arith.constant 0 : i32
        %dma_wait3A_69 = tpu.memref_slice %arg2[%dma_wait3A_66, %dma_wait3A_67, %dma_wait3A_68] : memref<2x10000x128xf32, #tpu.memory_space<hbm>> -> memref<1x80x128xf32, #tpu.memory_space<hbm>>
        %dma_wait3A_70 = tpu.memref_squeeze %dma_wait3A_69 : memref<1x80x128xf32, #tpu.memory_space<hbm>> -> memref<80x128xf32, #tpu.memory_space<hbm>>
        %dma_wait3A_71 = arith.constant 0 : i32
        %dma_wait3A_72 = arith.constant 0 : i32
        %dma_wait3A_73 = tpu.memref_slice %arg2[%dma_wait3A_66, %dma_wait3A_71, %dma_wait3A_72] : memref<2x10000x128xf32, #tpu.memory_space<hbm>> -> memref<1x80x128xf32, #tpu.memory_space<hbm>>
        %dma_wait3A_74 = tpu.memref_squeeze %dma_wait3A_73 : memref<1x80x128xf32, #tpu.memory_space<hbm>> -> memref<80x128xf32, #tpu.memory_space<hbm>>
        tpu.wait_dma2 semaphore(%arg10 : memref<!tpu.dma_semaphore, #tpu.memory_space<semaphore_mem>>) src(%dma_wait3A_74 : memref<80x128xf32, #tpu.memory_space<hbm>>) dst(%arg8 : memref<80x128xf32, #tpu.memory_space<vmem>>)
        %scan3A_75 = arith.constant 0 : i32
        %scan3A_76 = arith.constant 80 : i32
        %scan3A_77 = arith.addi %scan3A_75, %scan3A_76 : i32
        %scan3A_78 = arith.constant 1 : i32
        scf.for %scan3A_80 = %scan3A_75 to %scan3A_77 step %scan3A_78  : i32 {
          %get3A = arith.index_cast %scan3A_80 : i32 to index
          %get3A_81 = arith.constant 0 : index
          %get3A_82 = tpu.vector_load %arg7[%get3A, %get3A_81] {strides = array<i32>} : memref<80x128xf32, #tpu.memory_space<vmem>>, vector<1x16xf32>,
          %get3A_83 = vector.shape_cast %get3A_82 : vector<1x16xf32> to vector<16xf32>
          %get3A_84 = arith.index_cast %scan3A_80 : i32 to index
          %get3A_85 = arith.constant 0 : index
          %get3A_86 = tpu.vector_load %arg8[%get3A_84, %get3A_85] {strides = array<i32>} : memref<80x128xf32, #tpu.memory_space<vmem>>, vector<1x16xf32>,
          %get3A_87 = vector.shape_cast %get3A_86 : vector<1x16xf32> to vector<16xf32>
          %add3A_88 = arith.addf %get3A_83, %get3A_87 : vector<16xf32>
          %max3A = arith.constant 1.000000e+00 : f32
          %max3A_89 = vector.broadcast %max3A : f32 to vector<16xf32>
          %max3A_90 = arith.maximumf %add3A_88, %max3A_89 : vector<16xf32>
          %get3A_91 = arith.index_cast %scan3A_80 : i32 to index
          %get3A_92 = arith.constant 0 : index
          %get3A_93 = tpu.vector_load %arg5[%get3A_91, %get3A_92] {strides = array<i32>} : memref<80x128xf32, #tpu.memory_space<vmem>>, vector<1x16xf32>,
          %get3A_94 = vector.shape_cast %get3A_93 : vector<1x16xf32> to vector<16xf32>
          %get3A_95 = arith.index_cast %scan3A_80 : i32 to index
          %get3A_96 = arith.constant 0 : index
          %get3A_97 = tpu.vector_load %arg6[%get3A_95, %get3A_96] {strides = array<i32>} : memref<80x128xf32, #tpu.memory_space<vmem>>, vector<1x16xf32>,
          %get3A_98 = vector.shape_cast %get3A_97 : vector<1x16xf32> to vector<16xf32>
          %add3A_99 = arith.addf %get3A_94, %get3A_98 : vector<16xf32>
          %div3A = arith.divf %add3A_99, %max3A_90 : vector<16xf32>
          %swap3A = arith.index_cast %scan3A_80 : i32 to index
          %swap3A_100 = arith.constant 0 : index
          %swap3A_101 = tpu.vector_load %arg9[%swap3A, %swap3A_100] {strides = array<i32>} : memref<80x128xf32, #tpu.memory_space<vmem>>, vector<1x16xf32>,
          %swap3A_102 = vector.shape_cast %swap3A_101 : vector<1x16xf32> to vector<16xf32>
          %swap3A_103 = vector.shape_cast %div3A : vector<16xf32> to vector<1x16xf32>
          tpu.vector_store %arg9[%swap3A, %swap3A_100], %swap3A_103 {strides = array<i32>} : memref<80x128xf32, #tpu.memory_space<vmem>>, vector<1x16xf32>,
          %get3A_104 = arith.index_cast %scan3A_80 : i32 to index
          %get3A_105 = arith.constant 16 : index
          %get3A_106 = tpu.vector_load %arg7[%get3A_104, %get3A_105] {strides = array<i32>} : memref<80x128xf32, #tpu.memory_space<vmem>>, vector<1x16xf32>,
          %get3A_107 = vector.shape_cast %get3A_106 : vector<1x16xf32> to vector<16xf32>
          %get3A_108 = arith.index_cast %scan3A_80 : i32 to index
          %get3A_109 = arith.constant 16 : index
          %get3A_110 = tpu.vector_load %arg8[%get3A_108, %get3A_109] {strides = array<i32>} : memref<80x128xf32, #tpu.memory_space<vmem>>, vector<1x16xf32>,
          %get3A_111 = vector.shape_cast %get3A_110 : vector<1x16xf32> to vector<16xf32>
          %add3A_112 = arith.addf %get3A_107, %get3A_111 : vector<16xf32>
          %max3A_113 = arith.constant 1.000000e+00 : f32
          %max3A_114 = vector.broadcast %max3A_113 : f32 to vector<16xf32>
          %max3A_115 = arith.maximumf %add3A_112, %max3A_114 : vector<16xf32>
          %get3A_116 = arith.index_cast %scan3A_80 : i32 to index
          %get3A_117 = arith.constant 16 : index
          %get3A_118 = tpu.vector_load %arg5[%get3A_116, %get3A_117] {strides = array<i32>} : memref<80x128xf32, #tpu.memory_space<vmem>>, vector<1x16xf32>,
          %get3A_119 = vector.shape_cast %get3A_118 : vector<1x16xf32> to vector<16xf32>
          %get3A_120 = arith.index_cast %scan3A_80 : i32 to index
          %get3A_121 = arith.constant 16 : index
          %get3A_122 = tpu.vector_load %arg6[%get3A_120, %get3A_121] {strides = array<i32>} : memref<80x128xf32, #tpu.memory_space<vmem>>, vector<1x16xf32>,
          %get3A_123 = vector.shape_cast %get3A_122 : vector<1x16xf32> to vector<16xf32>
          %add3A_124 = arith.addf %get3A_119, %get3A_123 : vector<16xf32>
          %div3A_125 = arith.divf %add3A_124, %max3A_115 : vector<16xf32>
          %swap3A_126 = arith.index_cast %scan3A_80 : i32 to index
          %swap3A_127 = arith.constant 16 : index
          %swap3A_128 = tpu.vector_load %arg9[%swap3A_126, %swap3A_127] {strides = array<i32>} : memref<80x128xf32, #tpu.memory_space<vmem>>, vector<1x16xf32>,
          %swap3A_129 = vector.shape_cast %swap3A_128 : vector<1x16xf32> to vector<16xf32>
          %swap3A_130 = vector.shape_cast %div3A_125 : vector<16xf32> to vector<1x16xf32>
          tpu.vector_store %arg9[%swap3A_126, %swap3A_127], %swap3A_130 {strides = array<i32>} : memref<80x128xf32, #tpu.memory_space<vmem>>, vector<1x16xf32>,
          %get3A_131 = arith.index_cast %scan3A_80 : i32 to index
          %get3A_132 = arith.constant 32 : index
          %get3A_133 = tpu.vector_load %arg7[%get3A_131, %get3A_132] {strides = array<i32>} : memref<80x128xf32, #tpu.memory_space<vmem>>, vector<1x16xf32>,
          %get3A_134 = vector.shape_cast %get3A_133 : vector<1x16xf32> to vector<16xf32>
          %get3A_135 = arith.index_cast %scan3A_80 : i32 to index
          %get3A_136 = arith.constant 32 : index
          %get3A_137 = tpu.vector_load %arg8[%get3A_135, %get3A_136] {strides = array<i32>} : memref<80x128xf32, #tpu.memory_space<vmem>>, vector<1x16xf32>,
          %get3A_138 = vector.shape_cast %get3A_137 : vector<1x16xf32> to vector<16xf32>
          %add3A_139 = arith.addf %get3A_134, %get3A_138 : vector<16xf32>
          %max3A_140 = arith.constant 1.000000e+00 : f32
          %max3A_141 = vector.broadcast %max3A_140 : f32 to vector<16xf32>
          %max3A_142 = arith.maximumf %add3A_139, %max3A_141 : vector<16xf32>
          %get3A_143 = arith.index_cast %scan3A_80 : i32 to index
          %get3A_144 = arith.constant 32 : index
          %get3A_145 = tpu.vector_load %arg5[%get3A_143, %get3A_144] {strides = array<i32>} : memref<80x128xf32, #tpu.memory_space<vmem>>, vector<1x16xf32>,
          %get3A_146 = vector.shape_cast %get3A_145 : vector<1x16xf32> to vector<16xf32>
          %get3A_147 = arith.index_cast %scan3A_80 : i32 to index
          %get3A_148 = arith.constant 32 : index
          %get3A_149 = tpu.vector_load %arg6[%get3A_147, %get3A_148] {strides = array<i32>} : memref<80x128xf32, #tpu.memory_space<vmem>>, vector<1x16xf32>,
          %get3A_150 = vector.shape_cast %get3A_149 : vector<1x16xf32> to vector<16xf32>
          %add3A_151 = arith.addf %get3A_146, %get3A_150 : vector<16xf32>
          %div3A_152 = arith.divf %add3A_151, %max3A_142 : vector<16xf32>
          %swap3A_153 = arith.index_cast %scan3A_80 : i32 to index
          %swap3A_154 = arith.constant 32 : index
          %swap3A_155 = tpu.vector_load %arg9[%swap3A_153, %swap3A_154] {strides = array<i32>} : memref<80x128xf32, #tpu.memory_space<vmem>>, vector<1x16xf32>,
          %swap3A_156 = vector.shape_cast %swap3A_155 : vector<1x16xf32> to vector<16xf32>
          %swap3A_157 = vector.shape_cast %div3A_152 : vector<16xf32> to vector<1x16xf32>
          tpu.vector_store %arg9[%swap3A_153, %swap3A_154], %swap3A_157 {strides = array<i32>} : memref<80x128xf32, #tpu.memory_space<vmem>>, vector<1x16xf32>,
          %get3A_158 = arith.index_cast %scan3A_80 : i32 to index
          %get3A_159 = arith.constant 48 : index
          %get3A_160 = tpu.vector_load %arg7[%get3A_158, %get3A_159] {strides = array<i32>} : memref<80x128xf32, #tpu.memory_space<vmem>>, vector<1x16xf32>,
          %get3A_161 = vector.shape_cast %get3A_160 : vector<1x16xf32> to vector<16xf32>
          %get3A_162 = arith.index_cast %scan3A_80 : i32 to index
          %get3A_163 = arith.constant 48 : index
          %get3A_164 = tpu.vector_load %arg8[%get3A_162, %get3A_163] {strides = array<i32>} : memref<80x128xf32, #tpu.memory_space<vmem>>, vector<1x16xf32>,
          %get3A_165 = vector.shape_cast %get3A_164 : vector<1x16xf32> to vector<16xf32>
          %add3A_166 = arith.addf %get3A_161, %get3A_165 : vector<16xf32>
          %max3A_167 = arith.constant 1.000000e+00 : f32
          %max3A_168 = vector.broadcast %max3A_167 : f32 to vector<16xf32>
          %max3A_169 = arith.maximumf %add3A_166, %max3A_168 : vector<16xf32>
          %get3A_170 = arith.index_cast %scan3A_80 : i32 to index
          %get3A_171 = arith.constant 48 : index
          %get3A_172 = tpu.vector_load %arg5[%get3A_170, %get3A_171] {strides = array<i32>} : memref<80x128xf32, #tpu.memory_space<vmem>>, vector<1x16xf32>,
          %get3A_173 = vector.shape_cast %get3A_172 : vector<1x16xf32> to vector<16xf32>
          %get3A_174 = arith.index_cast %scan3A_80 : i32 to index
          %get3A_175 = arith.constant 48 : index
          %get3A_176 = tpu.vector_load %arg6[%get3A_174, %get3A_175] {strides = array<i32>} : memref<80x128xf32, #tpu.memory_space<vmem>>, vector<1x16xf32>,
          %get3A_177 = vector.shape_cast %get3A_176 : vector<1x16xf32> to vector<16xf32>
          %add3A_178 = arith.addf %get3A_173, %get3A_177 : vector<16xf32>
          %div3A_179 = arith.divf %add3A_178, %max3A_169 : vector<16xf32>
          %swap3A_180 = arith.index_cast %scan3A_80 : i32 to index
          %swap3A_181 = arith.constant 48 : index
          %swap3A_182 = tpu.vector_load %arg9[%swap3A_180, %swap3A_181] {strides = array<i32>} : memref<80x128xf32, #tpu.memory_space<vmem>>, vector<1x16xf32>,
          %swap3A_183 = vector.shape_cast %swap3A_182 : vector<1x16xf32> to vector<16xf32>
          %swap3A_184 = vector.shape_cast %div3A_179 : vector<16xf32> to vector<1x16xf32>
          tpu.vector_store %arg9[%swap3A_180, %swap3A_181], %swap3A_184 {strides = array<i32>} : memref<80x128xf32, #tpu.memory_space<vmem>>, vector<1x16xf32>,
          %get3A_185 = arith.index_cast %scan3A_80 : i32 to index
          %get3A_186 = arith.constant 64 : index
          %get3A_187 = tpu.vector_load %arg7[%get3A_185, %get3A_186] {strides = array<i32>} : memref<80x128xf32, #tpu.memory_space<vmem>>, vector<1x16xf32>,
          %get3A_188 = vector.shape_cast %get3A_187 : vector<1x16xf32> to vector<16xf32>
          %get3A_189 = arith.index_cast %scan3A_80 : i32 to index
          %get3A_190 = arith.constant 64 : index
          %get3A_191 = tpu.vector_load %arg8[%get3A_189, %get3A_190] {strides = array<i32>} : memref<80x128xf32, #tpu.memory_space<vmem>>, vector<1x16xf32>,
          %get3A_192 = vector.shape_cast %get3A_191 : vector<1x16xf32> to vector<16xf32>
          %add3A_193 = arith.addf %get3A_188, %get3A_192 : vector<16xf32>
          %max3A_194 = arith.constant 1.000000e+00 : f32
          %max3A_195 = vector.broadcast %max3A_194 : f32 to vector<16xf32>
          %max3A_196 = arith.maximumf %add3A_193, %max3A_195 : vector<16xf32>
          %get3A_197 = arith.index_cast %scan3A_80 : i32 to index
          %get3A_198 = arith.constant 64 : index
          %get3A_199 = tpu.vector_load %arg5[%get3A_197, %get3A_198] {strides = array<i32>} : memref<80x128xf32, #tpu.memory_space<vmem>>, vector<1x16xf32>,
          %get3A_200 = vector.shape_cast %get3A_199 : vector<1x16xf32> to vector<16xf32>
          %get3A_201 = arith.index_cast %scan3A_80 : i32 to index
          %get3A_202 = arith.constant 64 : index
          %get3A_203 = tpu.vector_load %arg6[%get3A_201, %get3A_202] {strides = array<i32>} : memref<80x128xf32, #tpu.memory_space<vmem>>, vector<1x16xf32>,
          %get3A_204 = vector.shape_cast %get3A_203 : vector<1x16xf32> to vector<16xf32>
          %add3A_205 = arith.addf %get3A_200, %get3A_204 : vector<16xf32>
          %div3A_206 = arith.divf %add3A_205, %max3A_196 : vector<16xf32>
          %swap3A_207 = arith.index_cast %scan3A_80 : i32 to index
          %swap3A_208 = arith.constant 64 : index
          %swap3A_209 = tpu.vector_load %arg9[%swap3A_207, %swap3A_208] {strides = array<i32>} : memref<80x128xf32, #tpu.memory_space<vmem>>, vector<1x16xf32>,
          %swap3A_210 = vector.shape_cast %swap3A_209 : vector<1x16xf32> to vector<16xf32>
          %swap3A_211 = vector.shape_cast %div3A_206 : vector<16xf32> to vector<1x16xf32>
          tpu.vector_store %arg9[%swap3A_207, %swap3A_208], %swap3A_211 {strides = array<i32>} : memref<80x128xf32, #tpu.memory_space<vmem>>, vector<1x16xf32>,
          %get3A_212 = arith.index_cast %scan3A_80 : i32 to index
          %get3A_213 = arith.constant 80 : index
          %get3A_214 = tpu.vector_load %arg7[%get3A_212, %get3A_213] {strides = array<i32>} : memref<80x128xf32, #tpu.memory_space<vmem>>, vector<1x16xf32>,
          %get3A_215 = vector.shape_cast %get3A_214 : vector<1x16xf32> to vector<16xf32>
          %get3A_216 = arith.index_cast %scan3A_80 : i32 to index
          %get3A_217 = arith.constant 80 : index
          %get3A_218 = tpu.vector_load %arg8[%get3A_216, %get3A_217] {strides = array<i32>} : memref<80x128xf32, #tpu.memory_space<vmem>>, vector<1x16xf32>,
          %get3A_219 = vector.shape_cast %get3A_218 : vector<1x16xf32> to vector<16xf32>
          %add3A_220 = arith.addf %get3A_215, %get3A_219 : vector<16xf32>
          %max3A_221 = arith.constant 1.000000e+00 : f32
          %max3A_222 = vector.broadcast %max3A_221 : f32 to vector<16xf32>
          %max3A_223 = arith.maximumf %add3A_220, %max3A_222 : vector<16xf32>
          %get3A_224 = arith.index_cast %scan3A_80 : i32 to index
          %get3A_225 = arith.constant 80 : index
          %get3A_226 = tpu.vector_load %arg5[%get3A_224, %get3A_225] {strides = array<i32>} : memref<80x128xf32, #tpu.memory_space<vmem>>, vector<1x16xf32>,
          %get3A_227 = vector.shape_cast %get3A_226 : vector<1x16xf32> to vector<16xf32>
          %get3A_228 = arith.index_cast %scan3A_80 : i32 to index
          %get3A_229 = arith.constant 80 : index
          %get3A_230 = tpu.vector_load %arg6[%get3A_228, %get3A_229] {strides = array<i32>} : memref<80x128xf32, #tpu.memory_space<vmem>>, vector<1x16xf32>,
          %get3A_231 = vector.shape_cast %get3A_230 : vector<1x16xf32> to vector<16xf32>
          %add3A_232 = arith.addf %get3A_227, %get3A_231 : vector<16xf32>
          %div3A_233 = arith.divf %add3A_232, %max3A_223 : vector<16xf32>
          %swap3A_234 = arith.index_cast %scan3A_80 : i32 to index
          %swap3A_235 = arith.constant 80 : index
          %swap3A_236 = tpu.vector_load %arg9[%swap3A_234, %swap3A_235] {strides = array<i32>} : memref<80x128xf32, #tpu.memory_space<vmem>>, vector<1x16xf32>,
          %swap3A_237 = vector.shape_cast %swap3A_236 : vector<1x16xf32> to vector<16xf32>
          %swap3A_238 = vector.shape_cast %div3A_233 : vector<16xf32> to vector<1x16xf32>
          tpu.vector_store %arg9[%swap3A_234, %swap3A_235], %swap3A_238 {strides = array<i32>} : memref<80x128xf32, #tpu.memory_space<vmem>>, vector<1x16xf32>,
          %get3A_239 = arith.index_cast %scan3A_80 : i32 to index
          %get3A_240 = arith.constant 96 : index
          %get3A_241 = tpu.vector_load %arg7[%get3A_239, %get3A_240] {strides = array<i32>} : memref<80x128xf32, #tpu.memory_space<vmem>>, vector<1x16xf32>,
          %get3A_242 = vector.shape_cast %get3A_241 : vector<1x16xf32> to vector<16xf32>
          %get3A_243 = arith.index_cast %scan3A_80 : i32 to index
          %get3A_244 = arith.constant 96 : index
          %get3A_245 = tpu.vector_load %arg8[%get3A_243, %get3A_244] {strides = array<i32>} : memref<80x128xf32, #tpu.memory_space<vmem>>, vector<1x16xf32>,
          %get3A_246 = vector.shape_cast %get3A_245 : vector<1x16xf32> to vector<16xf32>
          %add3A_247 = arith.addf %get3A_242, %get3A_246 : vector<16xf32>
          %max3A_248 = arith.constant 1.000000e+00 : f32
          %max3A_249 = vector.broadcast %max3A_248 : f32 to vector<16xf32>
          %max3A_250 = arith.maximumf %add3A_247, %max3A_249 : vector<16xf32>
          %get3A_251 = arith.index_cast %scan3A_80 : i32 to index
          %get3A_252 = arith.constant 96 : index
          %get3A_253 = tpu.vector_load %arg5[%get3A_251, %get3A_252] {strides = array<i32>} : memref<80x128xf32, #tpu.memory_space<vmem>>, vector<1x16xf32>,
          %get3A_254 = vector.shape_cast %get3A_253 : vector<1x16xf32> to vector<16xf32>
          %get3A_255 = arith.index_cast %scan3A_80 : i32 to index
          %get3A_256 = arith.constant 96 : index
          %get3A_257 = tpu.vector_load %arg6[%get3A_255, %get3A_256] {strides = array<i32>} : memref<80x128xf32, #tpu.memory_space<vmem>>, vector<1x16xf32>,
          %get3A_258 = vector.shape_cast %get3A_257 : vector<1x16xf32> to vector<16xf32>
          %add3A_259 = arith.addf %get3A_254, %get3A_258 : vector<16xf32>
          %div3A_260 = arith.divf %add3A_259, %max3A_250 : vector<16xf32>
          %swap3A_261 = arith.index_cast %scan3A_80 : i32 to index
          %swap3A_262 = arith.constant 96 : index
          %swap3A_263 = tpu.vector_load %arg9[%swap3A_261, %swap3A_262] {strides = array<i32>} : memref<80x128xf32, #tpu.memory_space<vmem>>, vector<1x16xf32>,
          %swap3A_264 = vector.shape_cast %swap3A_263 : vector<1x16xf32> to vector<16xf32>
          %swap3A_265 = vector.shape_cast %div3A_260 : vector<16xf32> to vector<1x16xf32>
          tpu.vector_store %arg9[%swap3A_261, %swap3A_262], %swap3A_265 {strides = array<i32>} : memref<80x128xf32, #tpu.memory_space<vmem>>, vector<1x16xf32>,
          %get3A_266 = arith.index_cast %scan3A_80 : i32 to index
          %get3A_267 = arith.constant 112 : index
          %get3A_268 = tpu.vector_load %arg7[%get3A_266, %get3A_267] {strides = array<i32>} : memref<80x128xf32, #tpu.memory_space<vmem>>, vector<1x16xf32>,
          %get3A_269 = vector.shape_cast %get3A_268 : vector<1x16xf32> to vector<16xf32>
          %get3A_270 = arith.index_cast %scan3A_80 : i32 to index
          %get3A_271 = arith.constant 112 : index
          %get3A_272 = tpu.vector_load %arg8[%get3A_270, %get3A_271] {strides = array<i32>} : memref<80x128xf32, #tpu.memory_space<vmem>>, vector<1x16xf32>,
          %get3A_273 = vector.shape_cast %get3A_272 : vector<1x16xf32> to vector<16xf32>
          %add3A_274 = arith.addf %get3A_269, %get3A_273 : vector<16xf32>
          %max3A_275 = arith.constant 1.000000e+00 : f32
          %max3A_276 = vector.broadcast %max3A_275 : f32 to vector<16xf32>
          %max3A_277 = arith.maximumf %add3A_274, %max3A_276 : vector<16xf32>
          %get3A_278 = arith.index_cast %scan3A_80 : i32 to index
          %get3A_279 = arith.constant 112 : index
          %get3A_280 = tpu.vector_load %arg5[%get3A_278, %get3A_279] {strides = array<i32>} : memref<80x128xf32, #tpu.memory_space<vmem>>, vector<1x16xf32>,
          %get3A_281 = vector.shape_cast %get3A_280 : vector<1x16xf32> to vector<16xf32>
          %get3A_282 = arith.index_cast %scan3A_80 : i32 to index
          %get3A_283 = arith.constant 112 : index
          %get3A_284 = tpu.vector_load %arg6[%get3A_282, %get3A_283] {strides = array<i32>} : memref<80x128xf32, #tpu.memory_space<vmem>>, vector<1x16xf32>,
          %get3A_285 = vector.shape_cast %get3A_284 : vector<1x16xf32> to vector<16xf32>
          %add3A_286 = arith.addf %get3A_281, %get3A_285 : vector<16xf32>
          %div3A_287 = arith.divf %add3A_286, %max3A_277 : vector<16xf32>
          %swap3A_288 = arith.index_cast %scan3A_80 : i32 to index
          %swap3A_289 = arith.constant 112 : index
          %swap3A_290 = tpu.vector_load %arg9[%swap3A_288, %swap3A_289] {strides = array<i32>} : memref<80x128xf32, #tpu.memory_space<vmem>>, vector<1x16xf32>,
          %swap3A_291 = vector.shape_cast %swap3A_290 : vector<1x16xf32> to vector<16xf32>
          %swap3A_292 = vector.shape_cast %div3A_287 : vector<16xf32> to vector<1x16xf32>
          tpu.vector_store %arg9[%swap3A_288, %swap3A_289], %swap3A_292 {strides = array<i32>} : memref<80x128xf32, #tpu.memory_space<vmem>>, vector<1x16xf32>,
        }
        %scan3A_79 = arith.constant 80 : i32
        "tpu.region"() ({
          %run_scoped3A = tpu.sem_alloc : memref<!tpu.dma_semaphore, #tpu.memory_space<semaphore_mem>>
          %dma_start3A_80 = arith.constant 0 : i32
          %dma_start3A_81 = tpu.memref_slice %arg4[%mul3A_12, %dma_start3A_80] : memref<10000x128xf32, #tpu.memory_space<hbm>> -> memref<80x128xf32, #tpu.memory_space<hbm>>
          %dma_start3A_82 = arith.constant 0 : i32
          %dma_start3A_83 = tpu.memref_slice %arg4[%mul3A_12, %dma_start3A_82] : memref<10000x128xf32, #tpu.memory_space<hbm>> -> memref<80x128xf32, #tpu.memory_space<hbm>>
          tpu.enqueue_dma source(%arg9 : memref<80x128xf32, #tpu.memory_space<vmem>>) target(%dma_start3A_83 : memref<80x128xf32, #tpu.memory_space<hbm>>) target_semaphore(%run_scoped3A : memref<!tpu.dma_semaphore, #tpu.memory_space<semaphore_mem>>)
          %dma_wait3A_84 = arith.constant 0 : i32
          %dma_wait3A_85 = tpu.memref_slice %arg4[%mul3A_12, %dma_wait3A_84] : memref<10000x128xf32, #tpu.memory_space<hbm>> -> memref<80x128xf32, #tpu.memory_space<hbm>>
          %dma_wait3A_86 = arith.constant 0 : i32
          %dma_wait3A_87 = tpu.memref_slice %arg4[%mul3A_12, %dma_wait3A_86] : memref<10000x128xf32, #tpu.memory_space<hbm>> -> memref<80x128xf32, #tpu.memory_space<hbm>>
          tpu.wait_dma2 semaphore(%run_scoped3A : memref<!tpu.dma_semaphore, #tpu.memory_space<semaphore_mem>>) src(%arg9 : memref<80x128xf32, #tpu.memory_space<vmem>>) dst(%dma_wait3A_87 : memref<80x128xf32, #tpu.memory_space<hbm>>)
          tpu.yield
        }) : () -> ()
      } else {
      }
    }
    %scan3A_4 = arith.constant 4 : i32
    return
  }
}

</mosaic_0001>

<sc_bundles>
// kernel: kernel.12.cloned.1.call-start
scs
__scs_entry_jumppad:
0x0: {  	(pc) =	sbr.rel $0x88, $3  }
0x1: {  	(tag) =	ssettag $0x0;
	lr =	simm.s32 $0x1  }
0x2: {  	[smem:$0x3F9F] =	sst lr;
	_ =	strace $0xD0000000  }
0x3: {  	_ = 	snop  }
0x4: {  	_ = 	snop  }
0x5: {  	_ = 	snop  }
0x6: {  	_ = 	snop  }
0x7: {  	_ = 	snop  }
__scs_overlays_trampoline_lowered:
0x8: {  	[smem:$0x3FAE] =	sst s0  }
0x9: {  	[smem:$0x3FAF] =	sst s1  }
0xa: {  	[smem:$0x3FB0] =	sst s2  }
0xb: {  	[smem:$0x3FB1] =	sst s3  }
0xc: {  	[smem:$0x3FB2] =	sst s4  }
0xd: {  	[smem:$0x3FB3] =	sst s5  }
0xe: {  	[smem:$0x3FB4] =	sst s6  }
0xf: {  	[smem:$0x3FB5] =	sst s7  }
0x10: {  	[smem:$0x3FB6] =	sst s8  }
0x11: {  	[smem:$0x3FB7] =	sst s9;
	s0 =	simm.s32 @!p0 $0x0  }
0x12: {  	s1 =	sld [smem:$0x3F9D];
	s0 =	simm.s32 @p0 $0x1  }
0x13: {  	[smem:$0x3FB8] =	sst s0;
	s0 =	simm.s32 @!p1 $0x0  }
0x14: {  	s2 =	sld [smem:$0x3F9C];
	s0 =	simm.s32 @p1 $0x1  }
0x15: {  	[smem:$0x3FB9] =	sst s0;
	s0 =	simm.s32 @!p2 $0x0  }
0x16: {  	s3 =	sld [smem:$0x3FDB];
	s0 =	simm.s32 @p2 $0x1  }
0x17: {  	s4 =	simm.s32 $0x1BF5;
	[smem:$0x3FBB] =	sst s0  }
0x18: {  	s0 =	sld [smem:$0x3F9E];
	_ =	swait.ge [sflag:s4], $0x0  }
0x19: {  	s7 =	sld [smem:$0x3F9F]  }
0x1a: {  	s8 =	sadd.s32 $0xFFFFE003, lr  }
0x1b: {  	s9 =	sadd.s32 $0xFFFFFEF7, lr;
	s5 =	simm.s32 $0xFFFFFFFF;
	p2 =	slt.u32 s8, $0xFFFFF086  }
0x1c: {  	p1 =	slt.u32 s9, $0xF7A;
	s5 =	simm.s32 @!p2 $0x0  }
0x1d: {  	s5 =	simm.s32 @p1 $0x1;
	p0 =	seq.s32 s7, s2  }
0x1e: {  	s7 =	smul.u32 @!p0 $0xF7A, s2;
	p2 =	seq.s32 @!p0 s5, $0x0  }
0x1f: {  	s9 =	smul.u32 $0xF7A, s1;
	s8 =	simm.s32 @!p0 $0x1BF5;
	p2 =	por !p2, p0  }
0x20: {  	[sflag:s8] =	ssyncset.s32 @!p0 $0xFFFFF086;
	s6 =	sadd.s32 @!p0 s3, s7;
	s7 =	simm.s32 @!p0 $0x108  }
0x21: {  	s3 =	sadd.s32 s3, s9;
	s6 =	sadd.s32 @!p0 $0x88, s6;
	s7 =	simm.s32 @p2 $0x1082  }
0x22: {  	[simem:s7], [sflag:s8] =	dma.local @!p0 [hbm:s6], $0xF7A  }
0x23: {  	s9 =	sor.u32 $0xD0000000, s2;
	s6 =	simm.s32 $0x108;
	_ =	swait.ge @!p0 [sflag:s8], $0x0  }
0x24: {  	s3 =	sadd.s32 $0x88, s3;
	s6 =	simm.s32 @!p1 $0x1082;
	[sflag:s4] =	ssyncset.s32 $0xFFFFF086  }
0x25: {  	[simem:s6], [sflag:s4] =	dma.local [hbm:s3], $0xF7A  }
0x26: {  	[smem:$0x3F9F] =	sst s1;
	(tag) =	ssettag s2;
	_ =	strace s9  }
0x27: {  	s1 =	sld [smem:$0x3FAF]  }
0x28: {  	s2 =	sld [smem:$0x3FB0]  }
0x29: {  	s4 =	sld [smem:$0x3FB2]  }
0x2a: {  	p0 =	seq.s32 s5, $0x0;
	s5 =	sld [smem:$0x3FB3]  }
0x2b: {  	s6 =	sld [smem:$0x3FB4]  }
0x2c: {  	s7 =	sld [smem:$0x3FB5]  }
0x2d: {  	s3 =	simm.s32 $0x108;
	s8 =	sld [smem:$0x3FB6]  }
0x2e: {  	s3 =	simm.s32 @!p0 $0x1082;
	s9 =	sld [smem:$0x3FB7]  }
0x2f: {  	lr =	sadd.s32 s0, s3;
	s0 =	sld [smem:$0x3FAE]  }
0x30: {  	s3 =	sld [smem:$0x3FB1]  }
0x31: {  	[smem:$0x3FBA] =	sst s10  }
0x32: {  	s10 =	sld [smem:$0x3FB8];
	_ =	sdelay $0x3  }
0x33: {  	p0 =	seq.s32 s10, $0x1;
	s10 =	sld [smem:$0x3FBA];
	_ =	sdelay $0x3  }
0x34: {  	[smem:$0x3FBA] =	sst s10  }
0x35: {  	s10 =	sld [smem:$0x3FB9];
	_ =	sdelay $0x3  }
0x36: {  	p1 =	seq.s32 s10, $0x1;
	s10 =	sld [smem:$0x3FBA];
	_ =	sdelay $0x3  }
0x37: {  	[smem:$0x3FBA] =	sst s10  }
0x38: {  	s10 =	sld [smem:$0x3FBB]  }
0x39: {  	_ = 	snop;
	(pc) =	sbr.ind lr, $3  }
0x3a: {  	_ = 	snop  }
0x3b: {  	_ = 	snop  }
0x3c: {  	p2 =	seq.s32 s10, $0x1;
	s10 =	sld [smem:$0x3FBA]  }
0x3d: {  	_ =	shalt  }
0x3e: {  	_ =	shalt  }
0x3f: {  	_ =	shalt  }
0x40: {  	_ =	shalt  }
0x41: {  	_ =	shalt  }
0x42: {  	_ =	shalt  }
0x43: {  	_ =	shalt  }
0x44: {  	_ =	shalt  }
0x45: {  	_ =	shalt  }
0x46: {  	_ =	shalt  }
0x47: {  	_ =	shalt  }
0x48: {  	_ =	shalt  }
0x49: {  	_ =	shalt  }
0x4a: {  	_ =	shalt  }
0x4b: {  	_ =	shalt  }
0x4c: {  	_ =	shalt  }
0x4d: {  	_ =	shalt  }
0x4e: {  	_ =	shalt  }
0x4f: {  	_ =	shalt  }
0x50: {  	_ =	shalt  }
0x51: {  	_ =	shalt  }
0x52: {  	_ =	shalt  }
0x53: {  	_ =	shalt  }
0x54: {  	_ =	shalt  }
0x55: {  	_ =	shalt  }
0x56: {  	_ =	shalt  }
0x57: {  	_ =	shalt  }
0x58: {  	_ =	shalt  }
0x59: {  	_ =	shalt  }
0x5a: {  	_ =	shalt  }
0x5b: {  	_ =	shalt  }
0x5c: {  	_ =	shalt  }
0x5d: {  	_ =	shalt  }
0x5e: {  	_ =	shalt  }
0x5f: {  	_ =	shalt  }
0x60: {  	_ =	shalt  }
0x61: {  	_ =	shalt  }
0x62: {  	_ =	shalt  }
0x63: {  	_ =	shalt  }
0x64: {  	_ =	shalt  }
0x65: {  	_ =	shalt  }
0x66: {  	_ =	shalt  }
0x67: {  	_ =	shalt  }
0x68: {  	_ =	shalt  }
0x69: {  	_ =	shalt  }
0x6a: {  	_ =	shalt  }
0x6b: {  	_ =	shalt  }
0x6c: {  	_ =	shalt  }
0x6d: {  	_ =	shalt  }
0x6e: {  	_ =	shalt  }
0x6f: {  	_ =	shalt  }
0x70: {  	_ =	shalt  }
0x71: {  	_ =	shalt  }
0x72: {  	_ =	shalt  }
0x73: {  	_ =	shalt  }
0x74: {  	_ =	shalt  }
0x75: {  	_ =	shalt  }
0x76: {  	_ =	shalt  }
0x77: {  	_ =	shalt  }
0x78: {  	_ =	shalt  }
0x79: {  	_ =	shalt  }
0x7a: {  	_ =	shalt  }
0x7b: {  	_ =	shalt  }
0x7c: {  	_ =	shalt  }
0x7d: {  	_ =	shalt  }
0x7e: {  	_ =	shalt  }
0x7f: {  	_ =	shalt  }
0x80: {  	_ =	shalt  }
0x81: {  	_ =	shalt  }
0x82: {  	_ =	shalt  }
0x83: {  	_ =	shalt  }
0x84: {  	_ =	shalt  }
0x85: {  	_ =	shalt  }
0x86: {  	_ =	shalt  }
0x87: {  	_ =	shalt  }
.Lfunc_end0:
.L_simem_size_0:
called_computation.2_lowered:
.L_overlay_start_0:
0x88: {  	s2 =	sld [smem:$0x3FD9]  }
0x89: {  	s3 =	sld [smem:$0x3FFE];
	_ =	sdelay $0x1  }
0x8a: {  	s1 =	srdreg.scid  }
0x8b: {  	s0 =	sand.u32 $0x1, s1  }
0x8c: {  	s17 =	sshll.u32 s0, $0xA;
	s2 =	sadd.s32 s3, s2  }
0x8d: {  	s2 =	sadd.s32 s2, s17  }
0x8e: {  	[smem:$0x3FC6] =	sst s2  }
0x8f: {  	_ = 	snop  }
0x90: {  	s2 =	sld [smem:$0x3FD0];
	(tm) =	ssettm $0x1  }
0x91: {  	s18 =	sld [smem:$0x3FFB];
	_ =	sdelay $0x3  }
0x92: {  	_ =	strace s18  }
0x93: {  	s3 =	sld [smem:$0x3FFC];
	_ =	sdelay $0x3  }
0x94: {  	_ =	strace s3  }
0x95: {  	s3 =	sld [smem:$0x3FFD];
	_ =	sdelay $0x3  }
0x96: {  	_ =	strace s3  }
0x97: {  	_ =	strace $0x8FFFFFFF  }
0x98: {  	s19 =	sld [smem:$0x3FDB];
	_ =	sdelay $0x1  }
0x99: {  	s4 =	simm.s32 $_scs_section_size  }
0x9a: {  	s5 =	simm.s32 $_size__tile_overlayer_lowered;
	s6 =	simm.s32 $_tile_overlayer_lowered  }
0x9b: {  	s22 =	simm.s32 $0x1BFF;
	s21 =	sshll.u32 s6, $0x1;
	s3 =	sadd.s32 s4, s19  }
0x9c: {  	s7 =	simm.s32 $0x0;
	s20 =	sshll.u32 s5, $0x1;
	s5 =	sadd.s32 s21, s3  }
0x9d: {  	[timem:s7], [sflag:s22] =	dma.local [hbm:s5], s20  }
0x9e: {  	_ =	swait.ge [sflag:s22], s20  }
0x9f: {  	s4 =	ssub.s32 $0x0, s20;
	[sflag:s22] =	ssyncset.done $0x0  }
0xa0: {  	[sflag:s22] =	ssyncadd.s32 s4;
	_ =	sdelay $0x1  }
0xa1: {  	s23 =	simm.s32 $0x1B8B  }
0xa2: {  	_ =	swait.ge [sflag:s23], $0x1  }
0xa3: {  	[sflag:s23] =	ssyncset.done $0x0  }
0xa4: {  	s25 =	simm.s32 $0x1B8E;
	s24 =	sld [smem:$0x3FFE];
	[sflag:s23] =	ssyncadd.s32 $0xFFFFFFFF  }
0xa5: {  	s26 =	simm.s32 $execute0_lowered;
	[smem:$0x3FD2] =	sst s25  }
0xa6: {  	s5 =	sshll.u32 s26, $0x1;
	_ =	strace $0x8000004C;
	[dreg:$0x1] =	wrdreg $0xFFFFFFFF  }
0xa7: {  	s28 =	simm.s32 $_size_execute0_lowered;
	s3 =	sadd.s32 s3, s5;
	[dreg:$0x0] =	wrdreg $0x0  }
0xa8: {  	s5 =	sshll.u32 s28, $0x1;
	[dreg:$0x2] =	wrdreg s3  }
0xa9: {  	[dreg:$0x3] =	wrdreg s5  }
0xaa: {  	[dreg:$0x4] =	wrdreg $0xC0  }
0xab: {  	_ =	task [dreg:s7], $0x5FFFF  }
0xac: {  	[dreg:$0x1] =	wrdreg $0xFFFFFFFF  }
0xad: {  	[dreg:$0x0] =	wrdreg $0x60  }
0xae: {  	[dreg:$0x2] =	wrdreg s2  }
0xaf: {  	[dreg:$0x3] =	wrdreg s24  }
0xb0: {  	[dreg:$0x4] =	wrdreg $0x9  }
0xb1: {  	_ =	task.clear_ibuf [dreg:s7], $0x5FFFF;
	_ =	strace $0x9000004C  }
0xb2: {  	s29 =	simm.s32 $0x9;
	_ =	strace $0x8000004E  }
0xb3: {  	_ =	swait.ge [sflag:s29], $0x1  }
0xb4: {  	[sflag:s29] =	ssyncadd.s32 $0xFFFFFFFF  }
0xb5: {  	_ =	strace $0x9000004E  }
0xb6: {  	_ =	sfence  }
0xb7: {  	s30 =	sld [smem:$0x0];
	_ =	sdelay $0x2  }
0xb8: {  	s31 =	sshll.u32 s1, $0xD;
	s1 =	sshrl.u32 s1, $0x2  }
0xb9: {  	s3 =	sand.u32 $0x4000, s31;
	s1 =	sadd.s32 s1, s30  }
0xba: {  	s0 =	sor.u32 s3, s0;
	s1 =	sshll.u32 s1, $0x11  }
0xbb: {  	s0 =	sor.u32 s1, s0  }
0xbc: {  	s0 =	sadd.s32 $0x8F2B, s0  }
0xbd: {  	[sflag:s0] =	ssyncadd.remote.s32 $0x1  }
0xbe: {  	_ =	sfence.sel $0xFFFF  }
0xbf: {  	[dreg:$0x0] =	wrdreg $0xFFFFFFFF;
	(pc) =	sbr.abs _section_cstart, $3  }
0xc0: {  	[dreg:$0x1] =	wrdreg $0xFFFFFFFF  }
0xc1: {  	_ =	task.clear_ibuf [dreg:s7], $0x2FFFF;
	_ =	strace $0x9FFFFFFF  }
0xc2: {  	(tm) =	ssettm $0x7FFFFFFF  }
0xc3: {  	_ =	shalt  }
tec
execute0_lowered:
.L_overlay_start_1:
0x0: {  	(tag) =	ssettag $0x1  }
0x1: {  	s1 =	rddreg [dreg:$0x0]  }
0x2: {  	s4 =	rddreg [dreg:$0x1];
	s3 =	srdreg.scid  }
0x3: {  	s0 =	rddreg [dreg:$0x2];
	s2 =	simm.s32 $0x0;
	s9 =	simm.s32 $0x2800  }
0x4: {  	s10 =	simm.s32 $0x5000;
	s11 =	simm.s32 $0x7800;
	s12 =	simm.s32 $0x1  }
.Ltmp0:
0x5: {  	s13 =	simm.s32 $0xA000;
	s3 =	sand.u32 $0x1, s3;
	(pc) =	sbr.rel .LBB2_1-.Ltmp0, $4  }
0x6: {  	s14 =	simm.s32 $0x2;
	s15 =	simm.s32 $0x0;
	s7 =	ssub.s32 $0x2, s3  }
0x7: {  	[smem:$0x7FF] =	sst s2;
	s5 =	sadd.s32 $0x11000, s4;
	s8 =	sshrl.u32 s7, $0x1  }
0x8: {  	s6 =	sadd.s32 $0x5F200, s4;
	s4 =	stileid.u32;
	s8 =	ssub.s32 s7, s8  }
0x9: {  	_ =	strace $0x8000004D;
	s7 =	sshll.u32 s4, $0x1;
	s8 =	smax.u32 s8, $0x1  }
.LBB2_7:
0xa: {  	s15 =	sadd.s32 $0x1, s15  }
0xb: {  	p0 =	sne.s32 s15, s8  }
.Ltmp1:
0xc: {  	_ = 	snop;
	(pc) =	sbr.rel @!p0 .LBB2_8-.Ltmp1, $1  }
0xd: {  	_ =	sdelay $0x3  }
.LBB2_1:
.Ltmp2:
0xe: {  	(pc) =	sbr.rel .LBB2_2-.Ltmp2, $2  }
0xf: {  	_ =	sdelay $0x2  }
0x10: {  	s16 =	simm.s32 $0x0  }
.LBB2_6:
0x11: {  	s16 =	sadd.s32 $0x1, s16  }
0x12: {  	p0 =	sne.s32 s16, $0x4  }
.Ltmp3:
0x13: {  	_ = 	snop;
	(pc) =	sbr.rel @!p0 .LBB2_7-.Ltmp3, $1  }
0x14: {  	_ =	sdelay $0x3  }
.LBB2_2:
0x15: {  	s17 =	sshll.u32 s16, $0x5  }
0x16: {  	s17 =	sor.u32 s17, s7  }
0x17: {  	s17 =	sor.u32 s3, s17  }
0x18: {  	p0 =	sgt.u32 s17, $0x7C  }
.Ltmp4:
0x19: {  	_ = 	snop;
	(pc) =	sbr.rel @p0 .LBB2_6-.Ltmp4, $1  }
0x1a: {  	_ =	sdelay $0x3  }
0x1b: {  	s17 =	smul.u32 $0x2800, s17;
	_ =	sdelay $0x1  }
0x1c: {  	s17 =	sshrl.u32 s17, $0x3  }
0x1d: {  	s19 =	simm.s32 $0x0;
	s18 =	sadd.s32 s1, s17;
	s30 =	sadd.s32 $0x27100, s17  }
0x1e: {  	[tilespmem:s19], [sflag:$0x1] =	stream.linear.gather [hbm4b:s18+s19], $0x2800, $0x38;
	[tilespmem:$0xC800] =	vst v63  }
0x1f: {  	s20 =	sadd.s32 s1, s30  }
0x20: {  	[tilespmem:s9], [sflag:$0x1] =	stream.linear.gather [hbm4b:s20+s19], $0x2800, $0x38;
	[tilespmem:$0xC800] =	vst v63  }
0x21: {  	s31 =	sadd.s32 s5, s17  }
0x22: {  	[tilespmem:s10], [sflag:$0x1] =	stream.linear.gather [hbm4b:s31+s19], $0x2800, $0x38;
	[tilespmem:$0xC800] =	vst v63  }
0x23: {  	s18 =	sadd.s32 s5, s30  }
0x24: {  	[tilespmem:s11], [sflag:$0x1] =	stream.linear.gather [hbm4b:s18+s19], $0x2800, $0x38;
	[tilespmem:$0xC800] =	vst v63  }
0x25: {  	_ =	swait.ge [sflag:s12], $0x2800  }
0x26: {  	[sflag:s12] =	ssyncset.done $0x0  }
0x27: {  	[sflag:s12] =	ssyncadd.s32 $0xFFFFD800  }
0x28: {  	_ =	swait.ge [sflag:s12], $0x2800  }
0x29: {  	[sflag:s12] =	ssyncset.done $0x0  }
0x2a: {  	[sflag:s12] =	ssyncadd.s32 $0xFFFFD800  }
0x2b: {  	_ =	swait.ge [sflag:s12], $0x2800  }
0x2c: {  	[sflag:s12] =	ssyncset.done $0x0  }
0x2d: {  	[sflag:s12] =	ssyncadd.s32 $0xFFFFD800  }
0x2e: {  	_ =	swait.ge [sflag:s12], $0x2800  }
0x2f: {  	[sflag:s12] =	ssyncset.done $0x0  }
0x30: {  	s18 =	simm.s32 $0x0;
	[sflag:s12] =	ssyncadd.s32 $0xFFFFD800  }
0x31: {  	v0 =	vld [tilespmem:s18+$0x5070]  }
0x32: {  	v1 =	vld [tilespmem:s18+$0x7870]  }
0x33: {  	v2 =	vld [tilespmem:s18+$0x5000]  }
0x34: {  	v3 =	vld [tilespmem:s18+$0x7800]  }
0x35: {  	v4 =	vld [tilespmem:s18+$0x5010]  }
0x36: {  	v5 =	vld [tilespmem:s18+$0x7810]  }
0x37: {  	v6 =	vld [tilespmem:s18+$0x5020];
	v0 =	vadd.f32 v1, v0  }
0x38: {  	v7 =	vld [tilespmem:s18+$0x5030]  }
0x39: {  	v8 =	vld [tilespmem:s18+$0x7830];
	v0 =	vmax.f32 v0, $1.000000000e+00  }
0x3a: {  	v9 =	vld [tilespmem:s18+$0x70];
	(erf) = vrcp.f32 v0  }
0x3b: {  	v10 =	vld [tilespmem:s18+$0x2870]  }
0x3c: {  	v11 =	vld [tilespmem:s18+$0x7840]  }
0x3d: {  	v1 =	vld [tilespmem:s18+$0x7820];
	v2 =	vadd.f32 v3, v2  }
0x3e: {  	v12 =	vld [tilespmem:s18+$0x7850]  }
0x3f: {  	v13 =	vld [tilespmem:s18+$0x5060];
	v2 =	vmax.f32 v2, $1.000000000e+00  }
0x40: {  	v14 =	vld [tilespmem:s18+$0x2800];
	v4 =	vadd.f32 v5, v4;
	(erf) = vrcp.f32 v2  }
0x41: {  	v0 =	vld [tilespmem:s18+$0x5040]  }
0x42: {  	v3 =	vld [tilespmem:s18+$0x5050];
	v4 =	vmax.f32 v4, $1.000000000e+00;
	v1 =	vadd.f32 v1, v6  }
0x43: {  	v5 =	vld [tilespmem:s18+$0x7860];
	v7 =	vadd.f32 v8, v7;
	v2 =	vadd.f32 v10, v9;
	v10 =	vpop (erf);
	(erf) = vrcp.f32 v4  }
0x44: {  	v9 =	vld [tilespmem:s18+$0x0];
	v1 =	vmax.f32 v1, $1.000000000e+00  }
0x45: {  	v2 =	vmul.f32 v10, v2;
	(erf) = vrcp.f32 v1;
	v1 =	vmax.f32 v7, $1.000000000e+00;
	v7 =	vld [tilespmem:s18+$0x30]  }
0x46: {  	v0 =	vadd.f32 v11, v0;
	v10 =	vld [tilespmem:s18+$0x2830]  }
0x47: {  	v8 =	vld [tilespmem:s18+$0x20];
	[tilespmem:s18+$0xA070] =	vst v2;
	v2 =	vadd.f32 v12, v3  }
0x48: {  	v6 =	vld [tilespmem:s18+$0x2810];
	v5 =	vadd.f32 v5, v13;
	v0 =	vmax.f32 v0, $1.000000000e+00;
	(erf) = vrcp.f32 v1  }
0x49: {  	v4 =	vld [tilespmem:s18+$0x10];
	v1 =	vadd.f32 v14, v9;
	v9 =	vpop (erf);
	(erf) = vrcp.f32 v0;
	v0 =	vmax.f32 v2, $1.000000000e+00  }
0x4a: {  	v3 =	vld [tilespmem:s18+$0x2820];
	(erf) = vrcp.f32 v0  }
0x4b: {  	v7 =	vadd.f32 v10, v7;
	v10 =	vmax.f32 v5, $1.000000000e+00  }
0x4c: {  	v2 =	vpop (erf);
	(erf) = vrcp.f32 v10  }
0x4d: {  	v0 =	vmul.f32 v9, v1;
	v9 =	vld [tilespmem:s18+$0x40]  }
0x4e: {  	v1 =	vadd.f32 v6, v4;
	v6 =	vld [tilespmem:s18+$0x2840]  }
0x4f: {  	[tilespmem:s18+$0xA000] =	vst v0;
	v0 =	vld [tilespmem:s18+$0x50];
	v3 =	vadd.f32 v3, v8  }
0x50: {  	v1 =	vmul.f32 v2, v1;
	v2 =	vld [tilespmem:s18+$0x2850];
	v4 =	vpop (erf)  }
0x51: {  	v8 =	vpop (erf);
	v11 =	vmul.f32 v4, v3;
	v4 =	vld [tilespmem:s18+$0x2860]  }
0x52: {  	s19 =	simm.s32 $0x80;
	[tilespmem:s18+$0xA010] =	vst v1;
	v1 =	vld [tilespmem:s18+$0x60];
	v5 =	vpop (erf)  }
0x53: {  	s20 =	simm.s32 $0x400;
	v7 =	vmul.f32 v8, v7;
	v8 =	vadd.f32 v6, v9;
	v3 =	vld [tilespmem:s19+$0x5070];
	[tilespmem:s18+$0xA020] =	vst v11;
	v6 =	vpop (erf)  }
.LBB2_4:
0x54: {  	p0 =	sne.s32 s20, $0x9E00;
	v9 =	vld [tilespmem:s19+$0x7870]  }
0x55: {  	v10 =	vld [tilespmem:s19+$0x5000];
	[tilespmem:s18+$0xA030] =	vst v7;
	v5 =	vmul.f32 v5, v8;
	v0 =	vadd.f32 v2, v0;
	v2 =	vpop (erf)  }
0x56: {  	v7 =	vld [tilespmem:s19+$0x7800]  }
0x57: {  	v8 =	vld [tilespmem:s19+$0x5010];
	[tilespmem:s18+$0xA040] =	vst v5;
	v0 =	vmul.f32 v6, v0;
	v1 =	vadd.f32 v4, v1  }
0x58: {  	v4 =	vld [tilespmem:s19+$0x7810]  }
0x59: {  	v5 =	vld [tilespmem:s19+$0x5020];
	v3 =	vadd.f32 v9, v3;
	[tilespmem:s18+$0xA050] =	vst v0;
	v0 =	vmul.f32 v2, v1  }
0x5a: {  	v1 =	vld [tilespmem:s19+$0x7820]  }
0x5b: {  	v2 =	vadd.f32 v7, v10;
	v6 =	vld [tilespmem:s19+$0x5030];
	v3 =	vmax.f32 v3, $1.000000000e+00;
	[tilespmem:s18+$0xA060] =	vst v0;
	s18 =	smov.u32 s19  }
0x5c: {  	v0 =	vld [tilespmem:s18+$0x7830];
	(erf) = vrcp.f32 v3  }
0x5d: {  	v2 =	vmax.f32 v2, $1.000000000e+00;
	v3 =	vadd.f32 v4, v8;
	v4 =	vld [tilespmem:s18+$0x5040]  }
0x5e: {  	v7 =	vld [tilespmem:s18+$0x70];
	(erf) = vrcp.f32 v2  }
0x5f: {  	v2 =	vmax.f32 v3, $1.000000000e+00;
	v1 =	vadd.f32 v1, v5;
	v3 =	vld [tilespmem:s18+$0x2870]  }
0x60: {  	v5 =	vld [tilespmem:s18+$0x7840];
	(erf) = vrcp.f32 v2  }
0x61: {  	v1 =	vmax.f32 v1, $1.000000000e+00;
	v0 =	vadd.f32 v0, v6;
	v2 =	vld [tilespmem:s18+$0x5050]  }
0x62: {  	v6 =	vld [tilespmem:s18+$0x7850];
	(erf) = vrcp.f32 v1  }
0x63: {  	v0 =	vmax.f32 v0, $1.000000000e+00;
	v1 =	vld [tilespmem:s18+$0x5060]  }
0x64: {  	v8 =	vld [tilespmem:s18+$0x7860];
	v3 =	vadd.f32 v3, v7;
	(erf) = vrcp.f32 v0  }
0x65: {  	v0 =	vld [tilespmem:s18+$0x0];
	v4 =	vadd.f32 v5, v4;
	v5 =	vpop (erf)  }
0x66: {  	v7 =	vld [tilespmem:s18+$0x2800];
	v3 =	vmul.f32 v5, v3  }
0x67: {  	v5 =	vld [tilespmem:s18+$0x10];
	v10 =	vmax.f32 v4, $1.000000000e+00;
	v2 =	vadd.f32 v6, v2;
	v6 =	vpop (erf)  }
0x68: {  	v9 =	vld [tilespmem:s18+$0x2810];
	[tilespmem:s18+$0xA070] =	vst v3;
	(erf) = vrcp.f32 v10  }
0x69: {  	v3 =	vld [tilespmem:s18+$0x20];
	v2 =	vmax.f32 v2, $1.000000000e+00;
	v1 =	vadd.f32 v8, v1;
	v4 =	vpop (erf)  }
0x6a: {  	v8 =	vld [tilespmem:s18+$0x2820];
	(erf) = vrcp.f32 v2  }
0x6b: {  	v0 =	vadd.f32 v7, v0;
	v7 =	vld [tilespmem:s18+$0x30];
	v1 =	vmax.f32 v1, $1.000000000e+00;
	v10 =	vpop (erf)  }
0x6c: {  	v11 =	vld [tilespmem:s18+$0x2830];
	(erf) = vrcp.f32 v1  }
0x6d: {  	v0 =	vmul.f32 v6, v0;
	v1 =	vadd.f32 v9, v5;
	v6 =	vld [tilespmem:s18+$0x40];
	v9 =	vpop (erf)  }
0x6e: {  	v12 =	vld [tilespmem:s18+$0x2840]  }
.Ltmp5:
0x6f: {  	[tilespmem:s18+$0xA000] =	vst v0;
	v1 =	vmul.f32 v4, v1;
	v3 =	vadd.f32 v8, v3;
	v0 =	vld [tilespmem:s18+$0x50];
	(pc) =	sbr.rel @p0 .LBB2_4-.Ltmp5, $4  }
0x70: {  	v2 =	vld [tilespmem:s18+$0x2850]  }
0x71: {  	[tilespmem:s18+$0xA010] =	vst v1;
	v8 =	vmul.f32 v10, v3;
	v7 =	vadd.f32 v11, v7;
	v1 =	vld [tilespmem:s18+$0x60];
	v5 =	vpop (erf)  }
0x72: {  	s19 =	sshra.s32 s20, $0x2;
	v4 =	vld [tilespmem:s18+$0x2860]  }
0x73: {  	s20 =	sadd.s32 $0x200, s20;
	v3 =	vld [tilespmem:s19+$0x5070];
	[tilespmem:s18+$0xA020] =	vst v8;
	v7 =	vmul.f32 v9, v7;
	v8 =	vadd.f32 v12, v6;
	v6 =	vpop (erf)  }
0x74: {  	v9 =	vld [tilespmem:s19+$0x7870]  }
0x75: {  	v10 =	vld [tilespmem:s19+$0x5000];
	[tilespmem:s18+$0xA030] =	vst v7;
	v5 =	vmul.f32 v5, v8;
	v0 =	vadd.f32 v2, v0  }
0x76: {  	v7 =	vld [tilespmem:s19+$0x7800]  }
0x77: {  	v20 =	vld [tilespmem:s19+$0x5010];
	[tilespmem:s18+$0xA040] =	vst v5;
	v0 =	vmul.f32 v6, v0;
	v1 =	vadd.f32 v4, v1  }
0x78: {  	v22 =	vpop (erf);
	v5 =	vld [tilespmem:s19+$0x7810]  }
0x79: {  	v21 =	vld [tilespmem:s19+$0x5020];
	[tilespmem:s18+$0xA050] =	vst v0;
	v23 =	vmul.f32 v22, v1  }
0x7a: {  	v24 =	vld [tilespmem:s19+$0x7820]  }
0x7b: {  	v25 =	vld [tilespmem:s19+$0x5030];
	[tilespmem:s18+$0xA060] =	vst v23  }
0x7c: {  	v27 =	vld [tilespmem:s19+$0x7830]  }
0x7d: {  	v28 =	vld [tilespmem:s19+$0x5040]  }
0x7e: {  	v29 =	vld [tilespmem:s19+$0x70]  }
0x7f: {  	v3 =	vadd.f32 v9, v3;
	v30 =	vld [tilespmem:s19+$0x2870]  }
0x80: {  	v7 =	vadd.f32 v7, v10;
	v11 =	vld [tilespmem:s19+$0x7840]  }
0x81: {  	v26 =	vmax.f32 v3, $1.000000000e+00;
	v31 =	vld [tilespmem:s19+$0x5050]  }
0x82: {  	(erf) = vrcp.f32 v26;
	v12 =	vld [tilespmem:s19+$0x7850];
	v7 =	vmax.f32 v7, $1.000000000e+00  }
0x83: {  	v13 =	vld [tilespmem:s19+$0x5060];
	v2 =	vadd.f32 v5, v20;
	(erf) = vrcp.f32 v7  }
0x84: {  	v32 =	vld [tilespmem:s19+$0x7860]  }
0x85: {  	v34 =	vld [tilespmem:s19+$0x0];
	v2 =	vmax.f32 v2, $1.000000000e+00  }
0x86: {  	v14 =	vld [tilespmem:s19+$0x2800];
	(erf) = vrcp.f32 v2  }
0x87: {  	v37 =	vld [tilespmem:s19+$0x10]  }
0x88: {  	v38 =	vld [tilespmem:s19+$0x2810];
	v1 =	vadd.f32 v24, v21  }
0x89: {  	v39 =	vld [tilespmem:s19+$0x20];
	v3 =	vadd.f32 v27, v25  }
0x8a: {  	v40 =	vld [tilespmem:s19+$0x2820];
	v1 =	vmax.f32 v1, $1.000000000e+00;
	v0 =	vadd.f32 v11, v28  }
0x8b: {  	v42 =	vld [tilespmem:s19+$0x30];
	v46 =	vadd.f32 v12, v31;
	(erf) = vrcp.f32 v1;
	v43 =	vmax.f32 v3, $1.000000000e+00;
	v35 =	vpop (erf)  }
0x8c: {  	v45 =	vld [tilespmem:s19+$0x2830];
	v5 =	vadd.f32 v32, v13;
	v0 =	vmax.f32 v0, $1.000000000e+00;
	v44 =	vpop (erf);
	(erf) = vrcp.f32 v43  }
0x8d: {  	v47 =	vld [tilespmem:s19+$0x40];
	v49 =	vmax.f32 v46, $1.000000000e+00;
	(erf) = vrcp.f32 v0  }
0x8e: {  	v48 =	vld [tilespmem:s19+$0x2840];
	v51 =	vmax.f32 v5, $1.000000000e+00;
	(erf) = vrcp.f32 v49  }
0x8f: {  	v52 =	vld [tilespmem:s19+$0x50];
	v50 =	vpop (erf);
	(erf) = vrcp.f32 v51  }
0x90: {  	v53 =	vld [tilespmem:s19+$0x2850];
	v33 =	vadd.f32 v30, v29  }
0x91: {  	v54 =	vld [tilespmem:s19+$0x60];
	v41 =	vadd.f32 v14, v34  }
0x92: {  	v55 =	vld [tilespmem:s19+$0x2860];
	v7 =	vadd.f32 v38, v37;
	v36 =	vmul.f32 v35, v33  }
0x93: {  	v2 =	vadd.f32 v40, v39;
	v3 =	vmul.f32 v44, v41  }
0x94: {  	v57 =	vadd.f32 v45, v42;
	[tilespmem:s19+$0xA070] =	vst v36;
	v1 =	vmul.f32 v50, v7;
	v56 =	vpop (erf)  }
0x95: {  	v59 =	vadd.f32 v48, v47;
	[tilespmem:s19+$0xA000] =	vst v3;
	v2 =	vmul.f32 v56, v2;
	v58 =	vpop (erf)  }
0x96: {  	v0 =	vadd.f32 v53, v52;
	[tilespmem:s19+$0xA010] =	vst v1;
	v60 =	vpop (erf);
	v7 =	vmul.f32 v58, v57  }
0x97: {  	v1 =	vadd.f32 v55, v54;
	[tilespmem:s19+$0xA020] =	vst v2;
	v61 =	vpop (erf);
	v62 =	vmul.f32 v60, v59  }
0x98: {  	[tilespmem:s19+$0xA030] =	vst v7;
	v63 =	vpop (erf);
	v0 =	vmul.f32 v61, v0  }
0x99: {  	[tilespmem:s19+$0xA040] =	vst v62;
	v1 =	vmul.f32 v63, v1  }
0x9a: {  	[tilespmem:s19+$0xA050] =	vst v0  }
.Ltmp6:
0x9b: {  	s17 =	sadd.s32 s6, s17;
	[tilespmem:s19+$0xA060] =	vst v1;
	(pc) =	sbr.rel .LBB2_6-.Ltmp6, $4  }
0x9c: {  	[hbm4b:s17+s2] =	stream.linear.scatter [tilespmem:s13], [sflag:$0x2], $0x2800, $0x38;
	[tilespmem:$0xC800] =	vst v63  }
0x9d: {  	_ =	swait.ge [sflag:s14], $0x2800  }
0x9e: {  	[sflag:s14] =	ssyncset.done $0x0  }
0x9f: {  	[sflag:s14] =	ssyncadd.s32 $0xFFFFD800  }
.LBB2_8:
0xa0: {  	_ =	sfence.sel $0x180000  }
0xa1: {  	[bflag:$0x0] =	sbarrier.arrive $0xFFFF  }
0xa2: {  	p0 =	sne.s32 s4, $0x0;
	_ =	strace $0x9000004D  }
0xa3: {  	s0 =	sadd.s32 @!p0 $0x100000, s0;
	[bflag:$0x2] =	sbarrier.arrive $0xFFFF  }
0xa4: {  	[sflag:s0] =	ssyncadd.tile.s32 @!p0 $0x1;
	_ =	shalt  }
.Lfunc_end2:
_tile_overlayer_lowered:
.L_overlay_start_2:
0xa5: {  	(tag) =	ssettag $0x2  }
0xa6: {  	s0 =	rddreg [dreg:$0x0];
	s2 =	stileid.u32  }
0xa7: {  	s1 =	rddreg [dreg:$0x1];
	p0 =	sne.s32 s2, $0x0  }
0xa8: {  	s3 =	rddreg [dreg:$0x2];
	[bflag:$0x3] =	sbarrier.arrive $0xFFFF;
	s2 =	simm.s32 @!p0 $0x1C02  }
0xa9: {  	[timem:s3], [sflag:s2] =	dma.local @!p0 [hbm:s0], s1  }
0xaa: {  	s0 =	simm.s32 @!p0 $0x2  }
0xab: {  	_ =	swait.ge @!p0 [sflag:s0], s1  }
0xac: {  	s1 =	ssub.s32 @!p0 $0x0, s1;
	[sflag:s0] =	ssyncset.done @!p0 $0x0  }
0xad: {  	[sflag:s0] =	ssyncadd.s32 @!p0 s1  }
0xae: {  	[bflag:$0x3] =	sbarrier.arrive $0xFFFF  }
0xaf: {  	_ =	shalt  }

// kernel: kernel.15.cloned.1.call-start
scs
__scs_entry_jumppad:
0x0: {  	(pc) =	sbr.rel $0x88, $3  }
0x1: {  	(tag) =	ssettag $0x0;
	lr =	simm.s32 $0x1  }
0x2: {  	[smem:$0x3F9F] =	sst lr;
	_ =	strace $0xD0000000  }
0x3: {  	_ = 	snop  }
0x4: {  	_ = 	snop  }
0x5: {  	_ = 	snop  }
0x6: {  	_ = 	snop  }
0x7: {  	_ = 	snop  }
__scs_overlays_trampoline_lowered:
0x8: {  	[smem:$0x3FAE] =	sst s0  }
0x9: {  	[smem:$0x3FAF] =	sst s1  }
0xa: {  	[smem:$0x3FB0] =	sst s2  }
0xb: {  	[smem:$0x3FB1] =	sst s3  }
0xc: {  	[smem:$0x3FB2] =	sst s4  }
0xd: {  	[smem:$0x3FB3] =	sst s5  }
0xe: {  	[smem:$0x3FB4] =	sst s6  }
0xf: {  	[smem:$0x3FB5] =	sst s7  }
0x10: {  	[smem:$0x3FB6] =	sst s8  }
0x11: {  	[smem:$0x3FB7] =	sst s9;
	s0 =	simm.s32 @!p0 $0x0  }
0x12: {  	s1 =	sld [smem:$0x3F9D];
	s0 =	simm.s32 @p0 $0x1  }
0x13: {  	[smem:$0x3FB8] =	sst s0;
	s0 =	simm.s32 @!p1 $0x0  }
0x14: {  	s2 =	sld [smem:$0x3F9C];
	s0 =	simm.s32 @p1 $0x1  }
0x15: {  	[smem:$0x3FB9] =	sst s0;
	s0 =	simm.s32 @!p2 $0x0  }
0x16: {  	s3 =	sld [smem:$0x3FDB];
	s0 =	simm.s32 @p2 $0x1  }
0x17: {  	s4 =	simm.s32 $0x1BF5;
	[smem:$0x3FBB] =	sst s0  }
0x18: {  	s0 =	sld [smem:$0x3F9E];
	_ =	swait.ge [sflag:s4], $0x0  }
0x19: {  	s7 =	sld [smem:$0x3F9F]  }
0x1a: {  	s8 =	sadd.s32 $0xFFFFE003, lr  }
0x1b: {  	s9 =	sadd.s32 $0xFFFFFEF7, lr;
	s5 =	simm.s32 $0xFFFFFFFF;
	p2 =	slt.u32 s8, $0xFFFFF086  }
0x1c: {  	p1 =	slt.u32 s9, $0xF7A;
	s5 =	simm.s32 @!p2 $0x0  }
0x1d: {  	s5 =	simm.s32 @p1 $0x1;
	p0 =	seq.s32 s7, s2  }
0x1e: {  	s7 =	smul.u32 @!p0 $0xF7A, s2;
	p2 =	seq.s32 @!p0 s5, $0x0  }
0x1f: {  	s9 =	smul.u32 $0xF7A, s1;
	s8 =	simm.s32 @!p0 $0x1BF5;
	p2 =	por !p2, p0  }
0x20: {  	[sflag:s8] =	ssyncset.s32 @!p0 $0xFFFFF086;
	s6 =	sadd.s32 @!p0 s3, s7;
	s7 =	simm.s32 @!p0 $0x108  }
0x21: {  	s3 =	sadd.s32 s3, s9;
	s6 =	sadd.s32 @!p0 $0x88, s6;
	s7 =	simm.s32 @p2 $0x1082  }
0x22: {  	[simem:s7], [sflag:s8] =	dma.local @!p0 [hbm:s6], $0xF7A  }
0x23: {  	s9 =	sor.u32 $0xD0000000, s2;
	s6 =	simm.s32 $0x108;
	_ =	swait.ge @!p0 [sflag:s8], $0x0  }
0x24: {  	s3 =	sadd.s32 $0x88, s3;
	s6 =	simm.s32 @!p1 $0x1082;
	[sflag:s4] =	ssyncset.s32 $0xFFFFF086  }
0x25: {  	[simem:s6], [sflag:s4] =	dma.local [hbm:s3], $0xF7A  }
0x26: {  	[smem:$0x3F9F] =	sst s1;
	(tag) =	ssettag s2;
	_ =	strace s9  }
0x27: {  	s1 =	sld [smem:$0x3FAF]  }
0x28: {  	s2 =	sld [smem:$0x3FB0]  }
0x29: {  	s4 =	sld [smem:$0x3FB2]  }
0x2a: {  	p0 =	seq.s32 s5, $0x0;
	s5 =	sld [smem:$0x3FB3]  }
0x2b: {  	s6 =	sld [smem:$0x3FB4]  }
0x2c: {  	s7 =	sld [smem:$0x3FB5]  }
0x2d: {  	s3 =	simm.s32 $0x108;
	s8 =	sld [smem:$0x3FB6]  }
0x2e: {  	s3 =	simm.s32 @!p0 $0x1082;
	s9 =	sld [smem:$0x3FB7]  }
0x2f: {  	lr =	sadd.s32 s0, s3;
	s0 =	sld [smem:$0x3FAE]  }
0x30: {  	s3 =	sld [smem:$0x3FB1]  }
0x31: {  	[smem:$0x3FBA] =	sst s10  }
0x32: {  	s10 =	sld [smem:$0x3FB8];
	_ =	sdelay $0x3  }
0x33: {  	p0 =	seq.s32 s10, $0x1;
	s10 =	sld [smem:$0x3FBA];
	_ =	sdelay $0x3  }
0x34: {  	[smem:$0x3FBA] =	sst s10  }
0x35: {  	s10 =	sld [smem:$0x3FB9];
	_ =	sdelay $0x3  }
0x36: {  	p1 =	seq.s32 s10, $0x1;
	s10 =	sld [smem:$0x3FBA];
	_ =	sdelay $0x3  }
0x37: {  	[smem:$0x3FBA] =	sst s10  }
0x38: {  	s10 =	sld [smem:$0x3FBB]  }
0x39: {  	_ = 	snop;
	(pc) =	sbr.ind lr, $3  }
0x3a: {  	_ = 	snop  }
0x3b: {  	_ = 	snop  }
0x3c: {  	p2 =	seq.s32 s10, $0x1;
	s10 =	sld [smem:$0x3FBA]  }
0x3d: {  	_ =	shalt  }
0x3e: {  	_ =	shalt  }
0x3f: {  	_ =	shalt  }
0x40: {  	_ =	shalt  }
0x41: {  	_ =	shalt  }
0x42: {  	_ =	shalt  }
0x43: {  	_ =	shalt  }
0x44: {  	_ =	shalt  }
0x45: {  	_ =	shalt  }
0x46: {  	_ =	shalt  }
0x47: {  	_ =	shalt  }
0x48: {  	_ =	shalt  }
0x49: {  	_ =	shalt  }
0x4a: {  	_ =	shalt  }
0x4b: {  	_ =	shalt  }
0x4c: {  	_ =	shalt  }
0x4d: {  	_ =	shalt  }
0x4e: {  	_ =	shalt  }
0x4f: {  	_ =	shalt  }
0x50: {  	_ =	shalt  }
0x51: {  	_ =	shalt  }
0x52: {  	_ =	shalt  }
0x53: {  	_ =	shalt  }
0x54: {  	_ =	shalt  }
0x55: {  	_ =	shalt  }
0x56: {  	_ =	shalt  }
0x57: {  	_ =	shalt  }
0x58: {  	_ =	shalt  }
0x59: {  	_ =	shalt  }
0x5a: {  	_ =	shalt  }
0x5b: {  	_ =	shalt  }
0x5c: {  	_ =	shalt  }
0x5d: {  	_ =	shalt  }
0x5e: {  	_ =	shalt  }
0x5f: {  	_ =	shalt  }
0x60: {  	_ =	shalt  }
0x61: {  	_ =	shalt  }
0x62: {  	_ =	shalt  }
0x63: {  	_ =	shalt  }
0x64: {  	_ =	shalt  }
0x65: {  	_ =	shalt  }
0x66: {  	_ =	shalt  }
0x67: {  	_ =	shalt  }
0x68: {  	_ =	shalt  }
0x69: {  	_ =	shalt  }
0x6a: {  	_ =	shalt  }
0x6b: {  	_ =	shalt  }
0x6c: {  	_ =	shalt  }
0x6d: {  	_ =	shalt  }
0x6e: {  	_ =	shalt  }
0x6f: {  	_ =	shalt  }
0x70: {  	_ =	shalt  }
0x71: {  	_ =	shalt  }
0x72: {  	_ =	shalt  }
0x73: {  	_ =	shalt  }
0x74: {  	_ =	shalt  }
0x75: {  	_ =	shalt  }
0x76: {  	_ =	shalt  }
0x77: {  	_ =	shalt  }
0x78: {  	_ =	shalt  }
0x79: {  	_ =	shalt  }
0x7a: {  	_ =	shalt  }
0x7b: {  	_ =	shalt  }
0x7c: {  	_ =	shalt  }
0x7d: {  	_ =	shalt  }
0x7e: {  	_ =	shalt  }
0x7f: {  	_ =	shalt  }
0x80: {  	_ =	shalt  }
0x81: {  	_ =	shalt  }
0x82: {  	_ =	shalt  }
0x83: {  	_ =	shalt  }
0x84: {  	_ =	shalt  }
0x85: {  	_ =	shalt  }
0x86: {  	_ =	shalt  }
0x87: {  	_ =	shalt  }
.Lfunc_end0:
.L_simem_size_0:
called_computation.3_lowered:
.L_overlay_start_0:
0x88: {  	s2 =	sld [smem:$0x3FD9]  }
0x89: {  	s3 =	sld [smem:$0x3FFE];
	_ =	sdelay $0x1  }
0x8a: {  	s1 =	srdreg.scid  }
0x8b: {  	s0 =	sand.u32 $0x1, s1  }
0x8c: {  	s17 =	sshll.u32 s0, $0xA;
	s2 =	sadd.s32 s3, s2  }
0x8d: {  	s2 =	sadd.s32 s2, s17  }
0x8e: {  	[smem:$0x3FC6] =	sst s2  }
0x8f: {  	_ = 	snop  }
0x90: {  	s2 =	sld [smem:$0x3FD0];
	(tm) =	ssettm $0x1  }
0x91: {  	s18 =	sld [smem:$0x3FFB];
	_ =	sdelay $0x3  }
0x92: {  	_ =	strace s18  }
0x93: {  	s3 =	sld [smem:$0x3FFC];
	_ =	sdelay $0x3  }
0x94: {  	_ =	strace s3  }
0x95: {  	s3 =	sld [smem:$0x3FFD];
	_ =	sdelay $0x3  }
0x96: {  	_ =	strace s3  }
0x97: {  	_ =	strace $0x8FFFFFFF  }
0x98: {  	s19 =	sld [smem:$0x3FDB];
	_ =	sdelay $0x1  }
0x99: {  	s4 =	simm.s32 $_scs_section_size  }
0x9a: {  	s5 =	simm.s32 $_size__tile_overlayer_lowered;
	s6 =	simm.s32 $_tile_overlayer_lowered  }
0x9b: {  	s22 =	simm.s32 $0x1BFF;
	s21 =	sshll.u32 s6, $0x1;
	s3 =	sadd.s32 s4, s19  }
0x9c: {  	s7 =	simm.s32 $0x0;
	s20 =	sshll.u32 s5, $0x1;
	s5 =	sadd.s32 s21, s3  }
0x9d: {  	[timem:s7], [sflag:s22] =	dma.local [hbm:s5], s20  }
0x9e: {  	_ =	swait.ge [sflag:s22], s20  }
0x9f: {  	s4 =	ssub.s32 $0x0, s20;
	[sflag:s22] =	ssyncset.done $0x0  }
0xa0: {  	[sflag:s22] =	ssyncadd.s32 s4;
	_ =	sdelay $0x1  }
0xa1: {  	s23 =	simm.s32 $0x1B8B  }
0xa2: {  	_ =	swait.ge [sflag:s23], $0x1  }
0xa3: {  	[sflag:s23] =	ssyncset.done $0x0  }
0xa4: {  	s25 =	simm.s32 $0x1B8E;
	s24 =	sld [smem:$0x3FFE];
	[sflag:s23] =	ssyncadd.s32 $0xFFFFFFFF  }
0xa5: {  	s26 =	simm.s32 $execute0_lowered;
	[smem:$0x3FD2] =	sst s25  }
0xa6: {  	s5 =	sshll.u32 s26, $0x1;
	_ =	strace $0x8000004F;
	[dreg:$0x1] =	wrdreg $0xFFFFFFFF  }
0xa7: {  	s28 =	simm.s32 $_size_execute0_lowered;
	s3 =	sadd.s32 s3, s5;
	[dreg:$0x0] =	wrdreg $0x0  }
0xa8: {  	s5 =	sshll.u32 s28, $0x1;
	[dreg:$0x2] =	wrdreg s3  }
0xa9: {  	[dreg:$0x3] =	wrdreg s5  }
0xaa: {  	[dreg:$0x4] =	wrdreg $0xC0  }
0xab: {  	_ =	task [dreg:s7], $0x5FFFF  }
0xac: {  	[dreg:$0x1] =	wrdreg $0xFFFFFFFF  }
0xad: {  	[dreg:$0x0] =	wrdreg $0x60  }
0xae: {  	[dreg:$0x2] =	wrdreg s24  }
0xaf: {  	[dreg:$0x3] =	wrdreg s2  }
0xb0: {  	[dreg:$0x4] =	wrdreg $0x0  }
0xb1: {  	[dreg:$0x5] =	wrdreg $0x9  }
0xb2: {  	_ =	task.clear_ibuf [dreg:s7], $0x6FFFF;
	_ =	strace $0x9000004F  }
0xb3: {  	s29 =	simm.s32 $0x9;
	_ =	strace $0x80000051  }
0xb4: {  	_ =	swait.ge [sflag:s29], $0x1  }
0xb5: {  	[sflag:s29] =	ssyncadd.s32 $0xFFFFFFFF  }
0xb6: {  	_ =	strace $0x90000051  }
0xb7: {  	_ =	sfence  }
0xb8: {  	s30 =	sld [smem:$0x0];
	_ =	sdelay $0x2  }
0xb9: {  	s31 =	sshll.u32 s1, $0xD;
	s1 =	sshrl.u32 s1, $0x2  }
0xba: {  	s3 =	sand.u32 $0x4000, s31;
	s1 =	sadd.s32 s1, s30  }
0xbb: {  	s0 =	sor.u32 s3, s0;
	s1 =	sshll.u32 s1, $0x11  }
0xbc: {  	s0 =	sor.u32 s1, s0  }
0xbd: {  	s0 =	sadd.s32 $0x8F2B, s0  }
0xbe: {  	[sflag:s0] =	ssyncadd.remote.s32 $0x1  }
0xbf: {  	_ =	sfence.sel $0xFFFF  }
0xc0: {  	[dreg:$0x0] =	wrdreg $0xFFFFFFFF;
	(pc) =	sbr.abs _section_cstart, $3  }
0xc1: {  	[dreg:$0x1] =	wrdreg $0xFFFFFFFF  }
0xc2: {  	_ =	task.clear_ibuf [dreg:s7], $0x2FFFF;
	_ =	strace $0x9FFFFFFF  }
0xc3: {  	(tm) =	ssettm $0x7FFFFFFF  }
tec
execute0_lowered:
.L_overlay_start_1:
0x0: {  	(tag) =	ssettag $0x1  }
0x1: {  	s25 =	stileid.u32  }
0x2: {  	s9 =	smul.u32 $0x500, s25;
	s10 =	sor.u32 $0x10, s25  }
0x3: {  	s11 =	sor.u32 $0x20, s25;
	s19 =	smul.u32 $0x500, s10  }
0x4: {  	s0 =	rddreg [dreg:$0x0];
	s20 =	sor.u32 $0x30, s25;
	s13 =	smul.u32 $0x500, s11  }
0x5: {  	s1 =	rddreg [dreg:$0x1];
	s21 =	sor.u32 $0x40, s25;
	s15 =	smul.u32 $0x500, s20  }
0x6: {  	s2 =	rddreg [dreg:$0x2];
	s22 =	sor.u32 $0x50, s25;
	s26 =	smul.u32 $0x500, s21  }
0x7: {  	s4 =	srdreg.scid;
	s24 =	sor.u32 $0x70, s25;
	s16 =	smul.u32 $0x500, s22  }
0x8: {  	s4 =	sand.u32 $0x1, s4;
	s5 =	sshll.u32 s25, $0x1;
	s17 =	smul.u32 $0x500, s24  }
0x9: {  	s5 =	sor.u32 s4, s5;
	s12 =	ssub.s32 $0x2, s4;
	s4 =	smul.u32 $0x27100, s4  }
0xa: {  	s3 =	simm.s32 $0x0;
	s30 =	simm.s32 $0x4;
	s10 =	smul.u32 $0xA000, s10  }
0xb: {  	s31 =	simm.s32 $0x13880;
	[smem:$0x7FF] =	sst s3;
	s21 =	smul.u32 $0xA000, s21  }
0xc: {  	s7 =	sadd.s32 $0x5F200, s0;
	s23 =	sor.u32 $0x60, s25;
	s22 =	smul.u32 $0xA000, s22  }
0xd: {  	_ =	strace $0x80000050;
	p0 =	sgt.u32 s24, $0x7C;
	s6 =	smul.u32 $0x27100, s5  }
0xe: {  	s8 =	smul.u32 $0x138800, s5;
	s5 =	sshll.u32 s5, $0xB;
	s9 =	sadd.s32 s7, s9  }
0xf: {  	s0 =	sadd.s32 s5, s0;
	[dreg:$0x4] =	wrdreg s9;
	s5 =	sadd.s32 s7, s19  }
0x10: {  	s14 =	sshrl.u32 s12, $0x1;
	s13 =	sadd.s32 s7, s13;
	[dreg:$0x5] =	wrdreg s5  }
0x11: {  	s12 =	ssub.s32 s12, s14;
	s18 =	sadd.s32 s7, s15;
	[dreg:$0x6] =	wrdreg s13  }
0x12: {  	s9 =	smul.u32 $0x500, s23;
	s19 =	sadd.s32 s7, s26;
	[dreg:$0x7] =	wrdreg s18  }
0x13: {  	s26 =	sadd.s32 s7, s16;
	s8 =	sshrl.u32 s8, $0x3;
	[dreg:$0x8] =	wrdreg s19  }
0x14: {  	[dreg:$0x9] =	wrdreg s26;
	s5 =	sadd.s32 s7, s17;
	s0 =	sadd.s32 $0x1000, s0  }
0x15: {  	s6 =	sadd.s32 s1, s6;
	s19 =	smax.u32 s12, $0x1;
	s12 =	smul.u32 $0xA000, s11  }
0x16: {  	s13 =	smul.u32 $0xA000, s20;
	s20 =	sshll.u32 s25, $0x6;
	[dreg:$0xb] =	wrdreg s5  }
0x17: {  	s26 =	smul.u32 $0xA000, s24;
	s9 =	sadd.s32 s7, s9;
	[dreg:$0xc] =	wrdreg s0  }
0x18: {  	s7 =	smul.u32 $0x4E200, s25;
	s8 =	sadd.s32 s1, s8;
	[dreg:$0xd] =	wrdreg s6  }
0x19: {  	s20 =	sor.u32 $0x1C04, s20;
	s0 =	sshrl.u32 s10, $0x2;
	s6 =	sshrl.u32 s21, $0x2  }
0x1a: {  	[dreg:$0xa] =	wrdreg s9;
	s14 =	sadd.s32 $0x500, s8;
	s16 =	sadd.s32 $0xA00, s8  }
0x1b: {  	s9 =	smul.u32 $0xA000, s25;
	s17 =	sadd.s32 $0x26700, s8;
	s18 =	sadd.s32 $0x26C00, s8  }
0x1c: {  	s0 =	sadd.s32 s0, s2;
	s5 =	sshrl.u32 s13, $0x2;
	s25 =	smul.u32 $0xA000, s23  }
0x1d: {  	s6 =	sadd.s32 s6, s2;
	s1 =	sadd.s32 s7, s1;
	s5 =	sadd.s32 s5, s2  }
0x1e: {  	s7 =	sshrl.u32 s22, $0x2;
	s22 =	sshrl.u32 s0, $0x3;
	s0 =	simm.s32 $0x50  }
0x1f: {  	s15 =	sadd.s32 s4, s1;
	s1 =	sshrl.u32 s9, $0x2;
	s4 =	sshrl.u32 s12, $0x2  }
0x20: {  	s7 =	sadd.s32 s7, s2;
	s8 =	sshrl.u32 s25, $0x2;
	s9 =	sshrl.u32 s26, $0x2  }
0x21: {  	s24 =	sshrl.u32 s5, $0x3;
	s25 =	sshrl.u32 s6, $0x3;
	s5 =	simm.s32 $0x1C880  }
0x22: {  	s6 =	simm.s32 $0x1;
	s1 =	sadd.s32 s1, s2;
	s4 =	sadd.s32 s4, s2  }
0x23: {  	s8 =	sadd.s32 s8, s2;
	s9 =	sadd.s32 s9, s2;
	s26 =	sshrl.u32 s7, $0x3  }
0x24: {  	s7 =	simm.s32 $0x2;
	s21 =	sshrl.u32 s1, $0x3;
	s23 =	sshrl.u32 s4, $0x3  }
0x25: {  	s28 =	sshrl.u32 s8, $0x3;
	s29 =	sshrl.u32 @!p0 s9, $0x3;
	s1 =	simm.s32 $0x17880  }
0x26: {  	s4 =	simm.s32 $0x1A080;
	s8 =	simm.s32 $0x3;
	s9 =	simm.s32 $0x0  }
.LBB2_1:
0x27: {  	s10 =	rddreg [dreg:$0x4]  }
0x28: {  	[spmem:s21], [sflag:s20] =	dma.local [hbm:s10], $0x500  }
0x29: {  	_ =	swait.ge [sflag:s30], $0x500  }
0x2a: {  	[sflag:s30] =	ssyncset.done $0x0  }
0x2b: {  	s13 =	rddreg [dreg:$0x5];
	[sflag:s30] =	ssyncadd.s32 $0xFFFFFB00  }
0x2c: {  	[spmem:s22], [sflag:s20] =	dma.local [hbm:s13], $0x500  }
0x2d: {  	_ =	swait.ge [sflag:s30], $0x500  }
0x2e: {  	[sflag:s30] =	ssyncset.done $0x0  }
0x2f: {  	s11 =	rddreg [dreg:$0x6];
	[sflag:s30] =	ssyncadd.s32 $0xFFFFFB00  }
0x30: {  	[spmem:s23], [sflag:s20] =	dma.local [hbm:s11], $0x500  }
0x31: {  	_ =	swait.ge [sflag:s30], $0x500  }
0x32: {  	[sflag:s30] =	ssyncset.done $0x0  }
0x33: {  	s12 =	rddreg [dreg:$0x7];
	[sflag:s30] =	ssyncadd.s32 $0xFFFFFB00  }
0x34: {  	[spmem:s24], [sflag:s20] =	dma.local [hbm:s12], $0x500  }
0x35: {  	_ =	swait.ge [sflag:s30], $0x500  }
0x36: {  	[sflag:s30] =	ssyncset.done $0x0  }
0x37: {  	s13 =	rddreg [dreg:$0x8];
	[sflag:s30] =	ssyncadd.s32 $0xFFFFFB00  }
0x38: {  	[spmem:s25], [sflag:s20] =	dma.local [hbm:s13], $0x500  }
0x39: {  	_ =	swait.ge [sflag:s30], $0x500  }
0x3a: {  	[sflag:s30] =	ssyncset.done $0x0  }
0x3b: {  	s11 =	rddreg [dreg:$0x9];
	[sflag:s30] =	ssyncadd.s32 $0xFFFFFB00  }
0x3c: {  	[spmem:s26], [sflag:s20] =	dma.local [hbm:s11], $0x500  }
0x3d: {  	_ =	swait.ge [sflag:s30], $0x500  }
0x3e: {  	[sflag:s30] =	ssyncset.done $0x0  }
0x3f: {  	s12 =	rddreg [dreg:$0xa];
	[sflag:s30] =	ssyncadd.s32 $0xFFFFFB00  }
0x40: {  	[spmem:s28], [sflag:s20] =	dma.local [hbm:s12], $0x500  }
0x41: {  	_ =	swait.ge [sflag:s30], $0x500  }
0x42: {  	[sflag:s30] =	ssyncset.done $0x0  }
0x43: {  	s10 =	rddreg [dreg:$0xb];
	[sflag:s30] =	ssyncadd.s32 $0xFFFFFB00  }
0x44: {  	[spmem:s29], [sflag:s20] =	dma.local @!p0 [hbm:s10], $0x500  }
0x45: {  	s10 =	simm.s32 @!p0 $0x4  }
0x46: {  	_ =	swait.ge @!p0 [sflag:s10], $0x500  }
0x47: {  	[sflag:s10] =	ssyncset.done @!p0 $0x0  }
0x48: {  	[sflag:s10] =	ssyncadd.s32 @!p0 $0xFFFFFB00  }
0x49: {  	[bflag:$0x0] =	sbarrier.arrive $0xFFFF  }
0x4a: {  	s13 =	rddreg [dreg:$0xc]  }
0x4b: {  	[tilespmem:s31], [sflag:$0x4] =	stream.linear.gather [hbm4b:s13+s3], $0x3E80, $0x38;
	[tilespmem:$0x1F080] =	vst v63  }
0x4c: {  	_ =	swait.ge [sflag:s30], $0x3E80  }
0x4d: {  	[sflag:s30] =	ssyncset.done $0x0  }
0x4e: {  	[sflag:s30] =	ssyncadd.s32 $0xFFFFC180  }
0x4f: {  	[tilespmem:s1], [sflag:$0x4] =	stream.indirect.gather [spmem:s2], $0x80, s31, s0, $0xb8;
	[tilespmem:$0x1F080] =	vst v63  }
0x50: {  	_ =	swait.ge [sflag:s30], $0x2800  }
0x51: {  	[sflag:s30] =	ssyncset.done $0x0  }
0x52: {  	s11 =	rddreg [dreg:$0xd];
	[sflag:s30] =	ssyncadd.s32 $0xFFFFD800  }
0x53: {  	[hbm4b:s11+s3] =	stream.linear.scatter [tilespmem:s1], [sflag:$0x1], $0x2800, $0x38;
	[tilespmem:$0x1F080] =	vst v63  }
0x54: {  	s12 =	simm.s32 $0x13900  }
0x55: {  	[tilespmem:s4], [sflag:$0x4] =	stream.indirect.gather [spmem:s2], $0x80, s12, s0, $0xb8;
	[tilespmem:$0x1F080] =	vst v63  }
0x56: {  	_ =	swait.ge [sflag:s30], $0x2800  }
0x57: {  	[sflag:s30] =	ssyncset.done $0x0  }
0x58: {  	[sflag:s30] =	ssyncadd.s32 $0xFFFFD800  }
0x59: {  	[hbm4b:s14+s3] =	stream.linear.scatter [tilespmem:s4], [sflag:$0x2], $0x2800, $0x38;
	[tilespmem:$0x1F080] =	vst v63  }
0x5a: {  	s13 =	simm.s32 $0x13980  }
0x5b: {  	[tilespmem:s5], [sflag:$0x4] =	stream.indirect.gather [spmem:s2], $0x80, s13, s0, $0xb8;
	[tilespmem:$0x1F080] =	vst v63  }
0x5c: {  	_ =	swait.ge [sflag:s30], $0x2800  }
0x5d: {  	[sflag:s30] =	ssyncset.done $0x0  }
0x5e: {  	[sflag:s30] =	ssyncadd.s32 $0xFFFFD800  }
0x5f: {  	[hbm4b:s16+s3] =	stream.linear.scatter [tilespmem:s5], [sflag:$0x3], $0x2800, $0x38;
	[tilespmem:$0x1F080] =	vst v63  }
0x60: {  	_ =	swait.ge [sflag:s6], $0x2800  }
0x61: {  	[sflag:s6] =	ssyncset.done $0x0  }
0x62: {  	s11 =	simm.s32 $0x13A00;
	[sflag:s6] =	ssyncadd.s32 $0xFFFFD800  }
0x63: {  	[tilespmem:s1], [sflag:$0x4] =	stream.indirect.gather [spmem:s2], $0x80, s11, s0, $0xb8;
	[tilespmem:$0x1F080] =	vst v63  }
0x64: {  	_ =	swait.ge [sflag:s30], $0x2800  }
0x65: {  	s11 =	sadd.s32 $0x0, s15;
	[sflag:s30] =	ssyncset.done $0x0  }
0x66: {  	s12 =	sadd.s32 $0xF00, s11;
	[sflag:s30] =	ssyncadd.s32 $0xFFFFD800  }
0x67: {  	[hbm4b:s12+s3] =	stream.linear.scatter [tilespmem:s1], [sflag:$0x1], $0x2800, $0x38;
	[tilespmem:$0x1F080] =	vst v63  }
0x68: {  	_ =	swait.ge [sflag:s7], $0x2800  }
0x69: {  	[sflag:s7] =	ssyncset.done $0x0  }
0x6a: {  	s13 =	simm.s32 $0x13A80;
	[sflag:s7] =	ssyncadd.s32 $0xFFFFD800  }
0x6b: {  	[tilespmem:s4], [sflag:$0x4] =	stream.indirect.gather [spmem:s2], $0x80, s13, s0, $0xb8;
	[tilespmem:$0x1F080] =	vst v63  }
0x6c: {  	_ =	swait.ge [sflag:s30], $0x2800  }
0x6d: {  	[sflag:s30] =	ssyncset.done $0x0  }
0x6e: {  	s12 =	sadd.s32 $0x1400, s11;
	[sflag:s30] =	ssyncadd.s32 $0xFFFFD800  }
0x6f: {  	[hbm4b:s12+s3] =	stream.linear.scatter [tilespmem:s4], [sflag:$0x2], $0x2800, $0x38;
	[tilespmem:$0x1F080] =	vst v63  }
0x70: {  	_ =	swait.ge [sflag:s8], $0x2800  }
0x71: {  	[sflag:s8] =	ssyncset.done $0x0  }
0x72: {  	s13 =	simm.s32 $0x13B00;
	[sflag:s8] =	ssyncadd.s32 $0xFFFFD800  }
0x73: {  	[tilespmem:s5], [sflag:$0x4] =	stream.indirect.gather [spmem:s2], $0x80, s13, s0, $0xb8;
	[tilespmem:$0x1F080] =	vst v63  }
0x74: {  	_ =	swait.ge [sflag:s30], $0x2800  }
0x75: {  	s10 =	simm.s32 $0xF00;
	[sflag:s30] =	ssyncset.done $0x0  }
0x76: {  	s12 =	sadd.s32 $0x1900, s11;
	s11 =	simm.s32 $0x13B80;
	[sflag:s30] =	ssyncadd.s32 $0xFFFFD800  }
.LBB2_2:
0x77: {  	[hbm4b:s12+s3] =	stream.linear.scatter [tilespmem:s5], [sflag:$0x3], $0x2800, $0x38;
	[tilespmem:$0x1F080] =	vst v63  }
0x78: {  	s12 =	smov.u32 s10  }
0x79: {  	p1 =	sne.s32 s10, $0x24900;
	s10 =	sadd.s32 $0xF00, s10;
	_ =	swait.ge [sflag:s6], $0x2800  }
0x7a: {  	[sflag:s6] =	ssyncset.done $0x0  }
0x7b: {  	[sflag:s6] =	ssyncadd.s32 $0xFFFFD800  }
0x7c: {  	[tilespmem:s1], [sflag:$0x4] =	stream.indirect.gather [spmem:s2], $0x80, s11, s0, $0xb8;
	[tilespmem:$0x1F080] =	vst v63  }
0x7d: {  	_ =	swait.ge [sflag:s30], $0x2800  }
0x7e: {  	s12 =	sadd.s32 s12, s15;
	[sflag:s30] =	ssyncset.done $0x0  }
0x7f: {  	s13 =	sadd.s32 $0xF00, s12;
	[sflag:s30] =	ssyncadd.s32 $0xFFFFD800  }
0x80: {  	[hbm4b:s13+s3] =	stream.linear.scatter [tilespmem:s1], [sflag:$0x1], $0x2800, $0x38;
	[tilespmem:$0x1F080] =	vst v63  }
0x81: {  	_ =	swait.ge [sflag:s7], $0x2800  }
0x82: {  	[sflag:s7] =	ssyncset.done $0x0  }
0x83: {  	s13 =	sadd.s32 $0x80, s11;
	[sflag:s7] =	ssyncadd.s32 $0xFFFFD800  }
0x84: {  	[tilespmem:s4], [sflag:$0x4] =	stream.indirect.gather [spmem:s2], $0x80, s13, s0, $0xb8;
	[tilespmem:$0x1F080] =	vst v63  }
0x85: {  	_ =	swait.ge [sflag:s30], $0x2800  }
0x86: {  	[sflag:s30] =	ssyncset.done $0x0  }
0x87: {  	s13 =	sadd.s32 $0x1400, s12;
	[sflag:s30] =	ssyncadd.s32 $0xFFFFD800  }
0x88: {  	[hbm4b:s13+s3] =	stream.linear.scatter [tilespmem:s4], [sflag:$0x2], $0x2800, $0x38;
	[tilespmem:$0x1F080] =	vst v63  }
0x89: {  	_ =	swait.ge [sflag:s8], $0x2800  }
0x8a: {  	[sflag:s8] =	ssyncset.done $0x0  }
.Ltmp0:
0x8b: {  	s13 =	sadd.s32 $0x100, s11;
	[sflag:s8] =	ssyncadd.s32 $0xFFFFD800;
	(pc) =	sbr.rel @p1 .LBB2_2-.Ltmp0, $4  }
0x8c: {  	[tilespmem:s5], [sflag:$0x4] =	stream.indirect.gather [spmem:s2], $0x80, s13, s0, $0xb8;
	[tilespmem:$0x1F080] =	vst v63  }
0x8d: {  	_ =	swait.ge [sflag:s30], $0x2800  }
0x8e: {  	[sflag:s30] =	ssyncset.done $0x0  }
0x8f: {  	s12 =	sadd.s32 $0x1900, s12;
	s11 =	sadd.s32 $0x180, s11;
	[sflag:s30] =	ssyncadd.s32 $0xFFFFD800  }
0x90: {  	[hbm4b:s12+s3] =	stream.linear.scatter [tilespmem:s5], [sflag:$0x3], $0x2800, $0x38;
	[tilespmem:$0x1F080] =	vst v63  }
0x91: {  	_ =	swait.ge [sflag:s6], $0x2800  }
0x92: {  	[sflag:s6] =	ssyncset.done $0x0  }
0x93: {  	s10 =	simm.s32 $0x17600;
	[sflag:s6] =	ssyncadd.s32 $0xFFFFD800  }
0x94: {  	[tilespmem:s1], [sflag:$0x4] =	stream.indirect.gather [spmem:s2], $0x80, s10, s0, $0xb8;
	[tilespmem:$0x1F080] =	vst v63  }
0x95: {  	_ =	swait.ge [sflag:s30], $0x2800  }
0x96: {  	[sflag:s30] =	ssyncset.done $0x0  }
0x97: {  	[sflag:s30] =	ssyncadd.s32 $0xFFFFD800  }
0x98: {  	[hbm4b:s17+s3] =	stream.linear.scatter [tilespmem:s1], [sflag:$0x4], $0x2800, $0x38;
	[tilespmem:$0x1F080] =	vst v63  }
0x99: {  	_ =	swait.ge [sflag:s30], $0x2800  }
0x9a: {  	[sflag:s30] =	ssyncset.done $0x0  }
0x9b: {  	[sflag:s30] =	ssyncadd.s32 $0xFFFFD800  }
0x9c: {  	_ =	swait.ge [sflag:s7], $0x2800  }
0x9d: {  	[sflag:s7] =	ssyncset.done $0x0  }
0x9e: {  	s13 =	simm.s32 $0x17680;
	[sflag:s7] =	ssyncadd.s32 $0xFFFFD800  }
0x9f: {  	[tilespmem:s4], [sflag:$0x4] =	stream.indirect.gather [spmem:s2], $0x80, s13, s0, $0xb8;
	[tilespmem:$0x1F080] =	vst v63  }
0xa0: {  	_ =	swait.ge [sflag:s30], $0x2800  }
0xa1: {  	[sflag:s30] =	ssyncset.done $0x0  }
0xa2: {  	s9 =	sadd.s32 $0x1, s9;
	[sflag:s30] =	ssyncadd.s32 $0xFFFFD800  }
0xa3: {  	[hbm4b:s18+s3] =	stream.linear.scatter [tilespmem:s4], [sflag:$0x4], $0x2800, $0x38;
	[tilespmem:$0x1F080] =	vst v63  }
0xa4: {  	p1 =	sne.s32 s9, s19;
	_ =	swait.ge [sflag:s30], $0x2800  }
.Ltmp1:
0xa5: {  	[sflag:s30] =	ssyncset.done $0x0;
	(pc) =	sbr.rel @p1 .LBB2_1-.Ltmp1, $4  }
0xa6: {  	[sflag:s30] =	ssyncadd.s32 $0xFFFFD800  }
0xa7: {  	_ =	swait.ge [sflag:s8], $0x2800  }
0xa8: {  	[sflag:s8] =	ssyncset.done $0x0  }
0xa9: {  	[sflag:s8] =	ssyncadd.s32 $0xFFFFD800  }
0xaa: {  	_ =	sfence.sel $0x180000  }
0xab: {  	[bflag:$0x0] =	sbarrier.arrive $0xFFFF  }
0xac: {  	_ =	strace $0x90000050  }
0xad: {  	s0 =	stileid.u32;
	[bflag:$0x2] =	sbarrier.arrive $0xFFFF  }
0xae: {  	p0 =	sne.s32 s0, $0x0;
	s0 =	rddreg [dreg:$0x3]  }
0xaf: {  	s0 =	sadd.s32 @!p0 $0x100000, s0  }
0xb0: {  	[sflag:s0] =	ssyncadd.tile.s32 @!p0 $0x1;
	_ =	shalt  }
.Lfunc_end2:
_tile_overlayer_lowered:
.L_overlay_start_2:
0xb1: {  	(tag) =	ssettag $0x2  }
0xb2: {  	s0 =	rddreg [dreg:$0x0];
	s2 =	stileid.u32  }
0xb3: {  	s1 =	rddreg [dreg:$0x1];
	p0 =	sne.s32 s2, $0x0  }
0xb4: {  	s3 =	rddreg [dreg:$0x2];
	[bflag:$0x3] =	sbarrier.arrive $0xFFFF;
	s2 =	simm.s32 @!p0 $0x1C04  }
0xb5: {  	[timem:s3], [sflag:s2] =	dma.local @!p0 [hbm:s0], s1  }
0xb6: {  	s0 =	simm.s32 @!p0 $0x4  }
0xb7: {  	_ =	swait.ge @!p0 [sflag:s0], s1  }
0xb8: {  	s1 =	ssub.s32 @!p0 $0x0, s1;
	[sflag:s0] =	ssyncset.done @!p0 $0x0  }
0xb9: {  	[sflag:s0] =	ssyncadd.s32 @!p0 s1  }
0xba: {  	[bflag:$0x3] =	sbarrier.arrive $0xFFFF  }
0xbb: {  	_ =	shalt  }

// kernel: kernel.6.cloned.1.call-start
scs
__scs_entry_jumppad:
0x0: {  	(pc) =	sbr.rel $0x88, $3  }
0x1: {  	(tag) =	ssettag $0x0;
	lr =	simm.s32 $0x1  }
0x2: {  	[smem:$0x3F9F] =	sst lr;
	_ =	strace $0xD0000000  }
0x3: {  	_ = 	snop  }
0x4: {  	_ = 	snop  }
0x5: {  	_ = 	snop  }
0x6: {  	_ = 	snop  }
0x7: {  	_ = 	snop  }
__scs_overlays_trampoline_lowered:
0x8: {  	[smem:$0x3FAE] =	sst s0  }
0x9: {  	[smem:$0x3FAF] =	sst s1  }
0xa: {  	[smem:$0x3FB0] =	sst s2  }
0xb: {  	[smem:$0x3FB1] =	sst s3  }
0xc: {  	[smem:$0x3FB2] =	sst s4  }
0xd: {  	[smem:$0x3FB3] =	sst s5  }
0xe: {  	[smem:$0x3FB4] =	sst s6  }
0xf: {  	[smem:$0x3FB5] =	sst s7  }
0x10: {  	[smem:$0x3FB6] =	sst s8  }
0x11: {  	[smem:$0x3FB7] =	sst s9;
	s0 =	simm.s32 @!p0 $0x0  }
0x12: {  	s1 =	sld [smem:$0x3F9D];
	s0 =	simm.s32 @p0 $0x1  }
0x13: {  	[smem:$0x3FB8] =	sst s0;
	s0 =	simm.s32 @!p1 $0x0  }
0x14: {  	s2 =	sld [smem:$0x3F9C];
	s0 =	simm.s32 @p1 $0x1  }
0x15: {  	[smem:$0x3FB9] =	sst s0;
	s0 =	simm.s32 @!p2 $0x0  }
0x16: {  	s3 =	sld [smem:$0x3FDB];
	s0 =	simm.s32 @p2 $0x1  }
0x17: {  	s4 =	simm.s32 $0x1BF5;
	[smem:$0x3FBB] =	sst s0  }
0x18: {  	s0 =	sld [smem:$0x3F9E];
	_ =	swait.ge [sflag:s4], $0x0  }
0x19: {  	s7 =	sld [smem:$0x3F9F]  }
0x1a: {  	s8 =	sadd.s32 $0xFFFFE003, lr  }
0x1b: {  	s9 =	sadd.s32 $0xFFFFFEF7, lr;
	s5 =	simm.s32 $0xFFFFFFFF;
	p2 =	slt.u32 s8, $0xFFFFF086  }
0x1c: {  	p1 =	slt.u32 s9, $0xF7A;
	s5 =	simm.s32 @!p2 $0x0  }
0x1d: {  	s5 =	simm.s32 @p1 $0x1;
	p0 =	seq.s32 s7, s2  }
0x1e: {  	s7 =	smul.u32 @!p0 $0xF7A, s2;
	p2 =	seq.s32 @!p0 s5, $0x0  }
0x1f: {  	s9 =	smul.u32 $0xF7A, s1;
	s8 =	simm.s32 @!p0 $0x1BF5;
	p2 =	por !p2, p0  }
0x20: {  	[sflag:s8] =	ssyncset.s32 @!p0 $0xFFFFF086;
	s6 =	sadd.s32 @!p0 s3, s7;
	s7 =	simm.s32 @!p0 $0x108  }
0x21: {  	s3 =	sadd.s32 s3, s9;
	s6 =	sadd.s32 @!p0 $0x88, s6;
	s7 =	simm.s32 @p2 $0x1082  }
0x22: {  	[simem:s7], [sflag:s8] =	dma.local @!p0 [hbm:s6], $0xF7A  }
0x23: {  	s9 =	sor.u32 $0xD0000000, s2;
	s6 =	simm.s32 $0x108;
	_ =	swait.ge @!p0 [sflag:s8], $0x0  }
0x24: {  	s3 =	sadd.s32 $0x88, s3;
	s6 =	simm.s32 @!p1 $0x1082;
	[sflag:s4] =	ssyncset.s32 $0xFFFFF086  }
0x25: {  	[simem:s6], [sflag:s4] =	dma.local [hbm:s3], $0xF7A  }
0x26: {  	[smem:$0x3F9F] =	sst s1;
	(tag) =	ssettag s2;
	_ =	strace s9  }
0x27: {  	s1 =	sld [smem:$0x3FAF]  }
0x28: {  	s2 =	sld [smem:$0x3FB0]  }
0x29: {  	s4 =	sld [smem:$0x3FB2]  }
0x2a: {  	p0 =	seq.s32 s5, $0x0;
	s5 =	sld [smem:$0x3FB3]  }
0x2b: {  	s6 =	sld [smem:$0x3FB4]  }
0x2c: {  	s7 =	sld [smem:$0x3FB5]  }
0x2d: {  	s3 =	simm.s32 $0x108;
	s8 =	sld [smem:$0x3FB6]  }
0x2e: {  	s3 =	simm.s32 @!p0 $0x1082;
	s9 =	sld [smem:$0x3FB7]  }
0x2f: {  	lr =	sadd.s32 s0, s3;
	s0 =	sld [smem:$0x3FAE]  }
0x30: {  	s3 =	sld [smem:$0x3FB1]  }
0x31: {  	[smem:$0x3FBA] =	sst s10  }
0x32: {  	s10 =	sld [smem:$0x3FB8];
	_ =	sdelay $0x3  }
0x33: {  	p0 =	seq.s32 s10, $0x1;
	s10 =	sld [smem:$0x3FBA];
	_ =	sdelay $0x3  }
0x34: {  	[smem:$0x3FBA] =	sst s10  }
0x35: {  	s10 =	sld [smem:$0x3FB9];
	_ =	sdelay $0x3  }
0x36: {  	p1 =	seq.s32 s10, $0x1;
	s10 =	sld [smem:$0x3FBA];
	_ =	sdelay $0x3  }
0x37: {  	[smem:$0x3FBA] =	sst s10  }
0x38: {  	s10 =	sld [smem:$0x3FBB]  }
0x39: {  	_ = 	snop;
	(pc) =	sbr.ind lr, $3  }
0x3a: {  	_ = 	snop  }
0x3b: {  	_ = 	snop  }
0x3c: {  	p2 =	seq.s32 s10, $0x1;
	s10 =	sld [smem:$0x3FBA]  }
0x3d: {  	_ =	shalt  }
0x3e: {  	_ =	shalt  }
0x3f: {  	_ =	shalt  }
0x40: {  	_ =	shalt  }
0x41: {  	_ =	shalt  }
0x42: {  	_ =	shalt  }
0x43: {  	_ =	shalt  }
0x44: {  	_ =	shalt  }
0x45: {  	_ =	shalt  }
0x46: {  	_ =	shalt  }
0x47: {  	_ =	shalt  }
0x48: {  	_ =	shalt  }
0x49: {  	_ =	shalt  }
0x4a: {  	_ =	shalt  }
0x4b: {  	_ =	shalt  }
0x4c: {  	_ =	shalt  }
0x4d: {  	_ =	shalt  }
0x4e: {  	_ =	shalt  }
0x4f: {  	_ =	shalt  }
0x50: {  	_ =	shalt  }
0x51: {  	_ =	shalt  }
0x52: {  	_ =	shalt  }
0x53: {  	_ =	shalt  }
0x54: {  	_ =	shalt  }
0x55: {  	_ =	shalt  }
0x56: {  	_ =	shalt  }
0x57: {  	_ =	shalt  }
0x58: {  	_ =	shalt  }
0x59: {  	_ =	shalt  }
0x5a: {  	_ =	shalt  }
0x5b: {  	_ =	shalt  }
0x5c: {  	_ =	shalt  }
0x5d: {  	_ =	shalt  }
0x5e: {  	_ =	shalt  }
0x5f: {  	_ =	shalt  }
0x60: {  	_ =	shalt  }
0x61: {  	_ =	shalt  }
0x62: {  	_ =	shalt  }
0x63: {  	_ =	shalt  }
0x64: {  	_ =	shalt  }
0x65: {  	_ =	shalt  }
0x66: {  	_ =	shalt  }
0x67: {  	_ =	shalt  }
0x68: {  	_ =	shalt  }
0x69: {  	_ =	shalt  }
0x6a: {  	_ =	shalt  }
0x6b: {  	_ =	shalt  }
0x6c: {  	_ =	shalt  }
0x6d: {  	_ =	shalt  }
0x6e: {  	_ =	shalt  }
0x6f: {  	_ =	shalt  }
0x70: {  	_ =	shalt  }
0x71: {  	_ =	shalt  }
0x72: {  	_ =	shalt  }
0x73: {  	_ =	shalt  }
0x74: {  	_ =	shalt  }
0x75: {  	_ =	shalt  }
0x76: {  	_ =	shalt  }
0x77: {  	_ =	shalt  }
0x78: {  	_ =	shalt  }
0x79: {  	_ =	shalt  }
0x7a: {  	_ =	shalt  }
0x7b: {  	_ =	shalt  }
0x7c: {  	_ =	shalt  }
0x7d: {  	_ =	shalt  }
0x7e: {  	_ =	shalt  }
0x7f: {  	_ =	shalt  }
0x80: {  	_ =	shalt  }
0x81: {  	_ =	shalt  }
0x82: {  	_ =	shalt  }
0x83: {  	_ =	shalt  }
0x84: {  	_ =	shalt  }
0x85: {  	_ =	shalt  }
0x86: {  	_ =	shalt  }
0x87: {  	_ =	shalt  }
.Lfunc_end0:
.L_simem_size_0:
called_computation_lowered:
.L_overlay_start_0:
0x88: {  	s2 =	sld [smem:$0x3FD9]  }
0x89: {  	s3 =	sld [smem:$0x3FFE];
	_ =	sdelay $0x1  }
0x8a: {  	s1 =	srdreg.scid  }
0x8b: {  	s0 =	sand.u32 $0x1, s1  }
0x8c: {  	s17 =	sshll.u32 s0, $0xA;
	s2 =	sadd.s32 s3, s2  }
0x8d: {  	s2 =	sadd.s32 s2, s17  }
0x8e: {  	[smem:$0x3FC6] =	sst s2  }
0x8f: {  	_ = 	snop  }
0x90: {  	s4 =	sld [smem:$0x3FC9]  }
0x91: {  	s18 =	sld [smem:$0x3FD0];
	(tm) =	ssettm $0x1  }
0x92: {  	s19 =	sld [smem:$0x3FFB];
	_ =	sdelay $0x3  }
0x93: {  	_ =	strace s19  }
0x94: {  	s2 =	sld [smem:$0x3FFC];
	_ =	sdelay $0x3  }
0x95: {  	_ =	strace s2  }
0x96: {  	s2 =	sld [smem:$0x3FFD];
	_ =	sdelay $0x3  }
0x97: {  	_ =	strace s2  }
0x98: {  	_ =	strace $0x8FFFFFFF  }
0x99: {  	s20 =	sld [smem:$0x3FDB];
	_ =	sdelay $0x1  }
0x9a: {  	s5 =	simm.s32 $_scs_section_size  }
0x9b: {  	s6 =	simm.s32 $_size__tile_overlayer_lowered;
	s7 =	simm.s32 $_tile_overlayer_lowered  }
0x9c: {  	s8 =	simm.s32 $0x1BFF;
	s21 =	sshll.u32 s7, $0x1;
	s5 =	sadd.s32 s5, s20  }
0x9d: {  	s22 =	simm.s32 $0x0;
	s6 =	sshll.u32 s6, $0x1;
	s7 =	sadd.s32 s21, s5  }
0x9e: {  	[timem:s22], [sflag:s8] =	dma.local [hbm:s7], s6  }
0x9f: {  	_ =	swait.ge [sflag:s8], s6  }
0xa0: {  	s6 =	ssub.s32 $0x0, s6;
	[sflag:s8] =	ssyncset.done $0x0  }
0xa1: {  	[sflag:s8] =	ssyncadd.s32 s6;
	_ =	sdelay $0x1  }
0xa2: {  	s23 =	simm.s32 $0x1B8B  }
0xa3: {  	_ =	swait.ge [sflag:s23], $0x1  }
0xa4: {  	[sflag:s23] =	ssyncset.done $0x0  }
0xa5: {  	[sflag:s23] =	ssyncadd.s32 $0xFFFFFFFF  }
0xa6: {  	s6 =	sld [smem:$0x0]  }
0xa7: {  	s7 =	sand.u32 $0xFFFFFFFE, s1  }
0xa8: {  	p0 =	sne.s32 s1, s7  }
0xa9: {  	s7 =	sshll.u32 @p0 s7, $0xE  }
0xaa: {  	s7 =	sadd.s32 @p0 $0x11B8D, s7;
	s8 =	sshll.u32 @p0 s6, $0x11  }
0xab: {  	s7 =	sor.u32 @p0 s8, s7  }
0xac: {  	[sflag:s7] =	ssyncadd.remote.s32 @p0 $0x1;
	_ =	sdelay $0x1  }
0xad: {  	s7 =	simm.s32 @p0 $0x1B8D  }
0xae: {  	_ =	swait.eq @p0 [sflag:s7], $0x1  }
0xaf: {  	[sflag:s7] =	ssyncadd.s32 @p0 $0xFFFFFFFF  }
0xb0: {  	s8 =	sshll.u32 @!p0 s1, $0xE  }
0xb1: {  	s8 =	sor.u32 @!p0 $0x4000, s8;
	s7 =	simm.s32 @!p0 $0x1B8D  }
0xb2: {  	s6 =	sshll.u32 @!p0 s6, $0x11;
	s8 =	sadd.s32 @!p0 $0x11B8D, s8;
	_ =	swait.eq @!p0 [sflag:s7], $0x1  }
0xb3: {  	s6 =	sor.u32 @!p0 s6, s8;
	[sflag:s7] =	ssyncadd.s32 @!p0 $0xFFFFFFFF  }
0xb4: {  	s25 =	simm.s32 $0x1B8E;
	s24 =	sld [smem:$0x3FFE];
	[sflag:s6] =	ssyncadd.remote.s32 @!p0 $0x1  }
0xb5: {  	s26 =	simm.s32 $execute0_lowered;
	[smem:$0x3FD2] =	sst s25  }
0xb6: {  	s7 =	sshll.u32 s26, $0x1;
	_ =	strace $0x80000049;
	[dreg:$0x1] =	wrdreg $0xFFFFFFFF  }
0xb7: {  	s28 =	simm.s32 $_size_execute0_lowered;
	s5 =	sadd.s32 s5, s7;
	[dreg:$0x0] =	wrdreg $0x0  }
0xb8: {  	s7 =	sshll.u32 s28, $0x1;
	[dreg:$0x2] =	wrdreg s5  }
0xb9: {  	[dreg:$0x3] =	wrdreg s7  }
0xba: {  	[dreg:$0x4] =	wrdreg $0xC0  }
0xbb: {  	_ =	task [dreg:s22], $0x5FFFF  }
0xbc: {  	[dreg:$0x1] =	wrdreg $0xFFFFFFFF  }
0xbd: {  	[dreg:$0x0] =	wrdreg $0x60  }
0xbe: {  	[dreg:$0x2] =	wrdreg s4  }
0xbf: {  	[dreg:$0x3] =	wrdreg s24  }
0xc0: {  	[dreg:$0x4] =	wrdreg s18  }
0xc1: {  	[dreg:$0x5] =	wrdreg $0x0  }
0xc2: {  	[dreg:$0x6] =	wrdreg $0x9  }
0xc3: {  	_ =	task.clear_ibuf [dreg:s22], $0x7FFFF;
	_ =	strace $0x90000049  }
0xc4: {  	s29 =	simm.s32 $0x9;
	_ =	strace $0x8000004B  }
0xc5: {  	_ =	swait.ge [sflag:s29], $0x1  }
0xc6: {  	[sflag:s29] =	ssyncadd.s32 $0xFFFFFFFF  }
0xc7: {  	_ =	strace $0x9000004B  }
0xc8: {  	_ =	sfence  }
0xc9: {  	s30 =	sld [smem:$0x0];
	_ =	sdelay $0x2  }
0xca: {  	s31 =	sshll.u32 s1, $0xD;
	s1 =	sshrl.u32 s1, $0x2  }
0xcb: {  	s4 =	sand.u32 $0x4000, s31;
	s1 =	sadd.s32 s1, s30  }
0xcc: {  	s0 =	sor.u32 s4, s0;
	s1 =	sshll.u32 s1, $0x11  }
0xcd: {  	s0 =	sor.u32 s1, s0  }
0xce: {  	s0 =	sadd.s32 $0x8F2B, s0  }
0xcf: {  	[sflag:s0] =	ssyncadd.remote.s32 $0x1  }
0xd0: {  	_ =	sfence.sel $0xFFFF  }
0xd1: {  	[dreg:$0x0] =	wrdreg $0xFFFFFFFF;
	(pc) =	sbr.abs _section_cstart, $3  }
0xd2: {  	[dreg:$0x1] =	wrdreg $0xFFFFFFFF  }
0xd3: {  	_ =	task.clear_ibuf [dreg:s22], $0x2FFFF;
	_ =	strace $0x9FFFFFFF  }
0xd4: {  	(tm) =	ssettm $0x7FFFFFFF  }
0xd5: {  	_ =	shalt  }
tec
execute0_lowered:
.L_overlay_start_1:
0x0: {  	(tag) =	ssettag $0x1  }
0x1: {  	s0 =	rddreg [dreg:$0x0]  }
0x2: {  	s1 =	srdreg.scid;
	s3 =	rddreg [dreg:$0x1]  }
0x3: {  	s25 =	stileid.u32;
	s4 =	rddreg [dreg:$0x2]  }
0x4: {  	s29 =	simm.s32 $0x17880;
	s1 =	sand.u32 $0x1, s1;
	s10 =	smul.u32 $0x2800, s25  }
0x5: {  	s30 =	simm.s32 $0x4;
	s9 =	sor.u32 $0x10, s25;
	s7 =	smul.u32 $0x138800, s1  }
0x6: {  	s31 =	simm.s32 $0x1C880;
	s15 =	sor.u32 $0x20, s25;
	s26 =	smul.u32 $0x2800, s9  }
0x7: {  	s2 =	sshll.u32 s25, $0x1;
	s17 =	sor.u32 $0x30, s25;
	s12 =	smul.u32 $0x2800, s15  }
0x8: {  	s18 =	sor.u32 $0x40, s25;
	s19 =	sor.u32 $0x50, s25;
	s14 =	smul.u32 $0x2800, s17  }
0x9: {  	s20 =	sor.u32 $0x60, s25;
	s21 =	sor.u32 $0x70, s25;
	s24 =	smul.u32 $0x2800, s19  }
0xa: {  	s5 =	sor.u32 s1, s2;
	s2 =	rddreg [dreg:$0x3];
	s23 =	smul.u32 $0x2800, s21  }
0xb: {  	s11 =	ssub.s32 $0x2, s1;
	s1 =	smul.u32 $0x27100, s1;
	p0 =	sgt.u32 s21, $0x7C  }
0xc: {  	s6 =	smul.u32 $0x138800, s5;
	s8 =	sshll.u32 s5, $0xB;
	s13 =	sshrl.u32 s11, $0x1  }
0xd: {  	s5 =	smul.u32 $0x27100, s5;
	s8 =	sadd.s32 s8, s3;
	s16 =	ssub.s32 s11, s13  }
0xe: {  	s13 =	smul.u32 $0x2800, s18;
	s10 =	sadd.s32 s7, s10;
	s22 =	sadd.s32 s7, s26  }
0xf: {  	s26 =	smul.u32 $0x2800, s20;
	s12 =	sadd.s32 s7, s12;
	s14 =	sadd.s32 s7, s14  }
0x10: {  	s3 =	simm.s32 $0x0;
	s6 =	sshrl.u32 s6, $0x3;
	s10 =	sshrl.u32 s10, $0x3  }
0x11: {  	s22 =	sshrl.u32 s22, $0x3;
	[smem:$0x7FF] =	sst s3;
	s16 =	smax.u32 s16, $0x1  }
0x12: {  	s11 =	sadd.s32 s7, s13;
	s13 =	sadd.s32 s7, s24;
	s24 =	sadd.s32 s7, s26  }
0x13: {  	s7 =	sadd.s32 s7, s23;
	s10 =	sadd.s32 s4, s10;
	s22 =	sadd.s32 s4, s22  }
0x14: {  	s23 =	sshrl.u32 s12, $0x3;
	s26 =	sshrl.u32 s14, $0x3;
	[dreg:$0x5] =	wrdreg s10  }
0x15: {  	[dreg:$0x6] =	wrdreg s22;
	s10 =	sadd.s32 s4, s23;
	s11 =	sshrl.u32 s11, $0x3  }
0x16: {  	s14 =	sshrl.u32 s13, $0x3;
	s22 =	sshrl.u32 s24, $0x3;
	s23 =	smul.u32 $0x4E200, s25  }
0x17: {  	s7 =	sshrl.u32 s7, $0x3;
	s24 =	sadd.s32 s0, s6;
	s13 =	smul.u32 $0xA000, s19  }
0x18: {  	[dreg:$0x7] =	wrdreg s10;
	s10 =	sadd.s32 s4, s26;
	s26 =	smul.u32 $0xA000, s25  }
0x19: {  	s12 =	sadd.s32 s4, s11;
	s11 =	smul.u32 $0xA000, s18;
	[dreg:$0x8] =	wrdreg s10  }
0x1a: {  	[dreg:$0x9] =	wrdreg s12;
	s10 =	sadd.s32 s4, s14;
	s12 =	sadd.s32 s0, s5  }
0x1b: {  	s0 =	sadd.s32 s23, s0;
	s14 =	sadd.s32 $0x500, s24;
	s23 =	smul.u32 $0xA000, s21  }
0x1c: {  	[dreg:$0xa] =	wrdreg s10;
	s10 =	sadd.s32 s4, s22;
	s4 =	sadd.s32 s4, s7  }
0x1d: {  	s7 =	sadd.s32 $0x1000, s8;
	s8 =	smul.u32 $0xA000, s9;
	s0 =	sadd.s32 s1, s0  }
0x1e: {  	s9 =	smul.u32 $0xA000, s15;
	s15 =	sadd.s32 $0xA00, s24;
	s6 =	sshrl.u32 s26, $0x2  }
0x1f: {  	s22 =	smul.u32 $0xA000, s20;
	s24 =	sshrl.u32 s13, $0x2;
	[dreg:$0xb] =	wrdreg s10  }
0x20: {  	s28 =	sadd.s32 $0x26C00, s12;
	[dreg:$0xc] =	wrdreg s4;
	s10 =	smul.u32 $0xA000, s17  }
0x21: {  	s17 =	sadd.s32 s6, s2;
	s26 =	sshrl.u32 s23, $0x2;
	s6 =	simm.s32 $0x3  }
0x22: {  	_ =	strace $0x8000004A;
	[dreg:$0xd] =	wrdreg s7;
	s4 =	sshrl.u32 s8, $0x2  }
0x23: {  	s1 =	sshrl.u32 s9, $0x2;
	s7 =	sshrl.u32 s11, $0x2;
	s25 =	sshrl.u32 s22, $0x2  }
0x24: {  	s22 =	sadd.s32 s24, s2;
	s24 =	sadd.s32 s26, s2;
	s26 =	sadd.s32 $0x26700, s12  }
0x25: {  	s18 =	sadd.s32 s4, s2;
	s5 =	sshrl.u32 s10, $0x2;
	s19 =	sadd.s32 s1, s2  }
0x26: {  	s21 =	sadd.s32 s7, s2;
	s23 =	sadd.s32 s25, s2;
	s10 =	sadd.s32 $0x1900, s0  }
0x27: {  	s1 =	simm.s32 $0x1A080;
	s0 =	simm.s32 $0x1;
	s4 =	simm.s32 $0x50  }
0x28: {  	v0 =	vimm.f32 $0.0e+00;
	s7 =	simm.s32 $0x0;
	s20 =	sadd.s32 s5, s2;
	s5 =	simm.s32 $0x2  }
.LBB2_1:
0x29: {  	s8 =	simm.s32 $0x0;
	s9 =	simm.s32 $0x200  }
.LBB2_2:
0x2a: {  	p1 =	sne.s32 s9, $0x9E00;
	[tilespmem:s8+$0x178F0] =	vst v0  }
0x2b: {  	[tilespmem:s8+$0x17880] =	vst v0  }
0x2c: {  	[tilespmem:s8+$0x17890] =	vst v0  }
.Ltmp0:
0x2d: {  	[tilespmem:s8+$0x178A0] =	vst v0;
	(pc) =	sbr.rel @p1 .LBB2_2-.Ltmp0, $4  }
0x2e: {  	[tilespmem:s8+$0x178B0] =	vst v0  }
0x2f: {  	[tilespmem:s8+$0x178C0] =	vst v0  }
0x30: {  	[tilespmem:s8+$0x178D0] =	vst v0  }
0x31: {  	[tilespmem:s8+$0x178E0] =	vst v0;
	s8 =	sshra.s32 s9, $0x2;
	s9 =	sadd.s32 $0x200, s9  }
0x32: {  	[tilespmem:s8+$0x178F0] =	vst v0  }
0x33: {  	[tilespmem:s8+$0x17880] =	vst v0  }
0x34: {  	[tilespmem:s8+$0x17890] =	vst v0  }
0x35: {  	[tilespmem:s8+$0x178A0] =	vst v0  }
0x36: {  	[tilespmem:s8+$0x178B0] =	vst v0  }
0x37: {  	[tilespmem:s8+$0x178C0] =	vst v0  }
0x38: {  	[tilespmem:s8+$0x178D0] =	vst v0  }
0x39: {  	[tilespmem:s8+$0x178E0] =	vst v0  }
0x3a: {  	[spmem:s17] =	stream.linear.scatter [tilespmem:s29], [sflag:$0x4], $0x2800, $0x38;
	[tilespmem:$0x1F080] =	vst v63  }
0x3b: {  	_ =	swait.ge [sflag:s30], $0x2800  }
0x3c: {  	[sflag:s30] =	ssyncset.done $0x0  }
0x3d: {  	[sflag:s30] =	ssyncadd.s32 $0xFFFFD800  }
0x3e: {  	[spmem:s18] =	stream.linear.scatter [tilespmem:s29], [sflag:$0x4], $0x2800, $0x38;
	[tilespmem:$0x1F080] =	vst v63  }
0x3f: {  	_ =	swait.ge [sflag:s30], $0x2800  }
0x40: {  	[sflag:s30] =	ssyncset.done $0x0  }
0x41: {  	[sflag:s30] =	ssyncadd.s32 $0xFFFFD800  }
0x42: {  	[spmem:s19] =	stream.linear.scatter [tilespmem:s29], [sflag:$0x4], $0x2800, $0x38;
	[tilespmem:$0x1F080] =	vst v63  }
0x43: {  	_ =	swait.ge [sflag:s30], $0x2800  }
0x44: {  	[sflag:s30] =	ssyncset.done $0x0  }
0x45: {  	[sflag:s30] =	ssyncadd.s32 $0xFFFFD800  }
0x46: {  	[spmem:s20] =	stream.linear.scatter [tilespmem:s29], [sflag:$0x4], $0x2800, $0x38;
	[tilespmem:$0x1F080] =	vst v63  }
0x47: {  	_ =	swait.ge [sflag:s30], $0x2800  }
0x48: {  	[sflag:s30] =	ssyncset.done $0x0  }
0x49: {  	[sflag:s30] =	ssyncadd.s32 $0xFFFFD800  }
0x4a: {  	[spmem:s21] =	stream.linear.scatter [tilespmem:s29], [sflag:$0x4], $0x2800, $0x38;
	[tilespmem:$0x1F080] =	vst v63  }
0x4b: {  	_ =	swait.ge [sflag:s30], $0x2800  }
0x4c: {  	[sflag:s30] =	ssyncset.done $0x0  }
0x4d: {  	[sflag:s30] =	ssyncadd.s32 $0xFFFFD800  }
0x4e: {  	[spmem:s22] =	stream.linear.scatter [tilespmem:s29], [sflag:$0x4], $0x2800, $0x38;
	[tilespmem:$0x1F080] =	vst v63  }
0x4f: {  	_ =	swait.ge [sflag:s30], $0x2800  }
0x50: {  	[sflag:s30] =	ssyncset.done $0x0  }
0x51: {  	[sflag:s30] =	ssyncadd.s32 $0xFFFFD800  }
0x52: {  	[spmem:s23] =	stream.linear.scatter [tilespmem:s29], [sflag:$0x4], $0x2800, $0x38;
	[tilespmem:$0x1F080] =	vst v63  }
0x53: {  	_ =	swait.ge [sflag:s30], $0x2800  }
0x54: {  	[sflag:s30] =	ssyncset.done $0x0  }
0x55: {  	s8 =	simm.s32 @!p0 $0x17880;
	[sflag:s30] =	ssyncadd.s32 $0xFFFFD800  }
0x56: {  	[spmem:s24] =	stream.linear.scatter @!p0 [tilespmem:s8], [sflag:$0x4], $0x2800, $0x38;
	[tilespmem:$0x1F080] =	vst v63  }
0x57: {  	s8 =	simm.s32 @!p0 $0x4  }
0x58: {  	_ =	swait.ge @!p0 [sflag:s8], $0x2800  }
0x59: {  	[sflag:s8] =	ssyncset.done @!p0 $0x0  }
0x5a: {  	[sflag:s8] =	ssyncadd.s32 @!p0 $0xFFFFD800  }
0x5b: {  	[bflag:$0x0] =	sbarrier.arrive $0xFFFF  }
0x5c: {  	s13 =	simm.s32 $0x0;
	s11 =	simm.s32 $0x13880;
	s9 =	rddreg [dreg:$0xd]  }
0x5d: {  	[tilespmem:s11], [sflag:$0x4] =	stream.linear.gather [hbm4b:s9+s13], $0x3E80, $0x38;
	[tilespmem:$0x1F080] =	vst v63  }
0x5e: {  	_ =	swait.ge [sflag:s30], $0x3E80  }
0x5f: {  	[sflag:s30] =	ssyncset.done $0x0  }
0x60: {  	[sflag:s30] =	ssyncadd.s32 $0xFFFFC180  }
0x61: {  	[tilespmem:s29], [sflag:$0x1] =	stream.linear.gather [hbm4b:s12+s13], $0x2800, $0x38;
	[tilespmem:$0x1F080] =	vst v63  }
0x62: {  	_ = 	snop  }
0x63: {  	[tilespmem:s1], [sflag:$0x2] =	stream.linear.gather [hbm4b:s14+s13], $0x2800, $0x38;
	[tilespmem:$0x1F080] =	vst v63  }
0x64: {  	_ = 	snop  }
0x65: {  	[tilespmem:s31], [sflag:$0x3] =	stream.linear.gather [hbm4b:s15+s13], $0x2800, $0x38;
	[tilespmem:$0x1F080] =	vst v63  }
0x66: {  	_ =	swait.ge [sflag:s0], $0x2800  }
0x67: {  	[sflag:s0] =	ssyncset.done $0x0  }
0x68: {  	s25 =	simm.s32 $0x13880;
	[sflag:s0] =	ssyncadd.s32 $0xFFFFD800  }
0x69: {  	[spmem:s2] =	stream.indirect.scatter.add.f32 [tilespmem:s29], [sflag:$0x4], $0x80, s25, s4, $0xb8;
	[tilespmem:$0x1F080] =	vst v63  }
0x6a: {  	_ =	swait.ge [sflag:s30], $0x2800  }
0x6b: {  	[sflag:s30] =	ssyncset.done $0x0  }
0x6c: {  	s9 =	sadd.s32 $0xFFFFF600, s10;
	[sflag:s30] =	ssyncadd.s32 $0xFFFFD800  }
0x6d: {  	[tilespmem:s29], [sflag:$0x1] =	stream.linear.gather [hbm4b:s9+s3], $0x2800, $0x38;
	[tilespmem:$0x1F080] =	vst v63  }
0x6e: {  	_ =	swait.ge [sflag:s5], $0x2800  }
0x6f: {  	[sflag:s5] =	ssyncset.done $0x0  }
0x70: {  	s11 =	simm.s32 $0x13900;
	[sflag:s5] =	ssyncadd.s32 $0xFFFFD800  }
0x71: {  	[spmem:s2] =	stream.indirect.scatter.add.f32 [tilespmem:s1], [sflag:$0x4], $0x80, s11, s4, $0xb8;
	[tilespmem:$0x1F080] =	vst v63  }
0x72: {  	_ =	swait.ge [sflag:s30], $0x2800  }
0x73: {  	[sflag:s30] =	ssyncset.done $0x0  }
0x74: {  	s13 =	sadd.s32 $0xFFFFFB00, s10;
	[sflag:s30] =	ssyncadd.s32 $0xFFFFD800  }
0x75: {  	[tilespmem:s1], [sflag:$0x2] =	stream.linear.gather [hbm4b:s13+s3], $0x2800, $0x38;
	[tilespmem:$0x1F080] =	vst v63  }
0x76: {  	_ =	swait.ge [sflag:s6], $0x2800  }
0x77: {  	[sflag:s6] =	ssyncset.done $0x0  }
0x78: {  	s25 =	simm.s32 $0x13980;
	[sflag:s6] =	ssyncadd.s32 $0xFFFFD800  }
0x79: {  	[spmem:s2] =	stream.indirect.scatter.add.f32 [tilespmem:s31], [sflag:$0x4], $0x80, s25, s4, $0xb8;
	[tilespmem:$0x1F080] =	vst v63  }
0x7a: {  	_ =	swait.ge [sflag:s30], $0x2800  }
0x7b: {  	s8 =	simm.s32 $0x600;
	[sflag:s30] =	ssyncset.done $0x0  }
0x7c: {  	s9 =	sadd.s32 $0xF00, s10;
	s25 =	smov.u32 s10;
	[sflag:s30] =	ssyncadd.s32 $0xFFFFD800  }
.LBB2_4:
0x7d: {  	[tilespmem:s31], [sflag:$0x3] =	stream.linear.gather [hbm4b:s25+s3], $0x2800, $0x38;
	[tilespmem:$0x1F080] =	vst v63  }
0x7e: {  	s11 =	smov.u32 s8;
	s25 =	smov.u32 s9  }
0x7f: {  	p1 =	sne.s32 s8, $0xEA00;
	s8 =	sadd.s32 $0x600, s8;
	_ =	swait.ge [sflag:s0], $0x2800  }
0x80: {  	s11 =	sshra.s32 s11, $0x2;
	[sflag:s0] =	ssyncset.done $0x0  }
0x81: {  	s13 =	sadd.s32 $0x13880, s11;
	[sflag:s0] =	ssyncadd.s32 $0xFFFFD800  }
0x82: {  	[spmem:s2] =	stream.indirect.scatter.add.f32 [tilespmem:s29], [sflag:$0x4], $0x80, s13, s4, $0xb8;
	[tilespmem:$0x1F080] =	vst v63  }
0x83: {  	_ =	swait.ge [sflag:s30], $0x2800  }
0x84: {  	[sflag:s30] =	ssyncset.done $0x0  }
0x85: {  	s13 =	sadd.s32 $0xFFFFF600, s9;
	[sflag:s30] =	ssyncadd.s32 $0xFFFFD800  }
0x86: {  	[tilespmem:s29], [sflag:$0x1] =	stream.linear.gather [hbm4b:s13+s3], $0x2800, $0x38;
	[tilespmem:$0x1F080] =	vst v63  }
0x87: {  	_ =	swait.ge [sflag:s5], $0x2800  }
0x88: {  	[sflag:s5] =	ssyncset.done $0x0  }
0x89: {  	s13 =	sadd.s32 $0x13900, s11;
	[sflag:s5] =	ssyncadd.s32 $0xFFFFD800  }
0x8a: {  	[spmem:s2] =	stream.indirect.scatter.add.f32 [tilespmem:s1], [sflag:$0x4], $0x80, s13, s4, $0xb8;
	[tilespmem:$0x1F080] =	vst v63  }
0x8b: {  	_ =	swait.ge [sflag:s30], $0x2800  }
0x8c: {  	[sflag:s30] =	ssyncset.done $0x0  }
0x8d: {  	s13 =	sadd.s32 $0xFFFFFB00, s9;
	[sflag:s30] =	ssyncadd.s32 $0xFFFFD800  }
0x8e: {  	[tilespmem:s1], [sflag:$0x2] =	stream.linear.gather [hbm4b:s13+s3], $0x2800, $0x38;
	[tilespmem:$0x1F080] =	vst v63  }
0x8f: {  	_ =	swait.ge [sflag:s6], $0x2800  }
0x90: {  	[sflag:s6] =	ssyncset.done $0x0  }
.Ltmp1:
0x91: {  	s11 =	sadd.s32 $0x13980, s11;
	[sflag:s6] =	ssyncadd.s32 $0xFFFFD800;
	(pc) =	sbr.rel @p1 .LBB2_4-.Ltmp1, $4  }
0x92: {  	[spmem:s2] =	stream.indirect.scatter.add.f32 [tilespmem:s31], [sflag:$0x4], $0x80, s11, s4, $0xb8;
	[tilespmem:$0x1F080] =	vst v63  }
0x93: {  	_ =	swait.ge [sflag:s30], $0x2800  }
0x94: {  	[sflag:s30] =	ssyncset.done $0x0  }
0x95: {  	s9 =	sadd.s32 $0xF00, s9;
	[sflag:s30] =	ssyncadd.s32 $0xFFFFD800  }
0x96: {  	[tilespmem:s31], [sflag:$0x3] =	stream.linear.gather [hbm4b:s25+s3], $0x2800, $0x38;
	[tilespmem:$0x1F080] =	vst v63  }
0x97: {  	_ =	swait.ge [sflag:s0], $0x2800  }
0x98: {  	[sflag:s0] =	ssyncset.done $0x0  }
0x99: {  	s8 =	simm.s32 $0x17480;
	[sflag:s0] =	ssyncadd.s32 $0xFFFFD800  }
0x9a: {  	[spmem:s2] =	stream.indirect.scatter.add.f32 [tilespmem:s29], [sflag:$0x4], $0x80, s8, s4, $0xb8;
	[tilespmem:$0x1F080] =	vst v63  }
0x9b: {  	_ =	swait.ge [sflag:s30], $0x2800  }
0x9c: {  	[sflag:s30] =	ssyncset.done $0x0  }
0x9d: {  	[sflag:s30] =	ssyncadd.s32 $0xFFFFD800  }
0x9e: {  	[tilespmem:s29], [sflag:$0x1] =	stream.linear.gather [hbm4b:s26+s3], $0x2800, $0x38;
	[tilespmem:$0x1F080] =	vst v63  }
0x9f: {  	_ =	swait.ge [sflag:s5], $0x2800  }
0xa0: {  	[sflag:s5] =	ssyncset.done $0x0  }
0xa1: {  	s11 =	simm.s32 $0x17500;
	[sflag:s5] =	ssyncadd.s32 $0xFFFFD800  }
0xa2: {  	[spmem:s2] =	stream.indirect.scatter.add.f32 [tilespmem:s1], [sflag:$0x4], $0x80, s11, s4, $0xb8;
	[tilespmem:$0x1F080] =	vst v63  }
0xa3: {  	_ =	swait.ge [sflag:s30], $0x2800  }
0xa4: {  	[sflag:s30] =	ssyncset.done $0x0  }
0xa5: {  	[sflag:s30] =	ssyncadd.s32 $0xFFFFD800  }
0xa6: {  	[tilespmem:s1], [sflag:$0x2] =	stream.linear.gather [hbm4b:s28+s3], $0x2800, $0x38;
	[tilespmem:$0x1F080] =	vst v63  }
0xa7: {  	_ =	swait.ge [sflag:s6], $0x2800  }
0xa8: {  	[sflag:s6] =	ssyncset.done $0x0  }
0xa9: {  	s13 =	simm.s32 $0x17580;
	[sflag:s6] =	ssyncadd.s32 $0xFFFFD800  }
0xaa: {  	[spmem:s2] =	stream.indirect.scatter.add.f32 [tilespmem:s31], [sflag:$0x4], $0x80, s13, s4, $0xb8;
	[tilespmem:$0x1F080] =	vst v63  }
0xab: {  	_ =	swait.ge [sflag:s30], $0x2800  }
0xac: {  	[sflag:s30] =	ssyncset.done $0x0  }
0xad: {  	[sflag:s30] =	ssyncadd.s32 $0xFFFFD800  }
0xae: {  	_ =	swait.ge [sflag:s0], $0x2800  }
0xaf: {  	[sflag:s0] =	ssyncset.done $0x0  }
0xb0: {  	s25 =	simm.s32 $0x17600;
	[sflag:s0] =	ssyncadd.s32 $0xFFFFD800  }
0xb1: {  	[spmem:s2] =	stream.indirect.scatter.add.f32 [tilespmem:s29], [sflag:$0x4], $0x80, s25, s4, $0xb8;
	[tilespmem:$0x1F080] =	vst v63  }
0xb2: {  	_ =	swait.ge [sflag:s30], $0x2800  }
0xb3: {  	[sflag:s30] =	ssyncset.done $0x0  }
0xb4: {  	[sflag:s30] =	ssyncadd.s32 $0xFFFFD800  }
0xb5: {  	_ =	swait.ge [sflag:s5], $0x2800  }
0xb6: {  	[sflag:s5] =	ssyncset.done $0x0  }
0xb7: {  	s9 =	simm.s32 $0x17680;
	[sflag:s5] =	ssyncadd.s32 $0xFFFFD800  }
0xb8: {  	[spmem:s2] =	stream.indirect.scatter.add.f32 [tilespmem:s1], [sflag:$0x4], $0x80, s9, s4, $0xb8;
	[tilespmem:$0x1F080] =	vst v63  }
0xb9: {  	_ =	swait.ge [sflag:s30], $0x2800  }
0xba: {  	[sflag:s30] =	ssyncset.done $0x0  }
0xbb: {  	s11 =	stileid.u32;
	[sflag:s30] =	ssyncadd.s32 $0xFFFFD800  }
0xbc: {  	s8 =	sshll.u32 s11, $0x6;
	[bflag:$0x0] =	sbarrier.arrive $0xFFFF  }
0xbd: {  	s8 =	sor.u32 $0x1C04, s8;
	s9 =	sshrl.u32 s17, $0x3;
	s11 =	rddreg [dreg:$0x5]  }
0xbe: {  	[hbm:s11], [sflag:s8] =	dma.local [spmem:s9], $0x500  }
0xbf: {  	_ =	swait.ge [sflag:s30], $0x500  }
0xc0: {  	[sflag:s30] =	ssyncset.done $0x0  }
0xc1: {  	s13 =	sshrl.u32 s18, $0x3;
	s25 =	rddreg [dreg:$0x6];
	[sflag:s30] =	ssyncadd.s32 $0xFFFFFB00  }
0xc2: {  	[hbm:s25], [sflag:s8] =	dma.local [spmem:s13], $0x500  }
0xc3: {  	_ =	swait.ge [sflag:s30], $0x500  }
0xc4: {  	[sflag:s30] =	ssyncset.done $0x0  }
0xc5: {  	s13 =	sshrl.u32 s19, $0x3;
	s25 =	rddreg [dreg:$0x7];
	[sflag:s30] =	ssyncadd.s32 $0xFFFFFB00  }
0xc6: {  	[hbm:s25], [sflag:s8] =	dma.local [spmem:s13], $0x500  }
0xc7: {  	_ =	swait.ge [sflag:s30], $0x500  }
0xc8: {  	[sflag:s30] =	ssyncset.done $0x0  }
0xc9: {  	s13 =	sshrl.u32 s20, $0x3;
	s25 =	rddreg [dreg:$0x8];
	[sflag:s30] =	ssyncadd.s32 $0xFFFFFB00  }
0xca: {  	[hbm:s25], [sflag:s8] =	dma.local [spmem:s13], $0x500  }
0xcb: {  	_ =	swait.ge [sflag:s30], $0x500  }
0xcc: {  	[sflag:s30] =	ssyncset.done $0x0  }
0xcd: {  	s13 =	sshrl.u32 s21, $0x3;
	s25 =	rddreg [dreg:$0x9];
	[sflag:s30] =	ssyncadd.s32 $0xFFFFFB00  }
0xce: {  	[hbm:s25], [sflag:s8] =	dma.local [spmem:s13], $0x500  }
0xcf: {  	_ =	swait.ge [sflag:s30], $0x500  }
0xd0: {  	[sflag:s30] =	ssyncset.done $0x0  }
0xd1: {  	s13 =	sshrl.u32 s22, $0x3;
	s25 =	rddreg [dreg:$0xa];
	[sflag:s30] =	ssyncadd.s32 $0xFFFFFB00  }
0xd2: {  	[hbm:s25], [sflag:s8] =	dma.local [spmem:s13], $0x500  }
0xd3: {  	_ =	swait.ge [sflag:s30], $0x500  }
0xd4: {  	[sflag:s30] =	ssyncset.done $0x0  }
0xd5: {  	s13 =	sshrl.u32 s23, $0x3;
	s25 =	rddreg [dreg:$0xb];
	[sflag:s30] =	ssyncadd.s32 $0xFFFFFB00  }
0xd6: {  	[hbm:s25], [sflag:s8] =	dma.local [spmem:s13], $0x500  }
0xd7: {  	s7 =	sadd.s32 $0x1, s7;
	_ =	swait.ge [sflag:s30], $0x500  }
0xd8: {  	p1 =	sne.s32 s7, s16;
	[sflag:s30] =	ssyncset.done $0x0  }
0xd9: {  	s9 =	sshrl.u32 @!p0 s24, $0x3;
	s11 =	rddreg [dreg:$0xc];
	[sflag:s30] =	ssyncadd.s32 $0xFFFFFB00  }
0xda: {  	[hbm:s11], [sflag:s8] =	dma.local @!p0 [spmem:s9], $0x500  }
.Ltmp2:
0xdb: {  	_ = 	snop;
	(pc) =	sbr.rel @p1 .LBB2_1-.Ltmp2, $4  }
0xdc: {  	s8 =	simm.s32 @!p0 $0x4  }
0xdd: {  	_ =	swait.ge @!p0 [sflag:s8], $0x500  }
0xde: {  	[sflag:s8] =	ssyncset.done @!p0 $0x0  }
0xdf: {  	[sflag:s8] =	ssyncadd.s32 @!p0 $0xFFFFFB00  }
0xe0: {  	_ =	sfence.sel $0x180000  }
0xe1: {  	[bflag:$0x0] =	sbarrier.arrive $0xFFFF  }
0xe2: {  	_ =	strace $0x9000004A  }
0xe3: {  	s0 =	stileid.u32;
	[bflag:$0x2] =	sbarrier.arrive $0xFFFF  }
0xe4: {  	p0 =	sne.s32 s0, $0x0;
	s0 =	rddreg [dreg:$0x4]  }
0xe5: {  	s0 =	sadd.s32 @!p0 $0x100000, s0  }
0xe6: {  	[sflag:s0] =	ssyncadd.tile.s32 @!p0 $0x1;
	_ =	shalt  }
.Lfunc_end2:
_tile_overlayer_lowered:
.L_overlay_start_2:
0xe7: {  	(tag) =	ssettag $0x2  }
0xe8: {  	s0 =	rddreg [dreg:$0x0];
	s2 =	stileid.u32  }
0xe9: {  	s1 =	rddreg [dreg:$0x1];
	p0 =	sne.s32 s2, $0x0  }
0xea: {  	s3 =	rddreg [dreg:$0x2];
	[bflag:$0x3] =	sbarrier.arrive $0xFFFF;
	s2 =	simm.s32 @!p0 $0x1C04  }
0xeb: {  	[timem:s3], [sflag:s2] =	dma.local @!p0 [hbm:s0], s1  }
0xec: {  	s0 =	simm.s32 @!p0 $0x4  }
0xed: {  	_ =	swait.ge @!p0 [sflag:s0], s1  }
0xee: {  	s1 =	ssub.s32 @!p0 $0x0, s1;
	[sflag:s0] =	ssyncset.done @!p0 $0x0  }
0xef: {  	[sflag:s0] =	ssyncadd.s32 @!p0 s1  }
0xf0: {  	[bflag:$0x3] =	sbarrier.arrive $0xFFFF  }
0xf1: {  	_ =	shalt  }

// kernel: kernel.9.cloned.1.call-start
scs
__scs_entry_jumppad:
0x0: {  	(pc) =	sbr.rel $0x88, $3  }
0x1: {  	(tag) =	ssettag $0x0;
	lr =	simm.s32 $0x1  }
0x2: {  	[smem:$0x3F9F] =	sst lr;
	_ =	strace $0xD0000000  }
0x3: {  	_ = 	snop  }
0x4: {  	_ = 	snop  }
0x5: {  	_ = 	snop  }
0x6: {  	_ = 	snop  }
0x7: {  	_ = 	snop  }
__scs_overlays_trampoline_lowered:
0x8: {  	[smem:$0x3FAE] =	sst s0  }
0x9: {  	[smem:$0x3FAF] =	sst s1  }
0xa: {  	[smem:$0x3FB0] =	sst s2  }
0xb: {  	[smem:$0x3FB1] =	sst s3  }
0xc: {  	[smem:$0x3FB2] =	sst s4  }
0xd: {  	[smem:$0x3FB3] =	sst s5  }
0xe: {  	[smem:$0x3FB4] =	sst s6  }
0xf: {  	[smem:$0x3FB5] =	sst s7  }
0x10: {  	[smem:$0x3FB6] =	sst s8  }
0x11: {  	[smem:$0x3FB7] =	sst s9;
	s0 =	simm.s32 @!p0 $0x0  }
0x12: {  	s1 =	sld [smem:$0x3F9D];
	s0 =	simm.s32 @p0 $0x1  }
0x13: {  	[smem:$0x3FB8] =	sst s0;
	s0 =	simm.s32 @!p1 $0x0  }
0x14: {  	s2 =	sld [smem:$0x3F9C];
	s0 =	simm.s32 @p1 $0x1  }
0x15: {  	[smem:$0x3FB9] =	sst s0;
	s0 =	simm.s32 @!p2 $0x0  }
0x16: {  	s3 =	sld [smem:$0x3FDB];
	s0 =	simm.s32 @p2 $0x1  }
0x17: {  	s4 =	simm.s32 $0x1BF5;
	[smem:$0x3FBB] =	sst s0  }
0x18: {  	s0 =	sld [smem:$0x3F9E];
	_ =	swait.ge [sflag:s4], $0x0  }
0x19: {  	s7 =	sld [smem:$0x3F9F]  }
0x1a: {  	s8 =	sadd.s32 $0xFFFFE003, lr  }
0x1b: {  	s9 =	sadd.s32 $0xFFFFFEF7, lr;
	s5 =	simm.s32 $0xFFFFFFFF;
	p2 =	slt.u32 s8, $0xFFFFF086  }
0x1c: {  	p1 =	slt.u32 s9, $0xF7A;
	s5 =	simm.s32 @!p2 $0x0  }
0x1d: {  	s5 =	simm.s32 @p1 $0x1;
	p0 =	seq.s32 s7, s2  }
0x1e: {  	s7 =	smul.u32 @!p0 $0xF7A, s2;
	p2 =	seq.s32 @!p0 s5, $0x0  }
0x1f: {  	s9 =	smul.u32 $0xF7A, s1;
	s8 =	simm.s32 @!p0 $0x1BF5;
	p2 =	por !p2, p0  }
0x20: {  	[sflag:s8] =	ssyncset.s32 @!p0 $0xFFFFF086;
	s6 =	sadd.s32 @!p0 s3, s7;
	s7 =	simm.s32 @!p0 $0x108  }
0x21: {  	s3 =	sadd.s32 s3, s9;
	s6 =	sadd.s32 @!p0 $0x88, s6;
	s7 =	simm.s32 @p2 $0x1082  }
0x22: {  	[simem:s7], [sflag:s8] =	dma.local @!p0 [hbm:s6], $0xF7A  }
0x23: {  	s9 =	sor.u32 $0xD0000000, s2;
	s6 =	simm.s32 $0x108;
	_ =	swait.ge @!p0 [sflag:s8], $0x0  }
0x24: {  	s3 =	sadd.s32 $0x88, s3;
	s6 =	simm.s32 @!p1 $0x1082;
	[sflag:s4] =	ssyncset.s32 $0xFFFFF086  }
0x25: {  	[simem:s6], [sflag:s4] =	dma.local [hbm:s3], $0xF7A  }
0x26: {  	[smem:$0x3F9F] =	sst s1;
	(tag) =	ssettag s2;
	_ =	strace s9  }
0x27: {  	s1 =	sld [smem:$0x3FAF]  }
0x28: {  	s2 =	sld [smem:$0x3FB0]  }
0x29: {  	s4 =	sld [smem:$0x3FB2]  }
0x2a: {  	p0 =	seq.s32 s5, $0x0;
	s5 =	sld [smem:$0x3FB3]  }
0x2b: {  	s6 =	sld [smem:$0x3FB4]  }
0x2c: {  	s7 =	sld [smem:$0x3FB5]  }
0x2d: {  	s3 =	simm.s32 $0x108;
	s8 =	sld [smem:$0x3FB6]  }
0x2e: {  	s3 =	simm.s32 @!p0 $0x1082;
	s9 =	sld [smem:$0x3FB7]  }
0x2f: {  	lr =	sadd.s32 s0, s3;
	s0 =	sld [smem:$0x3FAE]  }
0x30: {  	s3 =	sld [smem:$0x3FB1]  }
0x31: {  	[smem:$0x3FBA] =	sst s10  }
0x32: {  	s10 =	sld [smem:$0x3FB8];
	_ =	sdelay $0x3  }
0x33: {  	p0 =	seq.s32 s10, $0x1;
	s10 =	sld [smem:$0x3FBA];
	_ =	sdelay $0x3  }
0x34: {  	[smem:$0x3FBA] =	sst s10  }
0x35: {  	s10 =	sld [smem:$0x3FB9];
	_ =	sdelay $0x3  }
0x36: {  	p1 =	seq.s32 s10, $0x1;
	s10 =	sld [smem:$0x3FBA];
	_ =	sdelay $0x3  }
0x37: {  	[smem:$0x3FBA] =	sst s10  }
0x38: {  	s10 =	sld [smem:$0x3FBB]  }
0x39: {  	_ = 	snop;
	(pc) =	sbr.ind lr, $3  }
0x3a: {  	_ = 	snop  }
0x3b: {  	_ = 	snop  }
0x3c: {  	p2 =	seq.s32 s10, $0x1;
	s10 =	sld [smem:$0x3FBA]  }
0x3d: {  	_ =	shalt  }
0x3e: {  	_ =	shalt  }
0x3f: {  	_ =	shalt  }
0x40: {  	_ =	shalt  }
0x41: {  	_ =	shalt  }
0x42: {  	_ =	shalt  }
0x43: {  	_ =	shalt  }
0x44: {  	_ =	shalt  }
0x45: {  	_ =	shalt  }
0x46: {  	_ =	shalt  }
0x47: {  	_ =	shalt  }
0x48: {  	_ =	shalt  }
0x49: {  	_ =	shalt  }
0x4a: {  	_ =	shalt  }
0x4b: {  	_ =	shalt  }
0x4c: {  	_ =	shalt  }
0x4d: {  	_ =	shalt  }
0x4e: {  	_ =	shalt  }
0x4f: {  	_ =	shalt  }
0x50: {  	_ =	shalt  }
0x51: {  	_ =	shalt  }
0x52: {  	_ =	shalt  }
0x53: {  	_ =	shalt  }
0x54: {  	_ =	shalt  }
0x55: {  	_ =	shalt  }
0x56: {  	_ =	shalt  }
0x57: {  	_ =	shalt  }
0x58: {  	_ =	shalt  }
0x59: {  	_ =	shalt  }
0x5a: {  	_ =	shalt  }
0x5b: {  	_ =	shalt  }
0x5c: {  	_ =	shalt  }
0x5d: {  	_ =	shalt  }
0x5e: {  	_ =	shalt  }
0x5f: {  	_ =	shalt  }
0x60: {  	_ =	shalt  }
0x61: {  	_ =	shalt  }
0x62: {  	_ =	shalt  }
0x63: {  	_ =	shalt  }
0x64: {  	_ =	shalt  }
0x65: {  	_ =	shalt  }
0x66: {  	_ =	shalt  }
0x67: {  	_ =	shalt  }
0x68: {  	_ =	shalt  }
0x69: {  	_ =	shalt  }
0x6a: {  	_ =	shalt  }
0x6b: {  	_ =	shalt  }
0x6c: {  	_ =	shalt  }
0x6d: {  	_ =	shalt  }
0x6e: {  	_ =	shalt  }
0x6f: {  	_ =	shalt  }
0x70: {  	_ =	shalt  }
0x71: {  	_ =	shalt  }
0x72: {  	_ =	shalt  }
0x73: {  	_ =	shalt  }
0x74: {  	_ =	shalt  }
0x75: {  	_ =	shalt  }
0x76: {  	_ =	shalt  }
0x77: {  	_ =	shalt  }
0x78: {  	_ =	shalt  }
0x79: {  	_ =	shalt  }
0x7a: {  	_ =	shalt  }
0x7b: {  	_ =	shalt  }
0x7c: {  	_ =	shalt  }
0x7d: {  	_ =	shalt  }
0x7e: {  	_ =	shalt  }
0x7f: {  	_ =	shalt  }
0x80: {  	_ =	shalt  }
0x81: {  	_ =	shalt  }
0x82: {  	_ =	shalt  }
0x83: {  	_ =	shalt  }
0x84: {  	_ =	shalt  }
0x85: {  	_ =	shalt  }
0x86: {  	_ =	shalt  }
0x87: {  	_ =	shalt  }
.Lfunc_end0:
.L_simem_size_0:
called_computation.1_lowered:
.L_overlay_start_0:
0x88: {  	s2 =	sld [smem:$0x3FD9]  }
0x89: {  	s3 =	sld [smem:$0x3FFE];
	_ =	sdelay $0x1  }
0x8a: {  	s1 =	srdreg.scid  }
0x8b: {  	s0 =	sand.u32 $0x1, s1  }
0x8c: {  	s16 =	sshll.u32 s0, $0xA;
	s2 =	sadd.s32 s3, s2  }
0x8d: {  	s2 =	sadd.s32 s2, s16  }
0x8e: {  	[smem:$0x3FC6] =	sst s2  }
0x8f: {  	_ = 	snop  }
0x90: {  	(tm) =	ssettm $0x1  }
0x91: {  	s17 =	sld [smem:$0x3FFB];
	_ =	sdelay $0x3  }
0x92: {  	_ =	strace s17  }
0x93: {  	s2 =	sld [smem:$0x3FFC];
	_ =	sdelay $0x3  }
0x94: {  	_ =	strace s2  }
0x95: {  	s2 =	sld [smem:$0x3FFD];
	_ =	sdelay $0x3  }
0x96: {  	_ =	strace s2  }
0x97: {  	_ =	strace $0x8FFFFFFF  }
0x98: {  	s18 =	sld [smem:$0x3FDB];
	_ =	sdelay $0x1  }
0x99: {  	s19 =	simm.s32 $_scs_section_size  }
0x9a: {  	s4 =	simm.s32 $_size__tile_overlayer_lowered;
	s5 =	simm.s32 $_tile_overlayer_lowered  }
0x9b: {  	s22 =	simm.s32 $0x1BFF;
	s21 =	sshll.u32 s5, $0x1;
	s2 =	sadd.s32 s19, s18  }
0x9c: {  	s6 =	simm.s32 $0x0;
	s20 =	sshll.u32 s4, $0x1;
	s4 =	sadd.s32 s21, s2  }
0x9d: {  	[timem:s6], [sflag:s22] =	dma.local [hbm:s4], s20  }
0x9e: {  	_ =	swait.ge [sflag:s22], s20  }
0x9f: {  	s3 =	ssub.s32 $0x0, s20;
	[sflag:s22] =	ssyncset.done $0x0  }
0xa0: {  	[sflag:s22] =	ssyncadd.s32 s3;
	_ =	sdelay $0x1  }
0xa1: {  	s23 =	simm.s32 $0x1B8B  }
0xa2: {  	_ =	swait.ge [sflag:s23], $0x1  }
0xa3: {  	[sflag:s23] =	ssyncset.done $0x0  }
0xa4: {  	s25 =	simm.s32 $0x1B8E;
	s24 =	sld [smem:$0x3FFE];
	[sflag:s23] =	ssyncadd.s32 $0xFFFFFFFF  }
0xa5: {  	s26 =	simm.s32 $execute0_lowered;
	[smem:$0x3FD2] =	sst s25  }
0xa6: {  	s4 =	sshll.u32 s26, $0x1;
	_ =	strace $0x80000046;
	[dreg:$0x1] =	wrdreg $0xFFFFFFFF  }
0xa7: {  	s28 =	simm.s32 $_size_execute0_lowered;
	s2 =	sadd.s32 s2, s4;
	[dreg:$0x0] =	wrdreg $0x0  }
0xa8: {  	s4 =	sshll.u32 s28, $0x1;
	[dreg:$0x2] =	wrdreg s2  }
0xa9: {  	[dreg:$0x3] =	wrdreg s4  }
0xaa: {  	[dreg:$0x4] =	wrdreg $0xC0  }
0xab: {  	_ =	task [dreg:s6], $0x5FFFF  }
0xac: {  	[dreg:$0x1] =	wrdreg $0xFFFFFFFF  }
0xad: {  	[dreg:$0x0] =	wrdreg $0x60  }
0xae: {  	[dreg:$0x2] =	wrdreg s24  }
0xaf: {  	[dreg:$0x3] =	wrdreg $0x0  }
0xb0: {  	[dreg:$0x4] =	wrdreg $0xA  }
0xb1: {  	_ =	task.clear_ibuf [dreg:s6], $0x5FFFF;
	_ =	strace $0x90000046  }
0xb2: {  	s29 =	simm.s32 $0xA;
	_ =	strace $0x80000048  }
0xb3: {  	_ =	swait.ge [sflag:s29], $0x1  }
0xb4: {  	[sflag:s29] =	ssyncadd.s32 $0xFFFFFFFF  }
0xb5: {  	_ =	strace $0x90000048  }
0xb6: {  	_ =	sfence  }
0xb7: {  	s30 =	sld [smem:$0x0];
	_ =	sdelay $0x2  }
0xb8: {  	s31 =	sshll.u32 s1, $0xD;
	s1 =	sshrl.u32 s1, $0x2  }
0xb9: {  	s3 =	sand.u32 $0x4000, s31;
	s1 =	sadd.s32 s1, s30  }
0xba: {  	s0 =	sor.u32 s3, s0;
	s1 =	sshll.u32 s1, $0x11  }
0xbb: {  	s0 =	sor.u32 s1, s0  }
0xbc: {  	s0 =	sadd.s32 $0x8F2B, s0  }
0xbd: {  	[sflag:s0] =	ssyncadd.remote.s32 $0x1  }
0xbe: {  	_ =	sfence.sel $0xFFFF  }
0xbf: {  	[dreg:$0x0] =	wrdreg $0xFFFFFFFF;
	(pc) =	sbr.abs _section_cstart, $3  }
0xc0: {  	[dreg:$0x1] =	wrdreg $0xFFFFFFFF  }
0xc1: {  	_ =	task.clear_ibuf [dreg:s6], $0x2FFFF;
	_ =	strace $0x9FFFFFFF  }
0xc2: {  	(tm) =	ssettm $0x7FFFFFFF  }
0xc3: {  	_ =	shalt  }
tec
execute0_lowered:
.L_overlay_start_1:
0x0: {  	(tag) =	ssettag $0x1  }
0x1: {  	s4 =	srdreg.scid  }
0x2: {  	s3 =	rddreg [dreg:$0x0];
	s4 =	sand.u32 $0x1, s4  }
0x3: {  	s1 =	rddreg [dreg:$0x1];
	s21 =	sadd.s32 $0x11000, s3;
	s5 =	sshll.u32 s4, $0xB  }
0x4: {  	s19 =	smul.u32 $0x138800, s4;
	s5 =	sadd.s32 s5, s3;
	s3 =	stileid.u32  }
0x5: {  	s0 =	rddreg [dreg:$0x2];
	s8 =	smul.u32 $0xA000, s3  }
0x6: {  	s2 =	simm.s32 $0x0;
	s13 =	sor.u32 $0x10, s3;
	s23 =	smul.u32 $0x2800, s3  }
0x7: {  	[smem:$0x7FF] =	sst s2;
	s14 =	sor.u32 $0x20, s3;
	s18 =	smul.u32 $0xA000, s13  }
0x8: {  	s6 =	ssub.s32 $0x2, s4;
	s15 =	sor.u32 $0x30, s3;
	s22 =	smul.u32 $0xA000, s14  }
0x9: {  	_ =	strace $0x80000047;
	s7 =	sshrl.u32 s6, $0x1;
	s9 =	smul.u32 $0xA000, s15  }
0xa: {  	s6 =	ssub.s32 s6, s7;
	s16 =	sshll.u32 s3, $0xC;
	s24 =	smul.u32 $0x2800, s13  }
0xb: {  	s5 =	sadd.s32 s16, s5;
	s16 =	sor.u32 $0x40, s3;
	s25 =	smul.u32 $0x2800, s14  }
0xc: {  	s28 =	smul.u32 $0x2800, s15;
	s4 =	sadd.s32 $0x1000, s5;
	s17 =	sshrl.u32 s8, $0x2  }
0xd: {  	s5 =	smax.u32 s6, $0x1;
	s10 =	smul.u32 $0xA000, s16;
	s23 =	sadd.s32 s19, s23  }
0xe: {  	s16 =	smul.u32 $0x2800, s16;
	s6 =	sadd.s32 s17, s1;
	s20 =	sshrl.u32 s18, $0x2  }
0xf: {  	s8 =	sshrl.u32 s22, $0x2;
	s17 =	sor.u32 $0x50, s3;
	s18 =	sor.u32 $0x60, s3  }
0x10: {  	s9 =	sshrl.u32 s9, $0x2;
	s22 =	sor.u32 $0x70, s3;
	s23 =	sshrl.u32 s23, $0x3  }
0x11: {  	s26 =	sadd.s32 s19, s24;
	s30 =	sadd.s32 s19, s25;
	s11 =	smul.u32 $0xA000, s17  }
0x12: {  	s25 =	sadd.s32 s19, s28;
	s24 =	simm.s32 $0x13880;
	s12 =	smul.u32 $0xA000, s18  }
0x13: {  	s7 =	sadd.s32 s20, s1;
	s8 =	sadd.s32 s8, s1;
	s20 =	smul.u32 $0xA000, s22  }
0x14: {  	s9 =	sadd.s32 s9, s1;
	s10 =	sshrl.u32 s10, $0x2;
	s31 =	smul.u32 $0x2800, s17  }
0x15: {  	s14 =	sadd.s32 s21, s23;
	s29 =	sshrl.u32 s26, $0x3;
	s26 =	smul.u32 $0x2800, s18  }
0x16: {  	s16 =	sadd.s32 s19, s16;
	s17 =	sshrl.u32 s25, $0x3;
	s25 =	smul.u32 $0x2800, s22  }
0x17: {  	p0 =	sgt.u32 s22, $0x7C;
	s22 =	simm.s32 $0x17880;
	s10 =	sadd.s32 s10, s1  }
0x18: {  	s15 =	sadd.s32 s21, s29;
	s28 =	sshrl.u32 s16, $0x3;
	s17 =	sadd.s32 s21, s17  }
0x19: {  	s11 =	sshrl.u32 s11, $0x2;
	s12 =	sshrl.u32 s12, $0x2;
	s20 =	sshrl.u32 s20, $0x2  }
0x1a: {  	s18 =	sadd.s32 s21, s28;
	s29 =	sadd.s32 s19, s31;
	s11 =	sadd.s32 s11, s1  }
0x1b: {  	s12 =	sadd.s32 s12, s1;
	s13 =	sadd.s32 s20, s1;
	s20 =	sshrl.u32 s30, $0x3  }
0x1c: {  	s30 =	sadd.s32 s19, s26;
	s19 =	sadd.s32 s19, s25;
	s25 =	simm.s32 $0x50  }
0x1d: {  	s26 =	simm.s32 $0x1;
	s16 =	sadd.s32 s21, s20;
	s20 =	sshrl.u32 s29, $0x3  }
0x1e: {  	s23 =	sshrl.u32 s30, $0x3;
	s31 =	sshrl.u32 s19, $0x3;
	s19 =	sadd.s32 s21, s20  }
0x1f: {  	v0 =	vimm.f32 $0.0e+00;
	v1 =	vimm.f32 $1.000000000e+00;
	s20 =	sadd.s32 s21, s23;
	s21 =	sadd.s32 s21, s31;
	s23 =	simm.s32 $0x2  }
.LBB2_1:
0x20: {  	s28 =	simm.s32 $0x0;
	s29 =	simm.s32 $0x200  }
.LBB2_2:
0x21: {  	p1 =	sne.s32 s29, $0x9E00;
	[tilespmem:s28+$0x178F0] =	vst v0  }
0x22: {  	[tilespmem:s28+$0x17880] =	vst v0  }
0x23: {  	[tilespmem:s28+$0x17890] =	vst v0  }
.Ltmp0:
0x24: {  	[tilespmem:s28+$0x178A0] =	vst v0;
	(pc) =	sbr.rel @p1 .LBB2_2-.Ltmp0, $4  }
0x25: {  	[tilespmem:s28+$0x178B0] =	vst v0  }
0x26: {  	[tilespmem:s28+$0x178C0] =	vst v0  }
0x27: {  	[tilespmem:s28+$0x178D0] =	vst v0  }
0x28: {  	[tilespmem:s28+$0x178E0] =	vst v0;
	s28 =	sshra.s32 s29, $0x2;
	s29 =	sadd.s32 $0x200, s29  }
0x29: {  	[tilespmem:s28+$0x178F0] =	vst v0  }
0x2a: {  	[tilespmem:s28+$0x17880] =	vst v0  }
0x2b: {  	[tilespmem:s28+$0x17890] =	vst v0  }
0x2c: {  	[tilespmem:s28+$0x178A0] =	vst v0  }
0x2d: {  	[tilespmem:s28+$0x178B0] =	vst v0  }
0x2e: {  	[tilespmem:s28+$0x178C0] =	vst v0  }
0x2f: {  	[tilespmem:s28+$0x178D0] =	vst v0  }
0x30: {  	[tilespmem:s28+$0x178E0] =	vst v0  }
0x31: {  	[spmem:s6] =	stream.linear.scatter [tilespmem:s22], [sflag:$0x2], $0x2800, $0x38;
	[tilespmem:$0x1A080] =	vst v63  }
0x32: {  	_ =	swait.ge [sflag:s23], $0x2800  }
0x33: {  	[sflag:s23] =	ssyncset.done $0x0  }
0x34: {  	[sflag:s23] =	ssyncadd.s32 $0xFFFFD800  }
0x35: {  	[spmem:s7] =	stream.linear.scatter [tilespmem:s22], [sflag:$0x2], $0x2800, $0x38;
	[tilespmem:$0x1A080] =	vst v63  }
0x36: {  	_ =	swait.ge [sflag:s23], $0x2800  }
0x37: {  	[sflag:s23] =	ssyncset.done $0x0  }
0x38: {  	[sflag:s23] =	ssyncadd.s32 $0xFFFFD800  }
0x39: {  	[spmem:s8] =	stream.linear.scatter [tilespmem:s22], [sflag:$0x2], $0x2800, $0x38;
	[tilespmem:$0x1A080] =	vst v63  }
0x3a: {  	_ =	swait.ge [sflag:s23], $0x2800  }
0x3b: {  	[sflag:s23] =	ssyncset.done $0x0  }
0x3c: {  	[sflag:s23] =	ssyncadd.s32 $0xFFFFD800  }
0x3d: {  	[spmem:s9] =	stream.linear.scatter [tilespmem:s22], [sflag:$0x2], $0x2800, $0x38;
	[tilespmem:$0x1A080] =	vst v63  }
0x3e: {  	_ =	swait.ge [sflag:s23], $0x2800  }
0x3f: {  	[sflag:s23] =	ssyncset.done $0x0  }
0x40: {  	[sflag:s23] =	ssyncadd.s32 $0xFFFFD800  }
0x41: {  	[spmem:s10] =	stream.linear.scatter [tilespmem:s22], [sflag:$0x2], $0x2800, $0x38;
	[tilespmem:$0x1A080] =	vst v63  }
0x42: {  	_ =	swait.ge [sflag:s23], $0x2800  }
0x43: {  	[sflag:s23] =	ssyncset.done $0x0  }
0x44: {  	[sflag:s23] =	ssyncadd.s32 $0xFFFFD800  }
0x45: {  	[spmem:s11] =	stream.linear.scatter [tilespmem:s22], [sflag:$0x2], $0x2800, $0x38;
	[tilespmem:$0x1A080] =	vst v63  }
0x46: {  	_ =	swait.ge [sflag:s23], $0x2800  }
0x47: {  	[sflag:s23] =	ssyncset.done $0x0  }
0x48: {  	[sflag:s23] =	ssyncadd.s32 $0xFFFFD800  }
0x49: {  	[spmem:s12] =	stream.linear.scatter [tilespmem:s22], [sflag:$0x2], $0x2800, $0x38;
	[tilespmem:$0x1A080] =	vst v63  }
0x4a: {  	_ =	swait.ge [sflag:s23], $0x2800  }
0x4b: {  	[sflag:s23] =	ssyncset.done $0x0  }
0x4c: {  	s28 =	simm.s32 @!p0 $0x17880;
	[sflag:s23] =	ssyncadd.s32 $0xFFFFD800  }
0x4d: {  	[spmem:s13] =	stream.linear.scatter @!p0 [tilespmem:s28], [sflag:$0x2], $0x2800, $0x38;
	[tilespmem:$0x1A080] =	vst v63  }
0x4e: {  	s28 =	simm.s32 @!p0 $0x2  }
0x4f: {  	_ =	swait.ge @!p0 [sflag:s28], $0x2800  }
0x50: {  	[sflag:s28] =	ssyncset.done @!p0 $0x0  }
0x51: {  	[sflag:s28] =	ssyncadd.s32 @!p0 $0xFFFFD800  }
0x52: {  	s28 =	simm.s32 $0x0;
	[bflag:$0x0] =	sbarrier.arrive $0xFFFF  }
0x53: {  	[tilespmem:s24], [sflag:$0x2] =	stream.linear.gather [hbm4b:s4+s28], $0x3E80, $0x38;
	[tilespmem:$0x1A080] =	vst v63  }
0x54: {  	_ =	swait.ge [sflag:s23], $0x3E80  }
0x55: {  	[sflag:s23] =	ssyncset.done $0x0  }
0x56: {  	s29 =	simm.s32 $0x0;
	s30 =	simm.s32 $0x200;
	[sflag:s23] =	ssyncadd.s32 $0xFFFFC180  }
.LBB2_4:
0x57: {  	p1 =	sne.s32 s30, $0x9E00;
	[tilespmem:s29+$0x178F0] =	vst v1  }
0x58: {  	[tilespmem:s29+$0x17880] =	vst v1  }
0x59: {  	[tilespmem:s29+$0x17890] =	vst v1  }
.Ltmp1:
0x5a: {  	[tilespmem:s29+$0x178A0] =	vst v1;
	(pc) =	sbr.rel @p1 .LBB2_4-.Ltmp1, $4  }
0x5b: {  	[tilespmem:s29+$0x178B0] =	vst v1  }
0x5c: {  	[tilespmem:s29+$0x178C0] =	vst v1  }
0x5d: {  	[tilespmem:s29+$0x178D0] =	vst v1  }
0x5e: {  	[tilespmem:s29+$0x178E0] =	vst v1;
	s29 =	sshra.s32 s30, $0x2;
	s30 =	sadd.s32 $0x200, s30  }
0x5f: {  	[tilespmem:s29+$0x178F0] =	vst v1  }
0x60: {  	[tilespmem:s29+$0x17880] =	vst v1  }
0x61: {  	[tilespmem:s29+$0x17890] =	vst v1  }
0x62: {  	[tilespmem:s29+$0x178A0] =	vst v1  }
0x63: {  	[tilespmem:s29+$0x178B0] =	vst v1  }
0x64: {  	[tilespmem:s29+$0x178C0] =	vst v1  }
0x65: {  	[tilespmem:s29+$0x178D0] =	vst v1  }
0x66: {  	[tilespmem:s29+$0x178E0] =	vst v1  }
.LBB2_6:
0x67: {  	p1 =	sne.s32 s28, $0xF800  }
.Ltmp2:
0x68: {  	_ = 	snop;
	(pc) =	sbr.rel @p1 .LBB2_6-.Ltmp2, $4  }
0x69: {  	_ = 	snop  }
0x6a: {  	s29 =	sshra.s32 s28, $0x2  }
0x6b: {  	s28 =	sadd.s32 $0x200, s28;
	s29 =	sadd.s32 $0x13880, s29  }
0x6c: {  	[spmem:s1] =	stream.indirect.scatter.add.f32 [tilespmem:s22], [sflag:$0x1], $0x80, s29, s25, $0xb8;
	[tilespmem:$0x1A080] =	vst v63  }
0x6d: {  	_ =	swait.ge [sflag:s26], $0x2800  }
0x6e: {  	s28 =	simm.s32 $0x7C;
	[sflag:s26] =	ssyncset.done $0x0  }
.LBB2_8:
0x6f: {  	p1 =	sne.s32 s28, $0x1;
	s28 =	sadd.s32 $0xFFFFFFFF, s28;
	[sflag:s26] =	ssyncadd.s32 $0xFFFFD800  }
.Ltmp3:
0x70: {  	(pc) =	sbr.rel @p1 .LBB2_8-.Ltmp3, $3  }
0x71: {  	_ =	sdelay $0x1  }
0x72: {  	_ =	swait.ge [sflag:s26], $0x2800  }
0x73: {  	[sflag:s26] =	ssyncset.done $0x0  }
0x74: {  	[sflag:s26] =	ssyncadd.s32 $0xFFFFD800;
	s28 =	sshll.u32 s3, $0x6  }
0x75: {  	s29 =	sshrl.u32 s6, $0x3;
	[bflag:$0x0] =	sbarrier.arrive $0xFFFF;
	s28 =	sor.u32 $0x1C02, s28  }
0x76: {  	[hbm:s14], [sflag:s28] =	dma.local [spmem:s29], $0x500  }
0x77: {  	_ =	swait.ge [sflag:s23], $0x500  }
0x78: {  	[sflag:s23] =	ssyncset.done $0x0  }
0x79: {  	s30 =	sshrl.u32 s7, $0x3;
	[sflag:s23] =	ssyncadd.s32 $0xFFFFFB00  }
0x7a: {  	[hbm:s15], [sflag:s28] =	dma.local [spmem:s30], $0x500  }
0x7b: {  	_ =	swait.ge [sflag:s23], $0x500  }
0x7c: {  	[sflag:s23] =	ssyncset.done $0x0  }
0x7d: {  	s31 =	sshrl.u32 s8, $0x3;
	[sflag:s23] =	ssyncadd.s32 $0xFFFFFB00  }
0x7e: {  	[hbm:s16], [sflag:s28] =	dma.local [spmem:s31], $0x500  }
0x7f: {  	_ =	swait.ge [sflag:s23], $0x500  }
0x80: {  	[sflag:s23] =	ssyncset.done $0x0  }
0x81: {  	s30 =	sshrl.u32 s9, $0x3;
	[sflag:s23] =	ssyncadd.s32 $0xFFFFFB00  }
0x82: {  	[hbm:s17], [sflag:s28] =	dma.local [spmem:s30], $0x500  }
0x83: {  	_ =	swait.ge [sflag:s23], $0x500  }
0x84: {  	[sflag:s23] =	ssyncset.done $0x0  }
0x85: {  	s31 =	sshrl.u32 s10, $0x3;
	[sflag:s23] =	ssyncadd.s32 $0xFFFFFB00  }
0x86: {  	[hbm:s18], [sflag:s28] =	dma.local [spmem:s31], $0x500  }
0x87: {  	_ =	swait.ge [sflag:s23], $0x500  }
0x88: {  	[sflag:s23] =	ssyncset.done $0x0  }
0x89: {  	s30 =	sshrl.u32 s11, $0x3;
	[sflag:s23] =	ssyncadd.s32 $0xFFFFFB00  }
0x8a: {  	[hbm:s19], [sflag:s28] =	dma.local [spmem:s30], $0x500  }
0x8b: {  	_ =	swait.ge [sflag:s23], $0x500  }
0x8c: {  	[sflag:s23] =	ssyncset.done $0x0  }
0x8d: {  	s31 =	sshrl.u32 s12, $0x3;
	[sflag:s23] =	ssyncadd.s32 $0xFFFFFB00  }
0x8e: {  	[hbm:s20], [sflag:s28] =	dma.local [spmem:s31], $0x500  }
0x8f: {  	_ =	swait.ge [sflag:s23], $0x500  }
0x90: {  	s2 =	sadd.s32 $0x1, s2;
	[sflag:s23] =	ssyncset.done $0x0  }
0x91: {  	p1 =	sne.s32 s2, s5;
	s29 =	sshrl.u32 @!p0 s13, $0x3;
	[sflag:s23] =	ssyncadd.s32 $0xFFFFFB00  }
0x92: {  	[hbm:s21], [sflag:s28] =	dma.local @!p0 [spmem:s29], $0x500  }
.Ltmp4:
0x93: {  	_ = 	snop;
	(pc) =	sbr.rel @p1 .LBB2_1-.Ltmp4, $4  }
0x94: {  	s28 =	simm.s32 @!p0 $0x2  }
0x95: {  	_ =	swait.ge @!p0 [sflag:s28], $0x500  }
0x96: {  	[sflag:s28] =	ssyncset.done @!p0 $0x0  }
0x97: {  	[sflag:s28] =	ssyncadd.s32 @!p0 $0xFFFFFB00  }
0x98: {  	_ =	sfence.sel $0x180000  }
0x99: {  	[bflag:$0x0] =	sbarrier.arrive $0xFFFF  }
0x9a: {  	p0 =	sne.s32 s3, $0x0;
	_ =	strace $0x90000047  }
0x9b: {  	s0 =	sadd.s32 @!p0 $0x100000, s0;
	[bflag:$0x2] =	sbarrier.arrive $0xFFFF  }
0x9c: {  	[sflag:s0] =	ssyncadd.tile.s32 @!p0 $0x1;
	_ =	shalt  }
.Lfunc_end2:
_tile_overlayer_lowered:
.L_overlay_start_2:
0x9d: {  	(tag) =	ssettag $0x2  }
0x9e: {  	s0 =	rddreg [dreg:$0x0];
	s2 =	stileid.u32  }
0x9f: {  	s1 =	rddreg [dreg:$0x1];
	p0 =	sne.s32 s2, $0x0  }
0xa0: {  	s3 =	rddreg [dreg:$0x2];
	[bflag:$0x3] =	sbarrier.arrive $0xFFFF;
	s2 =	simm.s32 @!p0 $0x1C02  }
0xa1: {  	[timem:s3], [sflag:s2] =	dma.local @!p0 [hbm:s0], s1  }
0xa2: {  	s0 =	simm.s32 @!p0 $0x2  }
0xa3: {  	_ =	swait.ge @!p0 [sflag:s0], s1  }
0xa4: {  	s1 =	ssub.s32 @!p0 $0x0, s1;
	[sflag:s0] =	ssyncset.done @!p0 $0x0  }
0xa5: {  	[sflag:s0] =	ssyncadd.s32 @!p0 s1  }
0xa6: {  	[bflag:$0x3] =	sbarrier.arrive $0xFFFF  }
0xa7: {  	_ =	shalt  }

</sc_bundles>
